<compile_context>
chip_gen: v7x
topology: tpu7x:2x2x1
jax: 0.10.2.dev20260603
libtpu: 0.0.44.dev20260713+nightly
codegen_flags: <defaults>
</compile_context>

<pallas_src>
import functools

import jax
import jax.numpy as jnp
from jax import lax
from jax.experimental import pallas as pl
from jax.experimental.pallas import tpu as pltpu
from jax.experimental.pallas import tpu_sc as plsc

N_NODES = 10000
N_EDGES = 320000
NC = 2
NS = 16
NW = NC * NS
B = 128
NB = 80
EPT = NB * B
ACC_ROWS = 10240
RPT = ACC_ROWS // NS

DEGW = 8
ROWS_BLK = 1000
GRID = N_NODES // ROWS_BLK


def _sc_mesh():
    return plsc.VectorSubcoreMesh(core_axis_name="c", subcore_axis_name="s")


@functools.partial(
    pl.kernel,
    out_type=jax.ShapeDtypeStruct((NC, ACC_ROWS, DEGW), jnp.float32),
    mesh=_sc_mesh(),
    compiler_params=pltpu.CompilerParams(use_tc_tiling_on_sc=False),
    scratch_types=[
        pltpu.VMEM((NB, B), jnp.int32),
        pltpu.VMEM((B, DEGW), jnp.float32),
        pltpu.VMEM_SHARED((ACC_ROWS, DEGW), jnp.float32),
    ],
)
def _deg_kernel(dst_hbm, ones_hbm, zeros_hbm, out_hbm, dst_v, ones_v, acc):
    cid = lax.axis_index("c")
    sid = lax.axis_index("s")
    wid = sid * NC + cid
    pltpu.sync_copy(zeros_hbm, acc.at[pl.ds(sid * RPT, RPT)])
    pltpu.sync_copy(dst_hbm.at[pl.ds(wid * NB, NB)], dst_v)
    pltpu.sync_copy(ones_hbm, ones_v)
    plsc.subcore_barrier()

    def body(g, carry):
        pltpu.sync_copy(ones_v, acc.at[dst_v.at[g]], add=True)
        return carry

    lax.fori_loop(0, NB, body, 0)
    plsc.subcore_barrier()
    pltpu.sync_copy(acc.at[pl.ds(sid * RPT, RPT)],
                    out_hbm.at[cid, pl.ds(sid * RPT, RPT)])


def _make_agg_kernel(F, NB0, NB1):

    @functools.partial(
        pl.kernel,
        out_type=jax.ShapeDtypeStruct((NC, ACC_ROWS, F), jnp.bfloat16),
        mesh=_sc_mesh(),
        compiler_params=pltpu.CompilerParams(use_tc_tiling_on_sc=False),
        scratch_types=[
            pltpu.VMEM((NB0, B), jnp.int32),
            pltpu.VMEM((NB0, B), jnp.int32),
            pltpu.VMEM((B, F), jnp.bfloat16),
            pltpu.VMEM((B, F), jnp.bfloat16),
            pltpu.VMEM_SHARED((ACC_ROWS, F), jnp.bfloat16),
            pltpu.SemaphoreType.DMA,
            pltpu.SemaphoreType.DMA,
            pltpu.SemaphoreType.DMA,
            pltpu.SemaphoreType.DMA,
        ],
    )
    def agg_kernel(h_hbm, src_hbm, dst_hbm, zeros_hbm, out_hbm,
                   src_v, dst_v, rows0, rows1, acc,
                   gsem0, gsem1, ssem0, ssem1):
        cid = lax.axis_index("c")
        sid = lax.axis_index("s")
        pltpu.sync_copy(zeros_hbm, acc.at[pl.ds(sid * RPT, RPT)])
        plsc.subcore_barrier()

        def start_gather(g, buf, sem):
            pltpu.async_copy(h_hbm.at[src_v.at[g]], buf, sem)

        def wait_gather(buf, sem):
            pltpu.make_async_copy(h_hbm.at[pl.ds(0, B)], buf, sem).wait()

        def start_scatter(g, buf, sem):
            return pltpu.async_copy(buf, acc.at[dst_v.at[g]], sem, add=True)

        def run(off, nb):
            pltpu.sync_copy(src_hbm.at[pl.ds(off, nb)],
                            src_v.at[pl.ds(0, nb)])
            pltpu.sync_copy(dst_hbm.at[pl.ds(off, nb)],
                            dst_v.at[pl.ds(0, nb)])
            start_gather(0, rows0, gsem0)
            start_gather(1, rows1, gsem1)

            def body(i, carry):
                g = i * 2
                wait_gather(rows0, gsem0)
                d0 = start_scatter(g, rows0, ssem0)
                wait_gather(rows1, gsem1)
                d1 = start_scatter(g + 1, rows1, ssem1)
                d0.wait()
                start_gather(g + 2, rows0, gsem0)
                d1.wait()
                start_gather(g + 3, rows1, gsem1)
                return carry

            lax.fori_loop(0, nb // 2 - 1, body, 0)
            wait_gather(rows0, gsem0)
            pltpu.sync_copy(rows0, acc.at[dst_v.at[nb - 2]], add=True)
            wait_gather(rows1, gsem1)
            pltpu.sync_copy(rows1, acc.at[dst_v.at[nb - 1]], add=True)

        @pl.when(cid == 0)
        def _():
            run(sid * NB0, NB0)

        @pl.when(cid != 0)
        def _():
            run(NS * NB0 + sid * NB1, NB1)

        plsc.subcore_barrier()
        pltpu.sync_copy(acc.at[pl.ds(sid * RPT, RPT)],
                        out_hbm.at[cid, pl.ds(sid * RPT, RPT)])

    return agg_kernel


_agg_128 = _make_agg_kernel(128, 134, 26)
_agg_64 = _make_agg_kernel(64, 104, 56)
_agg_48 = _make_agg_kernel(48, 102, 58)


def _dinv_of(degp_ref):
    deg = degp_ref[0, :, 0:1] + degp_ref[1, :, 0:1] + 1.0
    return lax.rsqrt(deg)


def _l1_body(x_ref, w_ref, degp_ref, o_ref):
    dinv = _dinv_of(degp_ref)
    h = jnp.dot(x_ref[...], w_ref[...], preferred_element_type=jnp.float32)
    o_ref[...] = (h * dinv).astype(jnp.bfloat16)


def _tc_layer1(x, W1, degp):
    return pl.pallas_call(
        _l1_body,
        grid=(GRID,),
        in_specs=[
            pl.BlockSpec((ROWS_BLK, 128), lambda i: (i, 0)),
            pl.BlockSpec((128, 128), lambda i: (0, 0)),
            pl.BlockSpec((NC, ROWS_BLK, DEGW), lambda i: (0, i, 0)),
        ],
        out_specs=pl.BlockSpec((ROWS_BLK, 128), lambda i: (i, 0)),
        out_shape=jax.ShapeDtypeStruct((N_NODES, 128), jnp.bfloat16),
    )(x, W1, degp)


def _mid_body(part_ref, hp_ref, degp_ref, b_ref, w_ref, o_ref):
    dinv = _dinv_of(degp_ref)
    agg = (part_ref[0].astype(jnp.float32) + part_ref[1].astype(jnp.float32)
           + hp_ref[...].astype(jnp.float32))
    y = jnp.maximum(agg * dinv + b_ref[...], 0.0)
    o_ref[...] = (jnp.dot(y, w_ref[...], preferred_element_type=jnp.float32)
                  * dinv).astype(jnp.bfloat16)


def _tc_mid(part, hp, degp, b, Wn):
    F = hp.shape[1]
    Fn = Wn.shape[1]
    return pl.pallas_call(
        _mid_body,
        grid=(GRID,),
        in_specs=[
            pl.BlockSpec((NC, ROWS_BLK, F), lambda i: (0, i, 0)),
            pl.BlockSpec((ROWS_BLK, F), lambda i: (i, 0)),
            pl.BlockSpec((NC, ROWS_BLK, DEGW), lambda i: (0, i, 0)),
            pl.BlockSpec((1, F), lambda i: (0, 0)),
            pl.BlockSpec((F, Fn), lambda i: (0, 0)),
        ],
        out_specs=pl.BlockSpec((ROWS_BLK, Fn), lambda i: (i, 0)),
        out_shape=jax.ShapeDtypeStruct((N_NODES, Fn), jnp.bfloat16),
    )(part, hp, degp, b, Wn)


def _fin_body(part_ref, hp_ref, degp_ref, b_ref, o_ref):
    dinv = _dinv_of(degp_ref)
    agg = (part_ref[0].astype(jnp.float32) + part_ref[1].astype(jnp.float32)
           + hp_ref[...].astype(jnp.float32))
    y = (agg * dinv + b_ref[...])[:, :40]
    m = jnp.max(y, axis=1, keepdims=True)
    z = y - m
    o_ref[...] = z - jnp.log(jnp.sum(jnp.exp(z), axis=1, keepdims=True))


def _tc_final(part, hp, degp, b):
    F = hp.shape[1]
    return pl.pallas_call(
        _fin_body,
        grid=(GRID,),
        in_specs=[
            pl.BlockSpec((NC, ROWS_BLK, F), lambda i: (0, i, 0)),
            pl.BlockSpec((ROWS_BLK, F), lambda i: (i, 0)),
            pl.BlockSpec((NC, ROWS_BLK, DEGW), lambda i: (0, i, 0)),
            pl.BlockSpec((1, F), lambda i: (0, 0)),
        ],
        out_specs=pl.BlockSpec((ROWS_BLK, 40), lambda i: (i, 0)),
        out_shape=jax.ShapeDtypeStruct((N_NODES, 40), jnp.float32),
    )(part, hp, degp, b)


def kernel(x, edge_index, W1, b1, W2, b2, W3, b3):
    src = edge_index[0].astype(jnp.int32)
    dst = edge_index[1].astype(jnp.int32)
    pad = NW * EPT - N_EDGES
    src_p = jnp.concatenate(
        [src, jnp.zeros((pad,), jnp.int32)]).reshape(NW * NB, B)
    dst_p = jnp.concatenate(
        [dst, jnp.full((pad,), ACC_ROWS - 1, jnp.int32)]).reshape(NW * NB, B)

    ones_b = jnp.ones((B, DEGW), jnp.float32)
    degp = _deg_kernel(dst_p, ones_b, jnp.zeros((RPT, DEGW), jnp.float32))

    W3p = jnp.pad(W3, ((0, 0), (0, 8)))
    b3p = jnp.pad(b3, (0, 8))

    h1p = _tc_layer1(x, W1, degp)
    p1 = _agg_128(h1p, src_p, dst_p, jnp.zeros((RPT, 128), jnp.bfloat16))
    h2p = _tc_mid(p1, h1p, degp, b1.reshape(1, -1), W2)
    p2 = _agg_64(h2p, src_p, dst_p, jnp.zeros((RPT, 64), jnp.bfloat16))
    h3p = _tc_mid(p2, h2p, degp, b2.reshape(1, -1), W3p)
    p3 = _agg_48(h3p, src_p, dst_p, jnp.zeros((RPT, 48), jnp.bfloat16))
    return _tc_final(p3, h3p, degp, b3p.reshape(1, -1))

# --- scband reference (transcript-rebuilt; emitter-appended) ---
"""Pipeline reference for scband-gcn-4320737100749 (READ-ONLY COPY).

The authoritative reference and input builder live on the scoring server;
editing this copy changes nothing except your own understanding.
"""

import jax, jax.numpy as jnp
import numpy as np

N_NODES = 10000


def gcn_conv(x, edge_index, W, b):
    n = x.shape[0]
    src = edge_index[0]
    dst = edge_index[1]
    # add self-loops (PyG GCNConv default add_self_loops=True)
    loop = jnp.arange(n, dtype=edge_index.dtype)
    src = jnp.concatenate([src, loop])
    dst = jnp.concatenate([dst, loop])
    # symmetric normalization deg^-1/2 (based on dst in-degree, PyG convention)
    deg = jnp.zeros((n,), dtype=x.dtype).at[dst].add(1.0)
    dinv = jnp.where(deg > 0, deg ** -0.5, 0.0)
    norm = dinv[src] * dinv[dst]
    h = x @ W
    msg = h[src] * norm[:, None]
    out = jnp.zeros((n, W.shape[1]), dtype=x.dtype).at[dst].add(msg)
    return out + b


def setup_inputs(seed: int = 0) -> dict:
    key = jax.random.key(seed)
    k = jax.random.split(key, 8)
    x = jax.random.normal(k[0], (N_NODES, 128), dtype=jnp.float32)
    edge_index = jax.random.randint(k[1], (2, 320000), 0, N_NODES, dtype=jnp.int64)
    W1 = jax.random.normal(k[2], (128, 128), dtype=jnp.float32) * (1.0 / np.sqrt(128))
    b1 = jnp.zeros((128,), dtype=jnp.float32)
    W2 = jax.random.normal(k[3], (128, 64), dtype=jnp.float32) * (1.0 / np.sqrt(128))
    b2 = jnp.zeros((64,), dtype=jnp.float32)
    W3 = jax.random.normal(k[4], (64, 40), dtype=jnp.float32) * (1.0 / np.sqrt(64))
    b3 = jnp.zeros((40,), dtype=jnp.float32)
    return {"x": x, "edge_index": edge_index, "W1": W1, "b1": b1, "W2": W2, "b2": b2, "W3": W3, "b3": b3}


def reference(x, edge_index, W1, b1, W2, b2, W3, b3):
    # eval mode: dropout is identity
    h = jax.nn.relu(gcn_conv(x, edge_index, W1, b1))
    h = jax.nn.relu(gcn_conv(h, edge_index, W2, b2))
    h = gcn_conv(h, edge_index, W3, b3)
    return jax.nn.log_softmax(h, axis=1)

if __name__ == "__main__":
    import jax
    _d = setup_inputs()
    print(jax.jit(kernel)(*tuple(_d.values())))

</pallas_src>

<mosaic_0001>
#map = affine_map<(d0, d1) -> (0, 0)>
#map1 = affine_map<(d0, d1) -> (0, 0, 0)>
module attributes {stable_mosaic.version = 14 : i64} {
  func.func @agg_kernel(%arg0: i32, %arg1: i32, %arg2: memref<10000x48xbf16, #tpu.memory_space<hbm>>, %arg3: memref<2560x128xi32, #tpu.memory_space<hbm>>, %arg4: memref<2560x128xi32, #tpu.memory_space<hbm>>, %arg5: memref<640x48xbf16, #tpu.memory_space<hbm>>, %arg6: memref<2x10240x48xbf16, #tpu.memory_space<hbm>>, %arg7: memref<102x128xi32, #tpu.memory_space<vmem>>, %arg8: memref<102x128xi32, #tpu.memory_space<vmem>>, %arg9: memref<128x48xbf16, #tpu.memory_space<vmem>>, %arg10: memref<128x48xbf16, #tpu.memory_space<vmem>>, %arg11: memref<10240x48xbf16, #tpu.memory_space<vmem_shared>>, %arg12: memref<!tpu.dma_semaphore, #tpu.memory_space<semaphore_mem>>, %arg13: memref<!tpu.dma_semaphore, #tpu.memory_space<semaphore_mem>>, %arg14: memref<!tpu.dma_semaphore, #tpu.memory_space<semaphore_mem>>, %arg15: memref<!tpu.dma_semaphore, #tpu.memory_space<semaphore_mem>>) attributes {dimension_semantics = [#tpu.dimension_semantics<core_parallel>, #tpu.dimension_semantics<subcore_parallel>], iteration_bounds = array<i64: 2, 16>, scalar_prefetch = 0 : i64, scratch_operands = 9 : i64, tpu.core_type = #tpu.core_type<sc_vector_subcore>, window_params = [{transform_indices = #map}, {transform_indices = #map}, {transform_indices = #map}, {transform_indices = #map}, {transform_indices = #map1}]} {
    %mul3A = arith.constant 640 : i32
    %mul3A_0 = arith.muli %arg1, %mul3A : i32
    "tpu.region"() ({
      %run_scoped3A = tpu.sem_alloc : memref<!tpu.dma_semaphore, #tpu.memory_space<semaphore_mem>>
      %dma_start3A = arith.constant 0 : i32
      %dma_start3A_12 = tpu.memref_slice %arg11[%mul3A_0, %dma_start3A] : memref<10240x48xbf16, #tpu.memory_space<vmem_shared>> -> memref<640x48xbf16, #tpu.memory_space<vmem_shared>>
      tpu.enqueue_dma source(%arg5 : memref<640x48xbf16, #tpu.memory_space<hbm>>) target(%dma_start3A_12 : memref<640x48xbf16, #tpu.memory_space<vmem_shared>>) target_semaphore(%run_scoped3A : memref<!tpu.dma_semaphore, #tpu.memory_space<semaphore_mem>>)
      %dma_wait3A = arith.constant 0 : i32
      %dma_wait3A_13 = tpu.memref_slice %arg11[%mul3A_0, %dma_wait3A] : memref<10240x48xbf16, #tpu.memory_space<vmem_shared>> -> memref<640x48xbf16, #tpu.memory_space<vmem_shared>>
      tpu.wait_dma2 semaphore(%run_scoped3A : memref<!tpu.dma_semaphore, #tpu.memory_space<semaphore_mem>>) src(%arg5 : memref<640x48xbf16, #tpu.memory_space<hbm>>) dst(%dma_wait3A_13 : memref<640x48xbf16, #tpu.memory_space<vmem_shared>>)
      tpu.yield
    }) : () -> ()
    %barrier3A = arith.constant 0 : index
    tpu.barrier barrier_id(%barrier3A)
    %eq3A = arith.constant 0 : i32
    %eq3A_1 = arith.cmpi eq, %arg0, %eq3A : i32
    %convert_element_type3A = arith.extui %eq3A_1 : i1 to i32
    %cond3A = arith.constant 0 : i32
    %cond3A_2 = arith.cmpi ne, %convert_element_type3A, %cond3A : i32
    scf.if %cond3A_2 {
      %mul3A_12 = arith.constant 102 : i32
      %mul3A_13 = arith.muli %arg1, %mul3A_12 : i32
      "tpu.region"() ({
        %run_scoped3A_44 = tpu.sem_alloc : memref<!tpu.dma_semaphore, #tpu.memory_space<semaphore_mem>>
        %dma_start3A_45 = arith.constant 0 : i32
        %dma_start3A_46 = arith.constant 0 : i32
        %dma_start3A_47 = tpu.memref_slice %arg7[%dma_start3A_45, %dma_start3A_46] : memref<102x128xi32, #tpu.memory_space<vmem>> -> memref<102x128xi32, #tpu.memory_space<vmem>>
        %dma_start3A_48 = arith.constant 0 : i32
        %dma_start3A_49 = tpu.memref_slice %arg3[%mul3A_13, %dma_start3A_48] : memref<2560x128xi32, #tpu.memory_space<hbm>> -> memref<102x128xi32, #tpu.memory_space<hbm>>
        %dma_start3A_50 = arith.constant 0 : i32
        %dma_start3A_51 = arith.constant 0 : i32
        %dma_start3A_52 = tpu.memref_slice %arg7[%dma_start3A_50, %dma_start3A_51] : memref<102x128xi32, #tpu.memory_space<vmem>> -> memref<102x128xi32, #tpu.memory_space<vmem>>
        %dma_start3A_53 = arith.constant 0 : i32
        %dma_start3A_54 = tpu.memref_slice %arg3[%mul3A_13, %dma_start3A_53] : memref<2560x128xi32, #tpu.memory_space<hbm>> -> memref<102x128xi32, #tpu.memory_space<hbm>>
        tpu.enqueue_dma source(%dma_start3A_54 : memref<102x128xi32, #tpu.memory_space<hbm>>) target(%dma_start3A_52 : memref<102x128xi32, #tpu.memory_space<vmem>>) target_semaphore(%run_scoped3A_44 : memref<!tpu.dma_semaphore, #tpu.memory_space<semaphore_mem>>)
        %dma_wait3A_55 = arith.constant 0 : i32
        %dma_wait3A_56 = arith.constant 0 : i32
        %dma_wait3A_57 = tpu.memref_slice %arg7[%dma_wait3A_55, %dma_wait3A_56] : memref<102x128xi32, #tpu.memory_space<vmem>> -> memref<102x128xi32, #tpu.memory_space<vmem>>
        %dma_wait3A_58 = arith.constant 0 : i32
        %dma_wait3A_59 = tpu.memref_slice %arg3[%mul3A_13, %dma_wait3A_58] : memref<2560x128xi32, #tpu.memory_space<hbm>> -> memref<102x128xi32, #tpu.memory_space<hbm>>
        %dma_wait3A_60 = arith.constant 0 : i32
        %dma_wait3A_61 = arith.constant 0 : i32
        %dma_wait3A_62 = tpu.memref_slice %arg7[%dma_wait3A_60, %dma_wait3A_61] : memref<102x128xi32, #tpu.memory_space<vmem>> -> memref<102x128xi32, #tpu.memory_space<vmem>>
        %dma_wait3A_63 = arith.constant 0 : i32
        %dma_wait3A_64 = tpu.memref_slice %arg3[%mul3A_13, %dma_wait3A_63] : memref<2560x128xi32, #tpu.memory_space<hbm>> -> memref<102x128xi32, #tpu.memory_space<hbm>>
        tpu.wait_dma2 semaphore(%run_scoped3A_44 : memref<!tpu.dma_semaphore, #tpu.memory_space<semaphore_mem>>) src(%dma_wait3A_64 : memref<102x128xi32, #tpu.memory_space<hbm>>) dst(%dma_wait3A_62 : memref<102x128xi32, #tpu.memory_space<vmem>>)
        tpu.yield
      }) : () -> ()
      "tpu.region"() ({
        %run_scoped3A_44 = tpu.sem_alloc : memref<!tpu.dma_semaphore, #tpu.memory_space<semaphore_mem>>
        %dma_start3A_45 = arith.constant 0 : i32
        %dma_start3A_46 = arith.constant 0 : i32
        %dma_start3A_47 = tpu.memref_slice %arg8[%dma_start3A_45, %dma_start3A_46] : memref<102x128xi32, #tpu.memory_space<vmem>> -> memref<102x128xi32, #tpu.memory_space<vmem>>
        %dma_start3A_48 = arith.constant 0 : i32
        %dma_start3A_49 = tpu.memref_slice %arg4[%mul3A_13, %dma_start3A_48] : memref<2560x128xi32, #tpu.memory_space<hbm>> -> memref<102x128xi32, #tpu.memory_space<hbm>>
        %dma_start3A_50 = arith.constant 0 : i32
        %dma_start3A_51 = arith.constant 0 : i32
        %dma_start3A_52 = tpu.memref_slice %arg8[%dma_start3A_50, %dma_start3A_51] : memref<102x128xi32, #tpu.memory_space<vmem>> -> memref<102x128xi32, #tpu.memory_space<vmem>>
        %dma_start3A_53 = arith.constant 0 : i32
        %dma_start3A_54 = tpu.memref_slice %arg4[%mul3A_13, %dma_start3A_53] : memref<2560x128xi32, #tpu.memory_space<hbm>> -> memref<102x128xi32, #tpu.memory_space<hbm>>
        tpu.enqueue_dma source(%dma_start3A_54 : memref<102x128xi32, #tpu.memory_space<hbm>>) target(%dma_start3A_52 : memref<102x128xi32, #tpu.memory_space<vmem>>) target_semaphore(%run_scoped3A_44 : memref<!tpu.dma_semaphore, #tpu.memory_space<semaphore_mem>>)
        %dma_wait3A_55 = arith.constant 0 : i32
        %dma_wait3A_56 = arith.constant 0 : i32
        %dma_wait3A_57 = tpu.memref_slice %arg8[%dma_wait3A_55, %dma_wait3A_56] : memref<102x128xi32, #tpu.memory_space<vmem>> -> memref<102x128xi32, #tpu.memory_space<vmem>>
        %dma_wait3A_58 = arith.constant 0 : i32
        %dma_wait3A_59 = tpu.memref_slice %arg4[%mul3A_13, %dma_wait3A_58] : memref<2560x128xi32, #tpu.memory_space<hbm>> -> memref<102x128xi32, #tpu.memory_space<hbm>>
        %dma_wait3A_60 = arith.constant 0 : i32
        %dma_wait3A_61 = arith.constant 0 : i32
        %dma_wait3A_62 = tpu.memref_slice %arg8[%dma_wait3A_60, %dma_wait3A_61] : memref<102x128xi32, #tpu.memory_space<vmem>> -> memref<102x128xi32, #tpu.memory_space<vmem>>
        %dma_wait3A_63 = arith.constant 0 : i32
        %dma_wait3A_64 = tpu.memref_slice %arg4[%mul3A_13, %dma_wait3A_63] : memref<2560x128xi32, #tpu.memory_space<hbm>> -> memref<102x128xi32, #tpu.memory_space<hbm>>
        tpu.wait_dma2 semaphore(%run_scoped3A_44 : memref<!tpu.dma_semaphore, #tpu.memory_space<semaphore_mem>>) src(%dma_wait3A_64 : memref<102x128xi32, #tpu.memory_space<hbm>>) dst(%dma_wait3A_62 : memref<102x128xi32, #tpu.memory_space<vmem>>)
        tpu.yield
      }) : () -> ()
      %dma_start3A = arith.constant 0 : i32
      %dma_start3A_14 = arith.constant 0 : i32
      %dma_start3A_15 = tpu.memref_slice %arg7[%dma_start3A, %dma_start3A_14] : memref<102x128xi32, #tpu.memory_space<vmem>> -> memref<1x128xi32, #tpu.memory_space<vmem>>
      %dma_start3A_16 = tpu.memref_squeeze %dma_start3A_15 : memref<1x128xi32, #tpu.memory_space<vmem>> -> memref<128xi32, #tpu.memory_space<vmem>>
      %dma_start3A_17 = arith.constant 0 : i32
      %dma_start3A_18 = arith.constant 0 : i32
      %dma_start3A_19 = tpu.memref_slice %arg2[%dma_start3A_17, %dma_start3A_18] : memref<10000x48xbf16, #tpu.memory_space<hbm>> -> memref<10000x48xbf16, #tpu.memory_space<hbm>>
      tpu.enqueue_indirect_dma source(%dma_start3A_19 : memref<10000x48xbf16, #tpu.memory_space<hbm>>) target(%arg9 : memref<128x48xbf16, #tpu.memory_space<vmem>>) offsets(%dma_start3A_16 : memref<128xi32, #tpu.memory_space<vmem>>) semaphore(%arg12 : memref<!tpu.dma_semaphore, #tpu.memory_space<semaphore_mem>>)
      %dma_start3A_20 = arith.constant 1 : i32
      %dma_start3A_21 = arith.constant 0 : i32
      %dma_start3A_22 = tpu.memref_slice %arg7[%dma_start3A_20, %dma_start3A_21] : memref<102x128xi32, #tpu.memory_space<vmem>> -> memref<1x128xi32, #tpu.memory_space<vmem>>
      %dma_start3A_23 = tpu.memref_squeeze %dma_start3A_22 : memref<1x128xi32, #tpu.memory_space<vmem>> -> memref<128xi32, #tpu.memory_space<vmem>>
      %dma_start3A_24 = arith.constant 0 : i32
      %dma_start3A_25 = arith.constant 0 : i32
      %dma_start3A_26 = tpu.memref_slice %arg2[%dma_start3A_24, %dma_start3A_25] : memref<10000x48xbf16, #tpu.memory_space<hbm>> -> memref<10000x48xbf16, #tpu.memory_space<hbm>>
      tpu.enqueue_indirect_dma source(%dma_start3A_26 : memref<10000x48xbf16, #tpu.memory_space<hbm>>) target(%arg10 : memref<128x48xbf16, #tpu.memory_space<vmem>>) offsets(%dma_start3A_23 : memref<128xi32, #tpu.memory_space<vmem>>) semaphore(%arg13 : memref<!tpu.dma_semaphore, #tpu.memory_space<semaphore_mem>>)
      %scan3A = arith.constant 0 : i32
      %scan3A_27 = arith.constant 0 : i32
      %scan3A_28 = arith.constant 50 : i32
      %scan3A_29 = arith.addi %scan3A_27, %scan3A_28 : i32
      %scan3A_30 = arith.constant 1 : i32
      scf.for %scan3A_44 = %scan3A_27 to %scan3A_29 step %scan3A_30  : i32 {
        %mul3A_45 = arith.constant 2 : i32
        %mul3A_46 = arith.muli %scan3A_44, %mul3A_45 : i32
        %dma_wait3A_47 = arith.constant 0 : i32
        %dma_wait3A_48 = arith.constant 0 : i32
        %dma_wait3A_49 = tpu.memref_slice %arg2[%dma_wait3A_47, %dma_wait3A_48] : memref<10000x48xbf16, #tpu.memory_space<hbm>> -> memref<128x48xbf16, #tpu.memory_space<hbm>>
        %dma_wait3A_50 = arith.constant 0 : i32
        %dma_wait3A_51 = arith.constant 0 : i32
        %dma_wait3A_52 = tpu.memref_slice %arg2[%dma_wait3A_50, %dma_wait3A_51] : memref<10000x48xbf16, #tpu.memory_space<hbm>> -> memref<128x48xbf16, #tpu.memory_space<hbm>>
        tpu.wait_dma2 semaphore(%arg12 : memref<!tpu.dma_semaphore, #tpu.memory_space<semaphore_mem>>) src(%dma_wait3A_52 : memref<128x48xbf16, #tpu.memory_space<hbm>>) dst(%arg9 : memref<128x48xbf16, #tpu.memory_space<vmem>>)
        %dma_start3A_53 = arith.constant 0 : i32
        %dma_start3A_54 = tpu.memref_slice %arg8[%mul3A_46, %dma_start3A_53] : memref<102x128xi32, #tpu.memory_space<vmem>> -> memref<1x128xi32, #tpu.memory_space<vmem>>
        %dma_start3A_55 = tpu.memref_squeeze %dma_start3A_54 : memref<1x128xi32, #tpu.memory_space<vmem>> -> memref<128xi32, #tpu.memory_space<vmem>>
        %dma_start3A_56 = arith.constant 0 : i32
        %dma_start3A_57 = arith.constant 0 : i32
        %dma_start3A_58 = tpu.memref_slice %arg11[%dma_start3A_56, %dma_start3A_57] : memref<10240x48xbf16, #tpu.memory_space<vmem_shared>> -> memref<10240x48xbf16, #tpu.memory_space<vmem_shared>>
        tpu.enqueue_indirect_dma source(%arg9 : memref<128x48xbf16, #tpu.memory_space<vmem>>) target(%dma_start3A_58 : memref<10240x48xbf16, #tpu.memory_space<vmem_shared>>) offsets(%dma_start3A_55 : memref<128xi32, #tpu.memory_space<vmem>>) semaphore(%arg14 : memref<!tpu.dma_semaphore, #tpu.memory_space<semaphore_mem>>) {add = true}
        %dma_wait3A_59 = arith.constant 0 : i32
        %dma_wait3A_60 = arith.constant 0 : i32
        %dma_wait3A_61 = tpu.memref_slice %arg2[%dma_wait3A_59, %dma_wait3A_60] : memref<10000x48xbf16, #tpu.memory_space<hbm>> -> memref<128x48xbf16, #tpu.memory_space<hbm>>
        %dma_wait3A_62 = arith.constant 0 : i32
        %dma_wait3A_63 = arith.constant 0 : i32
        %dma_wait3A_64 = tpu.memref_slice %arg2[%dma_wait3A_62, %dma_wait3A_63] : memref<10000x48xbf16, #tpu.memory_space<hbm>> -> memref<128x48xbf16, #tpu.memory_space<hbm>>
        tpu.wait_dma2 semaphore(%arg13 : memref<!tpu.dma_semaphore, #tpu.memory_space<semaphore_mem>>) src(%dma_wait3A_64 : memref<128x48xbf16, #tpu.memory_space<hbm>>) dst(%arg10 : memref<128x48xbf16, #tpu.memory_space<vmem>>)
        %add3A = arith.constant 1 : i32
        %add3A_65 = arith.addi %mul3A_46, %add3A : i32
        %dma_start3A_66 = arith.constant 0 : i32
        %dma_start3A_67 = tpu.memref_slice %arg8[%add3A_65, %dma_start3A_66] : memref<102x128xi32, #tpu.memory_space<vmem>> -> memref<1x128xi32, #tpu.memory_space<vmem>>
        %dma_start3A_68 = tpu.memref_squeeze %dma_start3A_67 : memref<1x128xi32, #tpu.memory_space<vmem>> -> memref<128xi32, #tpu.memory_space<vmem>>
        %dma_start3A_69 = arith.constant 0 : i32
        %dma_start3A_70 = arith.constant 0 : i32
        %dma_start3A_71 = tpu.memref_slice %arg11[%dma_start3A_69, %dma_start3A_70] : memref<10240x48xbf16, #tpu.memory_space<vmem_shared>> -> memref<10240x48xbf16, #tpu.memory_space<vmem_shared>>
        tpu.enqueue_indirect_dma source(%arg10 : memref<128x48xbf16, #tpu.memory_space<vmem>>) target(%dma_start3A_71 : memref<10240x48xbf16, #tpu.memory_space<vmem_shared>>) offsets(%dma_start3A_68 : memref<128xi32, #tpu.memory_space<vmem>>) semaphore(%arg15 : memref<!tpu.dma_semaphore, #tpu.memory_space<semaphore_mem>>) {add = true}
        %dma_wait3A_72 = arith.constant 0 : i32
        %dma_wait3A_73 = tpu.memref_slice %arg8[%mul3A_46, %dma_wait3A_72] : memref<102x128xi32, #tpu.memory_space<vmem>> -> memref<1x128xi32, #tpu.memory_space<vmem>>
        %dma_wait3A_74 = tpu.memref_squeeze %dma_wait3A_73 : memref<1x128xi32, #tpu.memory_space<vmem>> -> memref<128xi32, #tpu.memory_space<vmem>>
        %dma_wait3A_75 = arith.constant 0 : i32
        %dma_wait3A_76 = arith.constant 0 : i32
        %dma_wait3A_77 = tpu.memref_slice %arg11[%dma_wait3A_75, %dma_wait3A_76] : memref<10240x48xbf16, #tpu.memory_space<vmem_shared>> -> memref<10240x48xbf16, #tpu.memory_space<vmem_shared>>
        tpu.wait_indirect_dma semaphore(%arg14 : memref<!tpu.dma_semaphore, #tpu.memory_space<semaphore_mem>>) src(%arg9 : memref<128x48xbf16, #tpu.memory_space<vmem>>) dst(%dma_wait3A_77 : memref<10240x48xbf16, #tpu.memory_space<vmem_shared>>)
        %add3A_78 = arith.constant 2 : i32
        %add3A_79 = arith.addi %mul3A_46, %add3A_78 : i32
        %dma_start3A_80 = arith.constant 0 : i32
        %dma_start3A_81 = tpu.memref_slice %arg7[%add3A_79, %dma_start3A_80] : memref<102x128xi32, #tpu.memory_space<vmem>> -> memref<1x128xi32, #tpu.memory_space<vmem>>
        %dma_start3A_82 = tpu.memref_squeeze %dma_start3A_81 : memref<1x128xi32, #tpu.memory_space<vmem>> -> memref<128xi32, #tpu.memory_space<vmem>>
        %dma_start3A_83 = arith.constant 0 : i32
        %dma_start3A_84 = arith.constant 0 : i32
        %dma_start3A_85 = tpu.memref_slice %arg2[%dma_start3A_83, %dma_start3A_84] : memref<10000x48xbf16, #tpu.memory_space<hbm>> -> memref<10000x48xbf16, #tpu.memory_space<hbm>>
        tpu.enqueue_indirect_dma source(%dma_start3A_85 : memref<10000x48xbf16, #tpu.memory_space<hbm>>) target(%arg9 : memref<128x48xbf16, #tpu.memory_space<vmem>>) offsets(%dma_start3A_82 : memref<128xi32, #tpu.memory_space<vmem>>) semaphore(%arg12 : memref<!tpu.dma_semaphore, #tpu.memory_space<semaphore_mem>>)
        %dma_wait3A_86 = arith.constant 0 : i32
        %dma_wait3A_87 = tpu.memref_slice %arg8[%add3A_65, %dma_wait3A_86] : memref<102x128xi32, #tpu.memory_space<vmem>> -> memref<1x128xi32, #tpu.memory_space<vmem>>
        %dma_wait3A_88 = tpu.memref_squeeze %dma_wait3A_87 : memref<1x128xi32, #tpu.memory_space<vmem>> -> memref<128xi32, #tpu.memory_space<vmem>>
        %dma_wait3A_89 = arith.constant 0 : i32
        %dma_wait3A_90 = arith.constant 0 : i32
        %dma_wait3A_91 = tpu.memref_slice %arg11[%dma_wait3A_89, %dma_wait3A_90] : memref<10240x48xbf16, #tpu.memory_space<vmem_shared>> -> memref<10240x48xbf16, #tpu.memory_space<vmem_shared>>
        tpu.wait_indirect_dma semaphore(%arg15 : memref<!tpu.dma_semaphore, #tpu.memory_space<semaphore_mem>>) src(%arg10 : memref<128x48xbf16, #tpu.memory_space<vmem>>) dst(%dma_wait3A_91 : memref<10240x48xbf16, #tpu.memory_space<vmem_shared>>)
        %add3A_92 = arith.constant 3 : i32
        %add3A_93 = arith.addi %mul3A_46, %add3A_92 : i32
        %dma_start3A_94 = arith.constant 0 : i32
        %dma_start3A_95 = tpu.memref_slice %arg7[%add3A_93, %dma_start3A_94] : memref<102x128xi32, #tpu.memory_space<vmem>> -> memref<1x128xi32, #tpu.memory_space<vmem>>
        %dma_start3A_96 = tpu.memref_squeeze %dma_start3A_95 : memref<1x128xi32, #tpu.memory_space<vmem>> -> memref<128xi32, #tpu.memory_space<vmem>>
        %dma_start3A_97 = arith.constant 0 : i32
        %dma_start3A_98 = arith.constant 0 : i32
        %dma_start3A_99 = tpu.memref_slice %arg2[%dma_start3A_97, %dma_start3A_98] : memref<10000x48xbf16, #tpu.memory_space<hbm>> -> memref<10000x48xbf16, #tpu.memory_space<hbm>>
        tpu.enqueue_indirect_dma source(%dma_start3A_99 : memref<10000x48xbf16, #tpu.memory_space<hbm>>) target(%arg10 : memref<128x48xbf16, #tpu.memory_space<vmem>>) offsets(%dma_start3A_96 : memref<128xi32, #tpu.memory_space<vmem>>) semaphore(%arg13 : memref<!tpu.dma_semaphore, #tpu.memory_space<semaphore_mem>>)
      }
      %scan3A_31 = arith.constant 50 : i32
      %dma_wait3A = arith.constant 0 : i32
      %dma_wait3A_32 = arith.constant 0 : i32
      %dma_wait3A_33 = tpu.memref_slice %arg2[%dma_wait3A, %dma_wait3A_32] : memref<10000x48xbf16, #tpu.memory_space<hbm>> -> memref<128x48xbf16, #tpu.memory_space<hbm>>
      %dma_wait3A_34 = arith.constant 0 : i32
      %dma_wait3A_35 = arith.constant 0 : i32
      %dma_wait3A_36 = tpu.memref_slice %arg2[%dma_wait3A_34, %dma_wait3A_35] : memref<10000x48xbf16, #tpu.memory_space<hbm>> -> memref<128x48xbf16, #tpu.memory_space<hbm>>
      tpu.wait_dma2 semaphore(%arg12 : memref<!tpu.dma_semaphore, #tpu.memory_space<semaphore_mem>>) src(%dma_wait3A_36 : memref<128x48xbf16, #tpu.memory_space<hbm>>) dst(%arg9 : memref<128x48xbf16, #tpu.memory_space<vmem>>)
      %run_scoped3A = arith.constant 100 : i32
      "tpu.region"() ({
        %run_scoped3A_44 = tpu.sem_alloc : memref<!tpu.dma_semaphore, #tpu.memory_space<semaphore_mem>>
        %dma_start3A_45 = arith.constant 0 : i32
        %dma_start3A_46 = tpu.memref_slice %arg8[%run_scoped3A, %dma_start3A_45] : memref<102x128xi32, #tpu.memory_space<vmem>> -> memref<1x128xi32, #tpu.memory_space<vmem>>
        %dma_start3A_47 = tpu.memref_squeeze %dma_start3A_46 : memref<1x128xi32, #tpu.memory_space<vmem>> -> memref<128xi32, #tpu.memory_space<vmem>>
        %dma_start3A_48 = arith.constant 0 : i32
        %dma_start3A_49 = arith.constant 0 : i32
        %dma_start3A_50 = tpu.memref_slice %arg11[%dma_start3A_48, %dma_start3A_49] : memref<10240x48xbf16, #tpu.memory_space<vmem_shared>> -> memref<10240x48xbf16, #tpu.memory_space<vmem_shared>>
        tpu.enqueue_indirect_dma source(%arg9 : memref<128x48xbf16, #tpu.memory_space<vmem>>) target(%dma_start3A_50 : memref<10240x48xbf16, #tpu.memory_space<vmem_shared>>) offsets(%dma_start3A_47 : memref<128xi32, #tpu.memory_space<vmem>>) semaphore(%run_scoped3A_44 : memref<!tpu.dma_semaphore, #tpu.memory_space<semaphore_mem>>) {add = true}
        %dma_wait3A_51 = arith.constant 0 : i32
        %dma_wait3A_52 = tpu.memref_slice %arg8[%run_scoped3A, %dma_wait3A_51] : memref<102x128xi32, #tpu.memory_space<vmem>> -> memref<1x128xi32, #tpu.memory_space<vmem>>
        %dma_wait3A_53 = tpu.memref_squeeze %dma_wait3A_52 : memref<1x128xi32, #tpu.memory_space<vmem>> -> memref<128xi32, #tpu.memory_space<vmem>>
        %dma_wait3A_54 = arith.constant 0 : i32
        %dma_wait3A_55 = arith.constant 0 : i32
        %dma_wait3A_56 = tpu.memref_slice %arg11[%dma_wait3A_54, %dma_wait3A_55] : memref<10240x48xbf16, #tpu.memory_space<vmem_shared>> -> memref<10240x48xbf16, #tpu.memory_space<vmem_shared>>
        tpu.wait_indirect_dma semaphore(%run_scoped3A_44 : memref<!tpu.dma_semaphore, #tpu.memory_space<semaphore_mem>>) src(%arg9 : memref<128x48xbf16, #tpu.memory_space<vmem>>) dst(%dma_wait3A_56 : memref<10240x48xbf16, #tpu.memory_space<vmem_shared>>)
        tpu.yield
      }) : () -> ()
      %dma_wait3A_37 = arith.constant 0 : i32
      %dma_wait3A_38 = arith.constant 0 : i32
      %dma_wait3A_39 = tpu.memref_slice %arg2[%dma_wait3A_37, %dma_wait3A_38] : memref<10000x48xbf16, #tpu.memory_space<hbm>> -> memref<128x48xbf16, #tpu.memory_space<hbm>>
      %dma_wait3A_40 = arith.constant 0 : i32
      %dma_wait3A_41 = arith.constant 0 : i32
      %dma_wait3A_42 = tpu.memref_slice %arg2[%dma_wait3A_40, %dma_wait3A_41] : memref<10000x48xbf16, #tpu.memory_space<hbm>> -> memref<128x48xbf16, #tpu.memory_space<hbm>>
      tpu.wait_dma2 semaphore(%arg13 : memref<!tpu.dma_semaphore, #tpu.memory_space<semaphore_mem>>) src(%dma_wait3A_42 : memref<128x48xbf16, #tpu.memory_space<hbm>>) dst(%arg10 : memref<128x48xbf16, #tpu.memory_space<vmem>>)
      %run_scoped3A_43 = arith.constant 101 : i32
      "tpu.region"() ({
        %run_scoped3A_44 = tpu.sem_alloc : memref<!tpu.dma_semaphore, #tpu.memory_space<semaphore_mem>>
        %dma_start3A_45 = arith.constant 0 : i32
        %dma_start3A_46 = tpu.memref_slice %arg8[%run_scoped3A_43, %dma_start3A_45] : memref<102x128xi32, #tpu.memory_space<vmem>> -> memref<1x128xi32, #tpu.memory_space<vmem>>
        %dma_start3A_47 = tpu.memref_squeeze %dma_start3A_46 : memref<1x128xi32, #tpu.memory_space<vmem>> -> memref<128xi32, #tpu.memory_space<vmem>>
        %dma_start3A_48 = arith.constant 0 : i32
        %dma_start3A_49 = arith.constant 0 : i32
        %dma_start3A_50 = tpu.memref_slice %arg11[%dma_start3A_48, %dma_start3A_49] : memref<10240x48xbf16, #tpu.memory_space<vmem_shared>> -> memref<10240x48xbf16, #tpu.memory_space<vmem_shared>>
        tpu.enqueue_indirect_dma source(%arg10 : memref<128x48xbf16, #tpu.memory_space<vmem>>) target(%dma_start3A_50 : memref<10240x48xbf16, #tpu.memory_space<vmem_shared>>) offsets(%dma_start3A_47 : memref<128xi32, #tpu.memory_space<vmem>>) semaphore(%run_scoped3A_44 : memref<!tpu.dma_semaphore, #tpu.memory_space<semaphore_mem>>) {add = true}
        %dma_wait3A_51 = arith.constant 0 : i32
        %dma_wait3A_52 = tpu.memref_slice %arg8[%run_scoped3A_43, %dma_wait3A_51] : memref<102x128xi32, #tpu.memory_space<vmem>> -> memref<1x128xi32, #tpu.memory_space<vmem>>
        %dma_wait3A_53 = tpu.memref_squeeze %dma_wait3A_52 : memref<1x128xi32, #tpu.memory_space<vmem>> -> memref<128xi32, #tpu.memory_space<vmem>>
        %dma_wait3A_54 = arith.constant 0 : i32
        %dma_wait3A_55 = arith.constant 0 : i32
        %dma_wait3A_56 = tpu.memref_slice %arg11[%dma_wait3A_54, %dma_wait3A_55] : memref<10240x48xbf16, #tpu.memory_space<vmem_shared>> -> memref<10240x48xbf16, #tpu.memory_space<vmem_shared>>
        tpu.wait_indirect_dma semaphore(%run_scoped3A_44 : memref<!tpu.dma_semaphore, #tpu.memory_space<semaphore_mem>>) src(%arg10 : memref<128x48xbf16, #tpu.memory_space<vmem>>) dst(%dma_wait3A_56 : memref<10240x48xbf16, #tpu.memory_space<vmem_shared>>)
        tpu.yield
      }) : () -> ()
    } else {
    }
    %ne3A = arith.constant 0 : i32
    %ne3A_3 = arith.cmpi ne, %arg0, %ne3A : i32
    %convert_element_type3A_4 = arith.extui %ne3A_3 : i1 to i32
    %cond3A_5 = arith.constant 0 : i32
    %cond3A_6 = arith.cmpi ne, %convert_element_type3A_4, %cond3A_5 : i32
    scf.if %cond3A_6 {
      %mul3A_12 = arith.constant 58 : i32
      %mul3A_13 = arith.muli %arg1, %mul3A_12 : i32
      %add3A = arith.constant 1632 : i32
      %add3A_14 = arith.addi %add3A, %mul3A_13 : i32
      "tpu.region"() ({
        %run_scoped3A_45 = tpu.sem_alloc : memref<!tpu.dma_semaphore, #tpu.memory_space<semaphore_mem>>
        %dma_start3A_46 = arith.constant 0 : i32
        %dma_start3A_47 = arith.constant 0 : i32
        %dma_start3A_48 = tpu.memref_slice %arg7[%dma_start3A_46, %dma_start3A_47] : memref<102x128xi32, #tpu.memory_space<vmem>> -> memref<58x128xi32, #tpu.memory_space<vmem>>
        %dma_start3A_49 = arith.constant 0 : i32
        %dma_start3A_50 = tpu.memref_slice %arg3[%add3A_14, %dma_start3A_49] : memref<2560x128xi32, #tpu.memory_space<hbm>> -> memref<58x128xi32, #tpu.memory_space<hbm>>
        %dma_start3A_51 = arith.constant 0 : i32
        %dma_start3A_52 = arith.constant 0 : i32
        %dma_start3A_53 = tpu.memref_slice %arg7[%dma_start3A_51, %dma_start3A_52] : memref<102x128xi32, #tpu.memory_space<vmem>> -> memref<58x128xi32, #tpu.memory_space<vmem>>
        %dma_start3A_54 = arith.constant 0 : i32
        %dma_start3A_55 = tpu.memref_slice %arg3[%add3A_14, %dma_start3A_54] : memref<2560x128xi32, #tpu.memory_space<hbm>> -> memref<58x128xi32, #tpu.memory_space<hbm>>
        tpu.enqueue_dma source(%dma_start3A_55 : memref<58x128xi32, #tpu.memory_space<hbm>>) target(%dma_start3A_53 : memref<58x128xi32, #tpu.memory_space<vmem>>) target_semaphore(%run_scoped3A_45 : memref<!tpu.dma_semaphore, #tpu.memory_space<semaphore_mem>>)
        %dma_wait3A_56 = arith.constant 0 : i32
        %dma_wait3A_57 = arith.constant 0 : i32
        %dma_wait3A_58 = tpu.memref_slice %arg7[%dma_wait3A_56, %dma_wait3A_57] : memref<102x128xi32, #tpu.memory_space<vmem>> -> memref<58x128xi32, #tpu.memory_space<vmem>>
        %dma_wait3A_59 = arith.constant 0 : i32
        %dma_wait3A_60 = tpu.memref_slice %arg3[%add3A_14, %dma_wait3A_59] : memref<2560x128xi32, #tpu.memory_space<hbm>> -> memref<58x128xi32, #tpu.memory_space<hbm>>
        %dma_wait3A_61 = arith.constant 0 : i32
        %dma_wait3A_62 = arith.constant 0 : i32
        %dma_wait3A_63 = tpu.memref_slice %arg7[%dma_wait3A_61, %dma_wait3A_62] : memref<102x128xi32, #tpu.memory_space<vmem>> -> memref<58x128xi32, #tpu.memory_space<vmem>>
        %dma_wait3A_64 = arith.constant 0 : i32
        %dma_wait3A_65 = tpu.memref_slice %arg3[%add3A_14, %dma_wait3A_64] : memref<2560x128xi32, #tpu.memory_space<hbm>> -> memref<58x128xi32, #tpu.memory_space<hbm>>
        tpu.wait_dma2 semaphore(%run_scoped3A_45 : memref<!tpu.dma_semaphore, #tpu.memory_space<semaphore_mem>>) src(%dma_wait3A_65 : memref<58x128xi32, #tpu.memory_space<hbm>>) dst(%dma_wait3A_63 : memref<58x128xi32, #tpu.memory_space<vmem>>)
        tpu.yield
      }) : () -> ()
      "tpu.region"() ({
        %run_scoped3A_45 = tpu.sem_alloc : memref<!tpu.dma_semaphore, #tpu.memory_space<semaphore_mem>>
        %dma_start3A_46 = arith.constant 0 : i32
        %dma_start3A_47 = arith.constant 0 : i32
        %dma_start3A_48 = tpu.memref_slice %arg8[%dma_start3A_46, %dma_start3A_47] : memref<102x128xi32, #tpu.memory_space<vmem>> -> memref<58x128xi32, #tpu.memory_space<vmem>>
        %dma_start3A_49 = arith.constant 0 : i32
        %dma_start3A_50 = tpu.memref_slice %arg4[%add3A_14, %dma_start3A_49] : memref<2560x128xi32, #tpu.memory_space<hbm>> -> memref<58x128xi32, #tpu.memory_space<hbm>>
        %dma_start3A_51 = arith.constant 0 : i32
        %dma_start3A_52 = arith.constant 0 : i32
        %dma_start3A_53 = tpu.memref_slice %arg8[%dma_start3A_51, %dma_start3A_52] : memref<102x128xi32, #tpu.memory_space<vmem>> -> memref<58x128xi32, #tpu.memory_space<vmem>>
        %dma_start3A_54 = arith.constant 0 : i32
        %dma_start3A_55 = tpu.memref_slice %arg4[%add3A_14, %dma_start3A_54] : memref<2560x128xi32, #tpu.memory_space<hbm>> -> memref<58x128xi32, #tpu.memory_space<hbm>>
        tpu.enqueue_dma source(%dma_start3A_55 : memref<58x128xi32, #tpu.memory_space<hbm>>) target(%dma_start3A_53 : memref<58x128xi32, #tpu.memory_space<vmem>>) target_semaphore(%run_scoped3A_45 : memref<!tpu.dma_semaphore, #tpu.memory_space<semaphore_mem>>)
        %dma_wait3A_56 = arith.constant 0 : i32
        %dma_wait3A_57 = arith.constant 0 : i32
        %dma_wait3A_58 = tpu.memref_slice %arg8[%dma_wait3A_56, %dma_wait3A_57] : memref<102x128xi32, #tpu.memory_space<vmem>> -> memref<58x128xi32, #tpu.memory_space<vmem>>
        %dma_wait3A_59 = arith.constant 0 : i32
        %dma_wait3A_60 = tpu.memref_slice %arg4[%add3A_14, %dma_wait3A_59] : memref<2560x128xi32, #tpu.memory_space<hbm>> -> memref<58x128xi32, #tpu.memory_space<hbm>>
        %dma_wait3A_61 = arith.constant 0 : i32
        %dma_wait3A_62 = arith.constant 0 : i32
        %dma_wait3A_63 = tpu.memref_slice %arg8[%dma_wait3A_61, %dma_wait3A_62] : memref<102x128xi32, #tpu.memory_space<vmem>> -> memref<58x128xi32, #tpu.memory_space<vmem>>
        %dma_wait3A_64 = arith.constant 0 : i32
        %dma_wait3A_65 = tpu.memref_slice %arg4[%add3A_14, %dma_wait3A_64] : memref<2560x128xi32, #tpu.memory_space<hbm>> -> memref<58x128xi32, #tpu.memory_space<hbm>>
        tpu.wait_dma2 semaphore(%run_scoped3A_45 : memref<!tpu.dma_semaphore, #tpu.memory_space<semaphore_mem>>) src(%dma_wait3A_65 : memref<58x128xi32, #tpu.memory_space<hbm>>) dst(%dma_wait3A_63 : memref<58x128xi32, #tpu.memory_space<vmem>>)
        tpu.yield
      }) : () -> ()
      %dma_start3A = arith.constant 0 : i32
      %dma_start3A_15 = arith.constant 0 : i32
      %dma_start3A_16 = tpu.memref_slice %arg7[%dma_start3A, %dma_start3A_15] : memref<102x128xi32, #tpu.memory_space<vmem>> -> memref<1x128xi32, #tpu.memory_space<vmem>>
      %dma_start3A_17 = tpu.memref_squeeze %dma_start3A_16 : memref<1x128xi32, #tpu.memory_space<vmem>> -> memref<128xi32, #tpu.memory_space<vmem>>
      %dma_start3A_18 = arith.constant 0 : i32
      %dma_start3A_19 = arith.constant 0 : i32
      %dma_start3A_20 = tpu.memref_slice %arg2[%dma_start3A_18, %dma_start3A_19] : memref<10000x48xbf16, #tpu.memory_space<hbm>> -> memref<10000x48xbf16, #tpu.memory_space<hbm>>
      tpu.enqueue_indirect_dma source(%dma_start3A_20 : memref<10000x48xbf16, #tpu.memory_space<hbm>>) target(%arg9 : memref<128x48xbf16, #tpu.memory_space<vmem>>) offsets(%dma_start3A_17 : memref<128xi32, #tpu.memory_space<vmem>>) semaphore(%arg12 : memref<!tpu.dma_semaphore, #tpu.memory_space<semaphore_mem>>)
      %dma_start3A_21 = arith.constant 1 : i32
      %dma_start3A_22 = arith.constant 0 : i32
      %dma_start3A_23 = tpu.memref_slice %arg7[%dma_start3A_21, %dma_start3A_22] : memref<102x128xi32, #tpu.memory_space<vmem>> -> memref<1x128xi32, #tpu.memory_space<vmem>>
      %dma_start3A_24 = tpu.memref_squeeze %dma_start3A_23 : memref<1x128xi32, #tpu.memory_space<vmem>> -> memref<128xi32, #tpu.memory_space<vmem>>
      %dma_start3A_25 = arith.constant 0 : i32
      %dma_start3A_26 = arith.constant 0 : i32
      %dma_start3A_27 = tpu.memref_slice %arg2[%dma_start3A_25, %dma_start3A_26] : memref<10000x48xbf16, #tpu.memory_space<hbm>> -> memref<10000x48xbf16, #tpu.memory_space<hbm>>
      tpu.enqueue_indirect_dma source(%dma_start3A_27 : memref<10000x48xbf16, #tpu.memory_space<hbm>>) target(%arg10 : memref<128x48xbf16, #tpu.memory_space<vmem>>) offsets(%dma_start3A_24 : memref<128xi32, #tpu.memory_space<vmem>>) semaphore(%arg13 : memref<!tpu.dma_semaphore, #tpu.memory_space<semaphore_mem>>)
      %scan3A = arith.constant 0 : i32
      %scan3A_28 = arith.constant 0 : i32
      %scan3A_29 = arith.constant 28 : i32
      %scan3A_30 = arith.addi %scan3A_28, %scan3A_29 : i32
      %scan3A_31 = arith.constant 1 : i32
      scf.for %scan3A_45 = %scan3A_28 to %scan3A_30 step %scan3A_31  : i32 {
        %mul3A_46 = arith.constant 2 : i32
        %mul3A_47 = arith.muli %scan3A_45, %mul3A_46 : i32
        %dma_wait3A_48 = arith.constant 0 : i32
        %dma_wait3A_49 = arith.constant 0 : i32
        %dma_wait3A_50 = tpu.memref_slice %arg2[%dma_wait3A_48, %dma_wait3A_49] : memref<10000x48xbf16, #tpu.memory_space<hbm>> -> memref<128x48xbf16, #tpu.memory_space<hbm>>
        %dma_wait3A_51 = arith.constant 0 : i32
        %dma_wait3A_52 = arith.constant 0 : i32
        %dma_wait3A_53 = tpu.memref_slice %arg2[%dma_wait3A_51, %dma_wait3A_52] : memref<10000x48xbf16, #tpu.memory_space<hbm>> -> memref<128x48xbf16, #tpu.memory_space<hbm>>
        tpu.wait_dma2 semaphore(%arg12 : memref<!tpu.dma_semaphore, #tpu.memory_space<semaphore_mem>>) src(%dma_wait3A_53 : memref<128x48xbf16, #tpu.memory_space<hbm>>) dst(%arg9 : memref<128x48xbf16, #tpu.memory_space<vmem>>)
        %dma_start3A_54 = arith.constant 0 : i32
        %dma_start3A_55 = tpu.memref_slice %arg8[%mul3A_47, %dma_start3A_54] : memref<102x128xi32, #tpu.memory_space<vmem>> -> memref<1x128xi32, #tpu.memory_space<vmem>>
        %dma_start3A_56 = tpu.memref_squeeze %dma_start3A_55 : memref<1x128xi32, #tpu.memory_space<vmem>> -> memref<128xi32, #tpu.memory_space<vmem>>
        %dma_start3A_57 = arith.constant 0 : i32
        %dma_start3A_58 = arith.constant 0 : i32
        %dma_start3A_59 = tpu.memref_slice %arg11[%dma_start3A_57, %dma_start3A_58] : memref<10240x48xbf16, #tpu.memory_space<vmem_shared>> -> memref<10240x48xbf16, #tpu.memory_space<vmem_shared>>
        tpu.enqueue_indirect_dma source(%arg9 : memref<128x48xbf16, #tpu.memory_space<vmem>>) target(%dma_start3A_59 : memref<10240x48xbf16, #tpu.memory_space<vmem_shared>>) offsets(%dma_start3A_56 : memref<128xi32, #tpu.memory_space<vmem>>) semaphore(%arg14 : memref<!tpu.dma_semaphore, #tpu.memory_space<semaphore_mem>>) {add = true}
        %dma_wait3A_60 = arith.constant 0 : i32
        %dma_wait3A_61 = arith.constant 0 : i32
        %dma_wait3A_62 = tpu.memref_slice %arg2[%dma_wait3A_60, %dma_wait3A_61] : memref<10000x48xbf16, #tpu.memory_space<hbm>> -> memref<128x48xbf16, #tpu.memory_space<hbm>>
        %dma_wait3A_63 = arith.constant 0 : i32
        %dma_wait3A_64 = arith.constant 0 : i32
        %dma_wait3A_65 = tpu.memref_slice %arg2[%dma_wait3A_63, %dma_wait3A_64] : memref<10000x48xbf16, #tpu.memory_space<hbm>> -> memref<128x48xbf16, #tpu.memory_space<hbm>>
        tpu.wait_dma2 semaphore(%arg13 : memref<!tpu.dma_semaphore, #tpu.memory_space<semaphore_mem>>) src(%dma_wait3A_65 : memref<128x48xbf16, #tpu.memory_space<hbm>>) dst(%arg10 : memref<128x48xbf16, #tpu.memory_space<vmem>>)
        %add3A_66 = arith.constant 1 : i32
        %add3A_67 = arith.addi %mul3A_47, %add3A_66 : i32
        %dma_start3A_68 = arith.constant 0 : i32
        %dma_start3A_69 = tpu.memref_slice %arg8[%add3A_67, %dma_start3A_68] : memref<102x128xi32, #tpu.memory_space<vmem>> -> memref<1x128xi32, #tpu.memory_space<vmem>>
        %dma_start3A_70 = tpu.memref_squeeze %dma_start3A_69 : memref<1x128xi32, #tpu.memory_space<vmem>> -> memref<128xi32, #tpu.memory_space<vmem>>
        %dma_start3A_71 = arith.constant 0 : i32
        %dma_start3A_72 = arith.constant 0 : i32
        %dma_start3A_73 = tpu.memref_slice %arg11[%dma_start3A_71, %dma_start3A_72] : memref<10240x48xbf16, #tpu.memory_space<vmem_shared>> -> memref<10240x48xbf16, #tpu.memory_space<vmem_shared>>
        tpu.enqueue_indirect_dma source(%arg10 : memref<128x48xbf16, #tpu.memory_space<vmem>>) target(%dma_start3A_73 : memref<10240x48xbf16, #tpu.memory_space<vmem_shared>>) offsets(%dma_start3A_70 : memref<128xi32, #tpu.memory_space<vmem>>) semaphore(%arg15 : memref<!tpu.dma_semaphore, #tpu.memory_space<semaphore_mem>>) {add = true}
        %dma_wait3A_74 = arith.constant 0 : i32
        %dma_wait3A_75 = tpu.memref_slice %arg8[%mul3A_47, %dma_wait3A_74] : memref<102x128xi32, #tpu.memory_space<vmem>> -> memref<1x128xi32, #tpu.memory_space<vmem>>
        %dma_wait3A_76 = tpu.memref_squeeze %dma_wait3A_75 : memref<1x128xi32, #tpu.memory_space<vmem>> -> memref<128xi32, #tpu.memory_space<vmem>>
        %dma_wait3A_77 = arith.constant 0 : i32
        %dma_wait3A_78 = arith.constant 0 : i32
        %dma_wait3A_79 = tpu.memref_slice %arg11[%dma_wait3A_77, %dma_wait3A_78] : memref<10240x48xbf16, #tpu.memory_space<vmem_shared>> -> memref<10240x48xbf16, #tpu.memory_space<vmem_shared>>
        tpu.wait_indirect_dma semaphore(%arg14 : memref<!tpu.dma_semaphore, #tpu.memory_space<semaphore_mem>>) src(%arg9 : memref<128x48xbf16, #tpu.memory_space<vmem>>) dst(%dma_wait3A_79 : memref<10240x48xbf16, #tpu.memory_space<vmem_shared>>)
        %add3A_80 = arith.constant 2 : i32
        %add3A_81 = arith.addi %mul3A_47, %add3A_80 : i32
        %dma_start3A_82 = arith.constant 0 : i32
        %dma_start3A_83 = tpu.memref_slice %arg7[%add3A_81, %dma_start3A_82] : memref<102x128xi32, #tpu.memory_space<vmem>> -> memref<1x128xi32, #tpu.memory_space<vmem>>
        %dma_start3A_84 = tpu.memref_squeeze %dma_start3A_83 : memref<1x128xi32, #tpu.memory_space<vmem>> -> memref<128xi32, #tpu.memory_space<vmem>>
        %dma_start3A_85 = arith.constant 0 : i32
        %dma_start3A_86 = arith.constant 0 : i32
        %dma_start3A_87 = tpu.memref_slice %arg2[%dma_start3A_85, %dma_start3A_86] : memref<10000x48xbf16, #tpu.memory_space<hbm>> -> memref<10000x48xbf16, #tpu.memory_space<hbm>>
        tpu.enqueue_indirect_dma source(%dma_start3A_87 : memref<10000x48xbf16, #tpu.memory_space<hbm>>) target(%arg9 : memref<128x48xbf16, #tpu.memory_space<vmem>>) offsets(%dma_start3A_84 : memref<128xi32, #tpu.memory_space<vmem>>) semaphore(%arg12 : memref<!tpu.dma_semaphore, #tpu.memory_space<semaphore_mem>>)
        %dma_wait3A_88 = arith.constant 0 : i32
        %dma_wait3A_89 = tpu.memref_slice %arg8[%add3A_67, %dma_wait3A_88] : memref<102x128xi32, #tpu.memory_space<vmem>> -> memref<1x128xi32, #tpu.memory_space<vmem>>
        %dma_wait3A_90 = tpu.memref_squeeze %dma_wait3A_89 : memref<1x128xi32, #tpu.memory_space<vmem>> -> memref<128xi32, #tpu.memory_space<vmem>>
        %dma_wait3A_91 = arith.constant 0 : i32
        %dma_wait3A_92 = arith.constant 0 : i32
        %dma_wait3A_93 = tpu.memref_slice %arg11[%dma_wait3A_91, %dma_wait3A_92] : memref<10240x48xbf16, #tpu.memory_space<vmem_shared>> -> memref<10240x48xbf16, #tpu.memory_space<vmem_shared>>
        tpu.wait_indirect_dma semaphore(%arg15 : memref<!tpu.dma_semaphore, #tpu.memory_space<semaphore_mem>>) src(%arg10 : memref<128x48xbf16, #tpu.memory_space<vmem>>) dst(%dma_wait3A_93 : memref<10240x48xbf16, #tpu.memory_space<vmem_shared>>)
        %add3A_94 = arith.constant 3 : i32
        %add3A_95 = arith.addi %mul3A_47, %add3A_94 : i32
        %dma_start3A_96 = arith.constant 0 : i32
        %dma_start3A_97 = tpu.memref_slice %arg7[%add3A_95, %dma_start3A_96] : memref<102x128xi32, #tpu.memory_space<vmem>> -> memref<1x128xi32, #tpu.memory_space<vmem>>
        %dma_start3A_98 = tpu.memref_squeeze %dma_start3A_97 : memref<1x128xi32, #tpu.memory_space<vmem>> -> memref<128xi32, #tpu.memory_space<vmem>>
        %dma_start3A_99 = arith.constant 0 : i32
        %dma_start3A_100 = arith.constant 0 : i32
        %dma_start3A_101 = tpu.memref_slice %arg2[%dma_start3A_99, %dma_start3A_100] : memref<10000x48xbf16, #tpu.memory_space<hbm>> -> memref<10000x48xbf16, #tpu.memory_space<hbm>>
        tpu.enqueue_indirect_dma source(%dma_start3A_101 : memref<10000x48xbf16, #tpu.memory_space<hbm>>) target(%arg10 : memref<128x48xbf16, #tpu.memory_space<vmem>>) offsets(%dma_start3A_98 : memref<128xi32, #tpu.memory_space<vmem>>) semaphore(%arg13 : memref<!tpu.dma_semaphore, #tpu.memory_space<semaphore_mem>>)
      }
      %scan3A_32 = arith.constant 28 : i32
      %dma_wait3A = arith.constant 0 : i32
      %dma_wait3A_33 = arith.constant 0 : i32
      %dma_wait3A_34 = tpu.memref_slice %arg2[%dma_wait3A, %dma_wait3A_33] : memref<10000x48xbf16, #tpu.memory_space<hbm>> -> memref<128x48xbf16, #tpu.memory_space<hbm>>
      %dma_wait3A_35 = arith.constant 0 : i32
      %dma_wait3A_36 = arith.constant 0 : i32
      %dma_wait3A_37 = tpu.memref_slice %arg2[%dma_wait3A_35, %dma_wait3A_36] : memref<10000x48xbf16, #tpu.memory_space<hbm>> -> memref<128x48xbf16, #tpu.memory_space<hbm>>
      tpu.wait_dma2 semaphore(%arg12 : memref<!tpu.dma_semaphore, #tpu.memory_space<semaphore_mem>>) src(%dma_wait3A_37 : memref<128x48xbf16, #tpu.memory_space<hbm>>) dst(%arg9 : memref<128x48xbf16, #tpu.memory_space<vmem>>)
      %run_scoped3A = arith.constant 56 : i32
      "tpu.region"() ({
        %run_scoped3A_45 = tpu.sem_alloc : memref<!tpu.dma_semaphore, #tpu.memory_space<semaphore_mem>>
        %dma_start3A_46 = arith.constant 0 : i32
        %dma_start3A_47 = tpu.memref_slice %arg8[%run_scoped3A, %dma_start3A_46] : memref<102x128xi32, #tpu.memory_space<vmem>> -> memref<1x128xi32, #tpu.memory_space<vmem>>
        %dma_start3A_48 = tpu.memref_squeeze %dma_start3A_47 : memref<1x128xi32, #tpu.memory_space<vmem>> -> memref<128xi32, #tpu.memory_space<vmem>>
        %dma_start3A_49 = arith.constant 0 : i32
        %dma_start3A_50 = arith.constant 0 : i32
        %dma_start3A_51 = tpu.memref_slice %arg11[%dma_start3A_49, %dma_start3A_50] : memref<10240x48xbf16, #tpu.memory_space<vmem_shared>> -> memref<10240x48xbf16, #tpu.memory_space<vmem_shared>>
        tpu.enqueue_indirect_dma source(%arg9 : memref<128x48xbf16, #tpu.memory_space<vmem>>) target(%dma_start3A_51 : memref<10240x48xbf16, #tpu.memory_space<vmem_shared>>) offsets(%dma_start3A_48 : memref<128xi32, #tpu.memory_space<vmem>>) semaphore(%run_scoped3A_45 : memref<!tpu.dma_semaphore, #tpu.memory_space<semaphore_mem>>) {add = true}
        %dma_wait3A_52 = arith.constant 0 : i32
        %dma_wait3A_53 = tpu.memref_slice %arg8[%run_scoped3A, %dma_wait3A_52] : memref<102x128xi32, #tpu.memory_space<vmem>> -> memref<1x128xi32, #tpu.memory_space<vmem>>
        %dma_wait3A_54 = tpu.memref_squeeze %dma_wait3A_53 : memref<1x128xi32, #tpu.memory_space<vmem>> -> memref<128xi32, #tpu.memory_space<vmem>>
        %dma_wait3A_55 = arith.constant 0 : i32
        %dma_wait3A_56 = arith.constant 0 : i32
        %dma_wait3A_57 = tpu.memref_slice %arg11[%dma_wait3A_55, %dma_wait3A_56] : memref<10240x48xbf16, #tpu.memory_space<vmem_shared>> -> memref<10240x48xbf16, #tpu.memory_space<vmem_shared>>
        tpu.wait_indirect_dma semaphore(%run_scoped3A_45 : memref<!tpu.dma_semaphore, #tpu.memory_space<semaphore_mem>>) src(%arg9 : memref<128x48xbf16, #tpu.memory_space<vmem>>) dst(%dma_wait3A_57 : memref<10240x48xbf16, #tpu.memory_space<vmem_shared>>)
        tpu.yield
      }) : () -> ()
      %dma_wait3A_38 = arith.constant 0 : i32
      %dma_wait3A_39 = arith.constant 0 : i32
      %dma_wait3A_40 = tpu.memref_slice %arg2[%dma_wait3A_38, %dma_wait3A_39] : memref<10000x48xbf16, #tpu.memory_space<hbm>> -> memref<128x48xbf16, #tpu.memory_space<hbm>>
      %dma_wait3A_41 = arith.constant 0 : i32
      %dma_wait3A_42 = arith.constant 0 : i32
      %dma_wait3A_43 = tpu.memref_slice %arg2[%dma_wait3A_41, %dma_wait3A_42] : memref<10000x48xbf16, #tpu.memory_space<hbm>> -> memref<128x48xbf16, #tpu.memory_space<hbm>>
      tpu.wait_dma2 semaphore(%arg13 : memref<!tpu.dma_semaphore, #tpu.memory_space<semaphore_mem>>) src(%dma_wait3A_43 : memref<128x48xbf16, #tpu.memory_space<hbm>>) dst(%arg10 : memref<128x48xbf16, #tpu.memory_space<vmem>>)
      %run_scoped3A_44 = arith.constant 57 : i32
      "tpu.region"() ({
        %run_scoped3A_45 = tpu.sem_alloc : memref<!tpu.dma_semaphore, #tpu.memory_space<semaphore_mem>>
        %dma_start3A_46 = arith.constant 0 : i32
        %dma_start3A_47 = tpu.memref_slice %arg8[%run_scoped3A_44, %dma_start3A_46] : memref<102x128xi32, #tpu.memory_space<vmem>> -> memref<1x128xi32, #tpu.memory_space<vmem>>
        %dma_start3A_48 = tpu.memref_squeeze %dma_start3A_47 : memref<1x128xi32, #tpu.memory_space<vmem>> -> memref<128xi32, #tpu.memory_space<vmem>>
        %dma_start3A_49 = arith.constant 0 : i32
        %dma_start3A_50 = arith.constant 0 : i32
        %dma_start3A_51 = tpu.memref_slice %arg11[%dma_start3A_49, %dma_start3A_50] : memref<10240x48xbf16, #tpu.memory_space<vmem_shared>> -> memref<10240x48xbf16, #tpu.memory_space<vmem_shared>>
        tpu.enqueue_indirect_dma source(%arg10 : memref<128x48xbf16, #tpu.memory_space<vmem>>) target(%dma_start3A_51 : memref<10240x48xbf16, #tpu.memory_space<vmem_shared>>) offsets(%dma_start3A_48 : memref<128xi32, #tpu.memory_space<vmem>>) semaphore(%run_scoped3A_45 : memref<!tpu.dma_semaphore, #tpu.memory_space<semaphore_mem>>) {add = true}
        %dma_wait3A_52 = arith.constant 0 : i32
        %dma_wait3A_53 = tpu.memref_slice %arg8[%run_scoped3A_44, %dma_wait3A_52] : memref<102x128xi32, #tpu.memory_space<vmem>> -> memref<1x128xi32, #tpu.memory_space<vmem>>
        %dma_wait3A_54 = tpu.memref_squeeze %dma_wait3A_53 : memref<1x128xi32, #tpu.memory_space<vmem>> -> memref<128xi32, #tpu.memory_space<vmem>>
        %dma_wait3A_55 = arith.constant 0 : i32
        %dma_wait3A_56 = arith.constant 0 : i32
        %dma_wait3A_57 = tpu.memref_slice %arg11[%dma_wait3A_55, %dma_wait3A_56] : memref<10240x48xbf16, #tpu.memory_space<vmem_shared>> -> memref<10240x48xbf16, #tpu.memory_space<vmem_shared>>
        tpu.wait_indirect_dma semaphore(%run_scoped3A_45 : memref<!tpu.dma_semaphore, #tpu.memory_space<semaphore_mem>>) src(%arg10 : memref<128x48xbf16, #tpu.memory_space<vmem>>) dst(%dma_wait3A_57 : memref<10240x48xbf16, #tpu.memory_space<vmem_shared>>)
        tpu.yield
      }) : () -> ()
    } else {
    }
    %barrier3A_7 = arith.constant 0 : index
    tpu.barrier barrier_id(%barrier3A_7)
    %mul3A_8 = arith.constant 640 : i32
    %mul3A_9 = arith.muli %arg1, %mul3A_8 : i32
    %mul3A_10 = arith.constant 640 : i32
    %mul3A_11 = arith.muli %arg1, %mul3A_10 : i32
    "tpu.region"() ({
      %run_scoped3A = tpu.sem_alloc : memref<!tpu.dma_semaphore, #tpu.memory_space<semaphore_mem>>
      %dma_start3A = arith.constant 0 : i32
      %dma_start3A_12 = tpu.memref_slice %arg6[%arg0, %mul3A_11, %dma_start3A] : memref<2x10240x48xbf16, #tpu.memory_space<hbm>> -> memref<1x640x48xbf16, #tpu.memory_space<hbm>>
      %dma_start3A_13 = tpu.memref_squeeze %dma_start3A_12 : memref<1x640x48xbf16, #tpu.memory_space<hbm>> -> memref<640x48xbf16, #tpu.memory_space<hbm>>
      %dma_start3A_14 = arith.constant 0 : i32
      %dma_start3A_15 = tpu.memref_slice %arg11[%mul3A_9, %dma_start3A_14] : memref<10240x48xbf16, #tpu.memory_space<vmem_shared>> -> memref<640x48xbf16, #tpu.memory_space<vmem_shared>>
      tpu.enqueue_dma source(%dma_start3A_15 : memref<640x48xbf16, #tpu.memory_space<vmem_shared>>) target(%dma_start3A_13 : memref<640x48xbf16, #tpu.memory_space<hbm>>) target_semaphore(%run_scoped3A : memref<!tpu.dma_semaphore, #tpu.memory_space<semaphore_mem>>)
      %dma_wait3A = arith.constant 0 : i32
      %dma_wait3A_16 = tpu.memref_slice %arg6[%arg0, %mul3A_11, %dma_wait3A] : memref<2x10240x48xbf16, #tpu.memory_space<hbm>> -> memref<1x640x48xbf16, #tpu.memory_space<hbm>>
      %dma_wait3A_17 = tpu.memref_squeeze %dma_wait3A_16 : memref<1x640x48xbf16, #tpu.memory_space<hbm>> -> memref<640x48xbf16, #tpu.memory_space<hbm>>
      %dma_wait3A_18 = arith.constant 0 : i32
      %dma_wait3A_19 = tpu.memref_slice %arg11[%mul3A_9, %dma_wait3A_18] : memref<10240x48xbf16, #tpu.memory_space<vmem_shared>> -> memref<640x48xbf16, #tpu.memory_space<vmem_shared>>
      tpu.wait_dma2 semaphore(%run_scoped3A : memref<!tpu.dma_semaphore, #tpu.memory_space<semaphore_mem>>) src(%dma_wait3A_19 : memref<640x48xbf16, #tpu.memory_space<vmem_shared>>) dst(%dma_wait3A_17 : memref<640x48xbf16, #tpu.memory_space<hbm>>)
      tpu.yield
    }) : () -> ()
    return
  }
}

#map = affine_map<(d0, d1) -> (0, 0)>
#map1 = affine_map<(d0, d1) -> (0, 0, 0)>
module attributes {stable_mosaic.version = 14 : i64} {
  func.func @_deg_kernel(%arg0: i32, %arg1: i32, %arg2: memref<2560x128xi32, #tpu.memory_space<hbm>>, %arg3: memref<128x8xf32, #tpu.memory_space<hbm>>, %arg4: memref<640x8xf32, #tpu.memory_space<hbm>>, %arg5: memref<2x10240x8xf32, #tpu.memory_space<hbm>>, %arg6: memref<80x128xi32, #tpu.memory_space<vmem>>, %arg7: memref<128x8xf32, #tpu.memory_space<vmem>>, %arg8: memref<10240x8xf32, #tpu.memory_space<vmem_shared>>) attributes {dimension_semantics = [#tpu.dimension_semantics<core_parallel>, #tpu.dimension_semantics<subcore_parallel>], iteration_bounds = array<i64: 2, 16>, scalar_prefetch = 0 : i64, scratch_operands = 3 : i64, tpu.core_type = #tpu.core_type<sc_vector_subcore>, window_params = [{transform_indices = #map}, {transform_indices = #map}, {transform_indices = #map}, {transform_indices = #map1}]} {
    %mul3A = arith.constant 2 : i32
    %mul3A_0 = arith.muli %arg1, %mul3A : i32
    %add3A = arith.addi %mul3A_0, %arg0 : i32
    %mul3A_1 = arith.constant 640 : i32
    %mul3A_2 = arith.muli %arg1, %mul3A_1 : i32
    "tpu.region"() ({
      %run_scoped3A = tpu.sem_alloc : memref<!tpu.dma_semaphore, #tpu.memory_space<semaphore_mem>>
      %dma_start3A = arith.constant 0 : i32
      %dma_start3A_15 = tpu.memref_slice %arg8[%mul3A_2, %dma_start3A] : memref<10240x8xf32, #tpu.memory_space<vmem_shared>> -> memref<640x8xf32, #tpu.memory_space<vmem_shared>>
      tpu.enqueue_dma source(%arg4 : memref<640x8xf32, #tpu.memory_space<hbm>>) target(%dma_start3A_15 : memref<640x8xf32, #tpu.memory_space<vmem_shared>>) target_semaphore(%run_scoped3A : memref<!tpu.dma_semaphore, #tpu.memory_space<semaphore_mem>>)
      %dma_wait3A = arith.constant 0 : i32
      %dma_wait3A_16 = tpu.memref_slice %arg8[%mul3A_2, %dma_wait3A] : memref<10240x8xf32, #tpu.memory_space<vmem_shared>> -> memref<640x8xf32, #tpu.memory_space<vmem_shared>>
      tpu.wait_dma2 semaphore(%run_scoped3A : memref<!tpu.dma_semaphore, #tpu.memory_space<semaphore_mem>>) src(%arg4 : memref<640x8xf32, #tpu.memory_space<hbm>>) dst(%dma_wait3A_16 : memref<640x8xf32, #tpu.memory_space<vmem_shared>>)
      tpu.yield
    }) : () -> ()
    %mul3A_3 = arith.constant 80 : i32
    %mul3A_4 = arith.muli %add3A, %mul3A_3 : i32
    "tpu.region"() ({
      %run_scoped3A = tpu.sem_alloc : memref<!tpu.dma_semaphore, #tpu.memory_space<semaphore_mem>>
      %dma_start3A = arith.constant 0 : i32
      %dma_start3A_15 = tpu.memref_slice %arg2[%mul3A_4, %dma_start3A] : memref<2560x128xi32, #tpu.memory_space<hbm>> -> memref<80x128xi32, #tpu.memory_space<hbm>>
      %dma_start3A_16 = arith.constant 0 : i32
      %dma_start3A_17 = tpu.memref_slice %arg2[%mul3A_4, %dma_start3A_16] : memref<2560x128xi32, #tpu.memory_space<hbm>> -> memref<80x128xi32, #tpu.memory_space<hbm>>
      tpu.enqueue_dma source(%dma_start3A_17 : memref<80x128xi32, #tpu.memory_space<hbm>>) target(%arg6 : memref<80x128xi32, #tpu.memory_space<vmem>>) target_semaphore(%run_scoped3A : memref<!tpu.dma_semaphore, #tpu.memory_space<semaphore_mem>>)
      %dma_wait3A = arith.constant 0 : i32
      %dma_wait3A_18 = tpu.memref_slice %arg2[%mul3A_4, %dma_wait3A] : memref<2560x128xi32, #tpu.memory_space<hbm>> -> memref<80x128xi32, #tpu.memory_space<hbm>>
      %dma_wait3A_19 = arith.constant 0 : i32
      %dma_wait3A_20 = tpu.memref_slice %arg2[%mul3A_4, %dma_wait3A_19] : memref<2560x128xi32, #tpu.memory_space<hbm>> -> memref<80x128xi32, #tpu.memory_space<hbm>>
      tpu.wait_dma2 semaphore(%run_scoped3A : memref<!tpu.dma_semaphore, #tpu.memory_space<semaphore_mem>>) src(%dma_wait3A_20 : memref<80x128xi32, #tpu.memory_space<hbm>>) dst(%arg6 : memref<80x128xi32, #tpu.memory_space<vmem>>)
      tpu.yield
    }) : () -> ()
    "tpu.region"() ({
      %run_scoped3A = tpu.sem_alloc : memref<!tpu.dma_semaphore, #tpu.memory_space<semaphore_mem>>
      tpu.enqueue_dma source(%arg3 : memref<128x8xf32, #tpu.memory_space<hbm>>) target(%arg7 : memref<128x8xf32, #tpu.memory_space<vmem>>) target_semaphore(%run_scoped3A : memref<!tpu.dma_semaphore, #tpu.memory_space<semaphore_mem>>)
      tpu.wait_dma2 semaphore(%run_scoped3A : memref<!tpu.dma_semaphore, #tpu.memory_space<semaphore_mem>>) src(%arg3 : memref<128x8xf32, #tpu.memory_space<hbm>>) dst(%arg7 : memref<128x8xf32, #tpu.memory_space<vmem>>)
      tpu.yield
    }) : () -> ()
    %barrier3A = arith.constant 0 : index
    tpu.barrier barrier_id(%barrier3A)
    %scan3A = arith.constant 0 : i32
    %scan3A_5 = arith.constant 0 : i32
    %scan3A_6 = arith.constant 80 : i32
    %scan3A_7 = arith.addi %scan3A_5, %scan3A_6 : i32
    %scan3A_8 = arith.constant 1 : i32
    scf.for %scan3A_15 = %scan3A_5 to %scan3A_7 step %scan3A_8  : i32 {
      "tpu.region"() ({
        %run_scoped3A = tpu.sem_alloc : memref<!tpu.dma_semaphore, #tpu.memory_space<semaphore_mem>>
        %dma_start3A = arith.constant 0 : i32
        %dma_start3A_16 = tpu.memref_slice %arg6[%scan3A_15, %dma_start3A] : memref<80x128xi32, #tpu.memory_space<vmem>> -> memref<1x128xi32, #tpu.memory_space<vmem>>
        %dma_start3A_17 = tpu.memref_squeeze %dma_start3A_16 : memref<1x128xi32, #tpu.memory_space<vmem>> -> memref<128xi32, #tpu.memory_space<vmem>>
        %dma_start3A_18 = arith.constant 0 : i32
        %dma_start3A_19 = arith.constant 0 : i32
        %dma_start3A_20 = tpu.memref_slice %arg8[%dma_start3A_18, %dma_start3A_19] : memref<10240x8xf32, #tpu.memory_space<vmem_shared>> -> memref<10240x8xf32, #tpu.memory_space<vmem_shared>>
        tpu.enqueue_indirect_dma source(%arg7 : memref<128x8xf32, #tpu.memory_space<vmem>>) target(%dma_start3A_20 : memref<10240x8xf32, #tpu.memory_space<vmem_shared>>) offsets(%dma_start3A_17 : memref<128xi32, #tpu.memory_space<vmem>>) semaphore(%run_scoped3A : memref<!tpu.dma_semaphore, #tpu.memory_space<semaphore_mem>>) {add = true}
        %dma_wait3A = arith.constant 0 : i32
        %dma_wait3A_21 = tpu.memref_slice %arg6[%scan3A_15, %dma_wait3A] : memref<80x128xi32, #tpu.memory_space<vmem>> -> memref<1x128xi32, #tpu.memory_space<vmem>>
        %dma_wait3A_22 = tpu.memref_squeeze %dma_wait3A_21 : memref<1x128xi32, #tpu.memory_space<vmem>> -> memref<128xi32, #tpu.memory_space<vmem>>
        %dma_wait3A_23 = arith.constant 0 : i32
        %dma_wait3A_24 = arith.constant 0 : i32
        %dma_wait3A_25 = tpu.memref_slice %arg8[%dma_wait3A_23, %dma_wait3A_24] : memref<10240x8xf32, #tpu.memory_space<vmem_shared>> -> memref<10240x8xf32, #tpu.memory_space<vmem_shared>>
        tpu.wait_indirect_dma semaphore(%run_scoped3A : memref<!tpu.dma_semaphore, #tpu.memory_space<semaphore_mem>>) src(%arg7 : memref<128x8xf32, #tpu.memory_space<vmem>>) dst(%dma_wait3A_25 : memref<10240x8xf32, #tpu.memory_space<vmem_shared>>)
        tpu.yield
      }) : () -> ()
    }
    %scan3A_9 = arith.constant 80 : i32
    %barrier3A_10 = arith.constant 0 : index
    tpu.barrier barrier_id(%barrier3A_10)
    %mul3A_11 = arith.constant 640 : i32
    %mul3A_12 = arith.muli %arg1, %mul3A_11 : i32
    %mul3A_13 = arith.constant 640 : i32
    %mul3A_14 = arith.muli %arg1, %mul3A_13 : i32
    "tpu.region"() ({
      %run_scoped3A = tpu.sem_alloc : memref<!tpu.dma_semaphore, #tpu.memory_space<semaphore_mem>>
      %dma_start3A = arith.constant 0 : i32
      %dma_start3A_15 = tpu.memref_slice %arg5[%arg0, %mul3A_14, %dma_start3A] : memref<2x10240x8xf32, #tpu.memory_space<hbm>> -> memref<1x640x8xf32, #tpu.memory_space<hbm>>
      %dma_start3A_16 = tpu.memref_squeeze %dma_start3A_15 : memref<1x640x8xf32, #tpu.memory_space<hbm>> -> memref<640x8xf32, #tpu.memory_space<hbm>>
      %dma_start3A_17 = arith.constant 0 : i32
      %dma_start3A_18 = tpu.memref_slice %arg8[%mul3A_12, %dma_start3A_17] : memref<10240x8xf32, #tpu.memory_space<vmem_shared>> -> memref<640x8xf32, #tpu.memory_space<vmem_shared>>
      tpu.enqueue_dma source(%dma_start3A_18 : memref<640x8xf32, #tpu.memory_space<vmem_shared>>) target(%dma_start3A_16 : memref<640x8xf32, #tpu.memory_space<hbm>>) target_semaphore(%run_scoped3A : memref<!tpu.dma_semaphore, #tpu.memory_space<semaphore_mem>>)
      %dma_wait3A = arith.constant 0 : i32
      %dma_wait3A_19 = tpu.memref_slice %arg5[%arg0, %mul3A_14, %dma_wait3A] : memref<2x10240x8xf32, #tpu.memory_space<hbm>> -> memref<1x640x8xf32, #tpu.memory_space<hbm>>
      %dma_wait3A_20 = tpu.memref_squeeze %dma_wait3A_19 : memref<1x640x8xf32, #tpu.memory_space<hbm>> -> memref<640x8xf32, #tpu.memory_space<hbm>>
      %dma_wait3A_21 = arith.constant 0 : i32
      %dma_wait3A_22 = tpu.memref_slice %arg8[%mul3A_12, %dma_wait3A_21] : memref<10240x8xf32, #tpu.memory_space<vmem_shared>> -> memref<640x8xf32, #tpu.memory_space<vmem_shared>>
      tpu.wait_dma2 semaphore(%run_scoped3A : memref<!tpu.dma_semaphore, #tpu.memory_space<semaphore_mem>>) src(%dma_wait3A_22 : memref<640x8xf32, #tpu.memory_space<vmem_shared>>) dst(%dma_wait3A_20 : memref<640x8xf32, #tpu.memory_space<hbm>>)
      tpu.yield
    }) : () -> ()
    return
  }
}

#map = affine_map<(d0, d1) -> (0, 0)>
#map1 = affine_map<(d0, d1) -> (0, 0, 0)>
module attributes {stable_mosaic.version = 14 : i64} {
  func.func @agg_kernel(%arg0: i32, %arg1: i32, %arg2: memref<10000x64xbf16, #tpu.memory_space<hbm>>, %arg3: memref<2560x128xi32, #tpu.memory_space<hbm>>, %arg4: memref<2560x128xi32, #tpu.memory_space<hbm>>, %arg5: memref<640x64xbf16, #tpu.memory_space<hbm>>, %arg6: memref<2x10240x64xbf16, #tpu.memory_space<hbm>>, %arg7: memref<104x128xi32, #tpu.memory_space<vmem>>, %arg8: memref<104x128xi32, #tpu.memory_space<vmem>>, %arg9: memref<128x64xbf16, #tpu.memory_space<vmem>>, %arg10: memref<128x64xbf16, #tpu.memory_space<vmem>>, %arg11: memref<10240x64xbf16, #tpu.memory_space<vmem_shared>>, %arg12: memref<!tpu.dma_semaphore, #tpu.memory_space<semaphore_mem>>, %arg13: memref<!tpu.dma_semaphore, #tpu.memory_space<semaphore_mem>>, %arg14: memref<!tpu.dma_semaphore, #tpu.memory_space<semaphore_mem>>, %arg15: memref<!tpu.dma_semaphore, #tpu.memory_space<semaphore_mem>>) attributes {dimension_semantics = [#tpu.dimension_semantics<core_parallel>, #tpu.dimension_semantics<subcore_parallel>], iteration_bounds = array<i64: 2, 16>, scalar_prefetch = 0 : i64, scratch_operands = 9 : i64, tpu.core_type = #tpu.core_type<sc_vector_subcore>, window_params = [{transform_indices = #map}, {transform_indices = #map}, {transform_indices = #map}, {transform_indices = #map}, {transform_indices = #map1}]} {
    %mul3A = arith.constant 640 : i32
    %mul3A_0 = arith.muli %arg1, %mul3A : i32
    "tpu.region"() ({
      %run_scoped3A = tpu.sem_alloc : memref<!tpu.dma_semaphore, #tpu.memory_space<semaphore_mem>>
      %dma_start3A = arith.constant 0 : i32
      %dma_start3A_12 = tpu.memref_slice %arg11[%mul3A_0, %dma_start3A] : memref<10240x64xbf16, #tpu.memory_space<vmem_shared>> -> memref<640x64xbf16, #tpu.memory_space<vmem_shared>>
      tpu.enqueue_dma source(%arg5 : memref<640x64xbf16, #tpu.memory_space<hbm>>) target(%dma_start3A_12 : memref<640x64xbf16, #tpu.memory_space<vmem_shared>>) target_semaphore(%run_scoped3A : memref<!tpu.dma_semaphore, #tpu.memory_space<semaphore_mem>>)
      %dma_wait3A = arith.constant 0 : i32
      %dma_wait3A_13 = tpu.memref_slice %arg11[%mul3A_0, %dma_wait3A] : memref<10240x64xbf16, #tpu.memory_space<vmem_shared>> -> memref<640x64xbf16, #tpu.memory_space<vmem_shared>>
      tpu.wait_dma2 semaphore(%run_scoped3A : memref<!tpu.dma_semaphore, #tpu.memory_space<semaphore_mem>>) src(%arg5 : memref<640x64xbf16, #tpu.memory_space<hbm>>) dst(%dma_wait3A_13 : memref<640x64xbf16, #tpu.memory_space<vmem_shared>>)
      tpu.yield
    }) : () -> ()
    %barrier3A = arith.constant 0 : index
    tpu.barrier barrier_id(%barrier3A)
    %eq3A = arith.constant 0 : i32
    %eq3A_1 = arith.cmpi eq, %arg0, %eq3A : i32
    %convert_element_type3A = arith.extui %eq3A_1 : i1 to i32
    %cond3A = arith.constant 0 : i32
    %cond3A_2 = arith.cmpi ne, %convert_element_type3A, %cond3A : i32
    scf.if %cond3A_2 {
      %mul3A_12 = arith.constant 104 : i32
      %mul3A_13 = arith.muli %arg1, %mul3A_12 : i32
      "tpu.region"() ({
        %run_scoped3A_44 = tpu.sem_alloc : memref<!tpu.dma_semaphore, #tpu.memory_space<semaphore_mem>>
        %dma_start3A_45 = arith.constant 0 : i32
        %dma_start3A_46 = arith.constant 0 : i32
        %dma_start3A_47 = tpu.memref_slice %arg7[%dma_start3A_45, %dma_start3A_46] : memref<104x128xi32, #tpu.memory_space<vmem>> -> memref<104x128xi32, #tpu.memory_space<vmem>>
        %dma_start3A_48 = arith.constant 0 : i32
        %dma_start3A_49 = tpu.memref_slice %arg3[%mul3A_13, %dma_start3A_48] : memref<2560x128xi32, #tpu.memory_space<hbm>> -> memref<104x128xi32, #tpu.memory_space<hbm>>
        %dma_start3A_50 = arith.constant 0 : i32
        %dma_start3A_51 = arith.constant 0 : i32
        %dma_start3A_52 = tpu.memref_slice %arg7[%dma_start3A_50, %dma_start3A_51] : memref<104x128xi32, #tpu.memory_space<vmem>> -> memref<104x128xi32, #tpu.memory_space<vmem>>
        %dma_start3A_53 = arith.constant 0 : i32
        %dma_start3A_54 = tpu.memref_slice %arg3[%mul3A_13, %dma_start3A_53] : memref<2560x128xi32, #tpu.memory_space<hbm>> -> memref<104x128xi32, #tpu.memory_space<hbm>>
        tpu.enqueue_dma source(%dma_start3A_54 : memref<104x128xi32, #tpu.memory_space<hbm>>) target(%dma_start3A_52 : memref<104x128xi32, #tpu.memory_space<vmem>>) target_semaphore(%run_scoped3A_44 : memref<!tpu.dma_semaphore, #tpu.memory_space<semaphore_mem>>)
        %dma_wait3A_55 = arith.constant 0 : i32
        %dma_wait3A_56 = arith.constant 0 : i32
        %dma_wait3A_57 = tpu.memref_slice %arg7[%dma_wait3A_55, %dma_wait3A_56] : memref<104x128xi32, #tpu.memory_space<vmem>> -> memref<104x128xi32, #tpu.memory_space<vmem>>
        %dma_wait3A_58 = arith.constant 0 : i32
        %dma_wait3A_59 = tpu.memref_slice %arg3[%mul3A_13, %dma_wait3A_58] : memref<2560x128xi32, #tpu.memory_space<hbm>> -> memref<104x128xi32, #tpu.memory_space<hbm>>
        %dma_wait3A_60 = arith.constant 0 : i32
        %dma_wait3A_61 = arith.constant 0 : i32
        %dma_wait3A_62 = tpu.memref_slice %arg7[%dma_wait3A_60, %dma_wait3A_61] : memref<104x128xi32, #tpu.memory_space<vmem>> -> memref<104x128xi32, #tpu.memory_space<vmem>>
        %dma_wait3A_63 = arith.constant 0 : i32
        %dma_wait3A_64 = tpu.memref_slice %arg3[%mul3A_13, %dma_wait3A_63] : memref<2560x128xi32, #tpu.memory_space<hbm>> -> memref<104x128xi32, #tpu.memory_space<hbm>>
        tpu.wait_dma2 semaphore(%run_scoped3A_44 : memref<!tpu.dma_semaphore, #tpu.memory_space<semaphore_mem>>) src(%dma_wait3A_64 : memref<104x128xi32, #tpu.memory_space<hbm>>) dst(%dma_wait3A_62 : memref<104x128xi32, #tpu.memory_space<vmem>>)
        tpu.yield
      }) : () -> ()
      "tpu.region"() ({
        %run_scoped3A_44 = tpu.sem_alloc : memref<!tpu.dma_semaphore, #tpu.memory_space<semaphore_mem>>
        %dma_start3A_45 = arith.constant 0 : i32
        %dma_start3A_46 = arith.constant 0 : i32
        %dma_start3A_47 = tpu.memref_slice %arg8[%dma_start3A_45, %dma_start3A_46] : memref<104x128xi32, #tpu.memory_space<vmem>> -> memref<104x128xi32, #tpu.memory_space<vmem>>
        %dma_start3A_48 = arith.constant 0 : i32
        %dma_start3A_49 = tpu.memref_slice %arg4[%mul3A_13, %dma_start3A_48] : memref<2560x128xi32, #tpu.memory_space<hbm>> -> memref<104x128xi32, #tpu.memory_space<hbm>>
        %dma_start3A_50 = arith.constant 0 : i32
        %dma_start3A_51 = arith.constant 0 : i32
        %dma_start3A_52 = tpu.memref_slice %arg8[%dma_start3A_50, %dma_start3A_51] : memref<104x128xi32, #tpu.memory_space<vmem>> -> memref<104x128xi32, #tpu.memory_space<vmem>>
        %dma_start3A_53 = arith.constant 0 : i32
        %dma_start3A_54 = tpu.memref_slice %arg4[%mul3A_13, %dma_start3A_53] : memref<2560x128xi32, #tpu.memory_space<hbm>> -> memref<104x128xi32, #tpu.memory_space<hbm>>
        tpu.enqueue_dma source(%dma_start3A_54 : memref<104x128xi32, #tpu.memory_space<hbm>>) target(%dma_start3A_52 : memref<104x128xi32, #tpu.memory_space<vmem>>) target_semaphore(%run_scoped3A_44 : memref<!tpu.dma_semaphore, #tpu.memory_space<semaphore_mem>>)
        %dma_wait3A_55 = arith.constant 0 : i32
        %dma_wait3A_56 = arith.constant 0 : i32
        %dma_wait3A_57 = tpu.memref_slice %arg8[%dma_wait3A_55, %dma_wait3A_56] : memref<104x128xi32, #tpu.memory_space<vmem>> -> memref<104x128xi32, #tpu.memory_space<vmem>>
        %dma_wait3A_58 = arith.constant 0 : i32
        %dma_wait3A_59 = tpu.memref_slice %arg4[%mul3A_13, %dma_wait3A_58] : memref<2560x128xi32, #tpu.memory_space<hbm>> -> memref<104x128xi32, #tpu.memory_space<hbm>>
        %dma_wait3A_60 = arith.constant 0 : i32
        %dma_wait3A_61 = arith.constant 0 : i32
        %dma_wait3A_62 = tpu.memref_slice %arg8[%dma_wait3A_60, %dma_wait3A_61] : memref<104x128xi32, #tpu.memory_space<vmem>> -> memref<104x128xi32, #tpu.memory_space<vmem>>
        %dma_wait3A_63 = arith.constant 0 : i32
        %dma_wait3A_64 = tpu.memref_slice %arg4[%mul3A_13, %dma_wait3A_63] : memref<2560x128xi32, #tpu.memory_space<hbm>> -> memref<104x128xi32, #tpu.memory_space<hbm>>
        tpu.wait_dma2 semaphore(%run_scoped3A_44 : memref<!tpu.dma_semaphore, #tpu.memory_space<semaphore_mem>>) src(%dma_wait3A_64 : memref<104x128xi32, #tpu.memory_space<hbm>>) dst(%dma_wait3A_62 : memref<104x128xi32, #tpu.memory_space<vmem>>)
        tpu.yield
      }) : () -> ()
      %dma_start3A = arith.constant 0 : i32
      %dma_start3A_14 = arith.constant 0 : i32
      %dma_start3A_15 = tpu.memref_slice %arg7[%dma_start3A, %dma_start3A_14] : memref<104x128xi32, #tpu.memory_space<vmem>> -> memref<1x128xi32, #tpu.memory_space<vmem>>
      %dma_start3A_16 = tpu.memref_squeeze %dma_start3A_15 : memref<1x128xi32, #tpu.memory_space<vmem>> -> memref<128xi32, #tpu.memory_space<vmem>>
      %dma_start3A_17 = arith.constant 0 : i32
      %dma_start3A_18 = arith.constant 0 : i32
      %dma_start3A_19 = tpu.memref_slice %arg2[%dma_start3A_17, %dma_start3A_18] : memref<10000x64xbf16, #tpu.memory_space<hbm>> -> memref<10000x64xbf16, #tpu.memory_space<hbm>>
      tpu.enqueue_indirect_dma source(%dma_start3A_19 : memref<10000x64xbf16, #tpu.memory_space<hbm>>) target(%arg9 : memref<128x64xbf16, #tpu.memory_space<vmem>>) offsets(%dma_start3A_16 : memref<128xi32, #tpu.memory_space<vmem>>) semaphore(%arg12 : memref<!tpu.dma_semaphore, #tpu.memory_space<semaphore_mem>>)
      %dma_start3A_20 = arith.constant 1 : i32
      %dma_start3A_21 = arith.constant 0 : i32
      %dma_start3A_22 = tpu.memref_slice %arg7[%dma_start3A_20, %dma_start3A_21] : memref<104x128xi32, #tpu.memory_space<vmem>> -> memref<1x128xi32, #tpu.memory_space<vmem>>
      %dma_start3A_23 = tpu.memref_squeeze %dma_start3A_22 : memref<1x128xi32, #tpu.memory_space<vmem>> -> memref<128xi32, #tpu.memory_space<vmem>>
      %dma_start3A_24 = arith.constant 0 : i32
      %dma_start3A_25 = arith.constant 0 : i32
      %dma_start3A_26 = tpu.memref_slice %arg2[%dma_start3A_24, %dma_start3A_25] : memref<10000x64xbf16, #tpu.memory_space<hbm>> -> memref<10000x64xbf16, #tpu.memory_space<hbm>>
      tpu.enqueue_indirect_dma source(%dma_start3A_26 : memref<10000x64xbf16, #tpu.memory_space<hbm>>) target(%arg10 : memref<128x64xbf16, #tpu.memory_space<vmem>>) offsets(%dma_start3A_23 : memref<128xi32, #tpu.memory_space<vmem>>) semaphore(%arg13 : memref<!tpu.dma_semaphore, #tpu.memory_space<semaphore_mem>>)
      %scan3A = arith.constant 0 : i32
      %scan3A_27 = arith.constant 0 : i32
      %scan3A_28 = arith.constant 51 : i32
      %scan3A_29 = arith.addi %scan3A_27, %scan3A_28 : i32
      %scan3A_30 = arith.constant 1 : i32
      scf.for %scan3A_44 = %scan3A_27 to %scan3A_29 step %scan3A_30  : i32 {
        %mul3A_45 = arith.constant 2 : i32
        %mul3A_46 = arith.muli %scan3A_44, %mul3A_45 : i32
        %dma_wait3A_47 = arith.constant 0 : i32
        %dma_wait3A_48 = arith.constant 0 : i32
        %dma_wait3A_49 = tpu.memref_slice %arg2[%dma_wait3A_47, %dma_wait3A_48] : memref<10000x64xbf16, #tpu.memory_space<hbm>> -> memref<128x64xbf16, #tpu.memory_space<hbm>>
        %dma_wait3A_50 = arith.constant 0 : i32
        %dma_wait3A_51 = arith.constant 0 : i32
        %dma_wait3A_52 = tpu.memref_slice %arg2[%dma_wait3A_50, %dma_wait3A_51] : memref<10000x64xbf16, #tpu.memory_space<hbm>> -> memref<128x64xbf16, #tpu.memory_space<hbm>>
        tpu.wait_dma2 semaphore(%arg12 : memref<!tpu.dma_semaphore, #tpu.memory_space<semaphore_mem>>) src(%dma_wait3A_52 : memref<128x64xbf16, #tpu.memory_space<hbm>>) dst(%arg9 : memref<128x64xbf16, #tpu.memory_space<vmem>>)
        %dma_start3A_53 = arith.constant 0 : i32
        %dma_start3A_54 = tpu.memref_slice %arg8[%mul3A_46, %dma_start3A_53] : memref<104x128xi32, #tpu.memory_space<vmem>> -> memref<1x128xi32, #tpu.memory_space<vmem>>
        %dma_start3A_55 = tpu.memref_squeeze %dma_start3A_54 : memref<1x128xi32, #tpu.memory_space<vmem>> -> memref<128xi32, #tpu.memory_space<vmem>>
        %dma_start3A_56 = arith.constant 0 : i32
        %dma_start3A_57 = arith.constant 0 : i32
        %dma_start3A_58 = tpu.memref_slice %arg11[%dma_start3A_56, %dma_start3A_57] : memref<10240x64xbf16, #tpu.memory_space<vmem_shared>> -> memref<10240x64xbf16, #tpu.memory_space<vmem_shared>>
        tpu.enqueue_indirect_dma source(%arg9 : memref<128x64xbf16, #tpu.memory_space<vmem>>) target(%dma_start3A_58 : memref<10240x64xbf16, #tpu.memory_space<vmem_shared>>) offsets(%dma_start3A_55 : memref<128xi32, #tpu.memory_space<vmem>>) semaphore(%arg14 : memref<!tpu.dma_semaphore, #tpu.memory_space<semaphore_mem>>) {add = true}
        %dma_wait3A_59 = arith.constant 0 : i32
        %dma_wait3A_60 = arith.constant 0 : i32
        %dma_wait3A_61 = tpu.memref_slice %arg2[%dma_wait3A_59, %dma_wait3A_60] : memref<10000x64xbf16, #tpu.memory_space<hbm>> -> memref<128x64xbf16, #tpu.memory_space<hbm>>
        %dma_wait3A_62 = arith.constant 0 : i32
        %dma_wait3A_63 = arith.constant 0 : i32
        %dma_wait3A_64 = tpu.memref_slice %arg2[%dma_wait3A_62, %dma_wait3A_63] : memref<10000x64xbf16, #tpu.memory_space<hbm>> -> memref<128x64xbf16, #tpu.memory_space<hbm>>
        tpu.wait_dma2 semaphore(%arg13 : memref<!tpu.dma_semaphore, #tpu.memory_space<semaphore_mem>>) src(%dma_wait3A_64 : memref<128x64xbf16, #tpu.memory_space<hbm>>) dst(%arg10 : memref<128x64xbf16, #tpu.memory_space<vmem>>)
        %add3A = arith.constant 1 : i32
        %add3A_65 = arith.addi %mul3A_46, %add3A : i32
        %dma_start3A_66 = arith.constant 0 : i32
        %dma_start3A_67 = tpu.memref_slice %arg8[%add3A_65, %dma_start3A_66] : memref<104x128xi32, #tpu.memory_space<vmem>> -> memref<1x128xi32, #tpu.memory_space<vmem>>
        %dma_start3A_68 = tpu.memref_squeeze %dma_start3A_67 : memref<1x128xi32, #tpu.memory_space<vmem>> -> memref<128xi32, #tpu.memory_space<vmem>>
        %dma_start3A_69 = arith.constant 0 : i32
        %dma_start3A_70 = arith.constant 0 : i32
        %dma_start3A_71 = tpu.memref_slice %arg11[%dma_start3A_69, %dma_start3A_70] : memref<10240x64xbf16, #tpu.memory_space<vmem_shared>> -> memref<10240x64xbf16, #tpu.memory_space<vmem_shared>>
        tpu.enqueue_indirect_dma source(%arg10 : memref<128x64xbf16, #tpu.memory_space<vmem>>) target(%dma_start3A_71 : memref<10240x64xbf16, #tpu.memory_space<vmem_shared>>) offsets(%dma_start3A_68 : memref<128xi32, #tpu.memory_space<vmem>>) semaphore(%arg15 : memref<!tpu.dma_semaphore, #tpu.memory_space<semaphore_mem>>) {add = true}
        %dma_wait3A_72 = arith.constant 0 : i32
        %dma_wait3A_73 = tpu.memref_slice %arg8[%mul3A_46, %dma_wait3A_72] : memref<104x128xi32, #tpu.memory_space<vmem>> -> memref<1x128xi32, #tpu.memory_space<vmem>>
        %dma_wait3A_74 = tpu.memref_squeeze %dma_wait3A_73 : memref<1x128xi32, #tpu.memory_space<vmem>> -> memref<128xi32, #tpu.memory_space<vmem>>
        %dma_wait3A_75 = arith.constant 0 : i32
        %dma_wait3A_76 = arith.constant 0 : i32
        %dma_wait3A_77 = tpu.memref_slice %arg11[%dma_wait3A_75, %dma_wait3A_76] : memref<10240x64xbf16, #tpu.memory_space<vmem_shared>> -> memref<10240x64xbf16, #tpu.memory_space<vmem_shared>>
        tpu.wait_indirect_dma semaphore(%arg14 : memref<!tpu.dma_semaphore, #tpu.memory_space<semaphore_mem>>) src(%arg9 : memref<128x64xbf16, #tpu.memory_space<vmem>>) dst(%dma_wait3A_77 : memref<10240x64xbf16, #tpu.memory_space<vmem_shared>>)
        %add3A_78 = arith.constant 2 : i32
        %add3A_79 = arith.addi %mul3A_46, %add3A_78 : i32
        %dma_start3A_80 = arith.constant 0 : i32
        %dma_start3A_81 = tpu.memref_slice %arg7[%add3A_79, %dma_start3A_80] : memref<104x128xi32, #tpu.memory_space<vmem>> -> memref<1x128xi32, #tpu.memory_space<vmem>>
        %dma_start3A_82 = tpu.memref_squeeze %dma_start3A_81 : memref<1x128xi32, #tpu.memory_space<vmem>> -> memref<128xi32, #tpu.memory_space<vmem>>
        %dma_start3A_83 = arith.constant 0 : i32
        %dma_start3A_84 = arith.constant 0 : i32
        %dma_start3A_85 = tpu.memref_slice %arg2[%dma_start3A_83, %dma_start3A_84] : memref<10000x64xbf16, #tpu.memory_space<hbm>> -> memref<10000x64xbf16, #tpu.memory_space<hbm>>
        tpu.enqueue_indirect_dma source(%dma_start3A_85 : memref<10000x64xbf16, #tpu.memory_space<hbm>>) target(%arg9 : memref<128x64xbf16, #tpu.memory_space<vmem>>) offsets(%dma_start3A_82 : memref<128xi32, #tpu.memory_space<vmem>>) semaphore(%arg12 : memref<!tpu.dma_semaphore, #tpu.memory_space<semaphore_mem>>)
        %dma_wait3A_86 = arith.constant 0 : i32
        %dma_wait3A_87 = tpu.memref_slice %arg8[%add3A_65, %dma_wait3A_86] : memref<104x128xi32, #tpu.memory_space<vmem>> -> memref<1x128xi32, #tpu.memory_space<vmem>>
        %dma_wait3A_88 = tpu.memref_squeeze %dma_wait3A_87 : memref<1x128xi32, #tpu.memory_space<vmem>> -> memref<128xi32, #tpu.memory_space<vmem>>
        %dma_wait3A_89 = arith.constant 0 : i32
        %dma_wait3A_90 = arith.constant 0 : i32
        %dma_wait3A_91 = tpu.memref_slice %arg11[%dma_wait3A_89, %dma_wait3A_90] : memref<10240x64xbf16, #tpu.memory_space<vmem_shared>> -> memref<10240x64xbf16, #tpu.memory_space<vmem_shared>>
        tpu.wait_indirect_dma semaphore(%arg15 : memref<!tpu.dma_semaphore, #tpu.memory_space<semaphore_mem>>) src(%arg10 : memref<128x64xbf16, #tpu.memory_space<vmem>>) dst(%dma_wait3A_91 : memref<10240x64xbf16, #tpu.memory_space<vmem_shared>>)
        %add3A_92 = arith.constant 3 : i32
        %add3A_93 = arith.addi %mul3A_46, %add3A_92 : i32
        %dma_start3A_94 = arith.constant 0 : i32
        %dma_start3A_95 = tpu.memref_slice %arg7[%add3A_93, %dma_start3A_94] : memref<104x128xi32, #tpu.memory_space<vmem>> -> memref<1x128xi32, #tpu.memory_space<vmem>>
        %dma_start3A_96 = tpu.memref_squeeze %dma_start3A_95 : memref<1x128xi32, #tpu.memory_space<vmem>> -> memref<128xi32, #tpu.memory_space<vmem>>
        %dma_start3A_97 = arith.constant 0 : i32
        %dma_start3A_98 = arith.constant 0 : i32
        %dma_start3A_99 = tpu.memref_slice %arg2[%dma_start3A_97, %dma_start3A_98] : memref<10000x64xbf16, #tpu.memory_space<hbm>> -> memref<10000x64xbf16, #tpu.memory_space<hbm>>
        tpu.enqueue_indirect_dma source(%dma_start3A_99 : memref<10000x64xbf16, #tpu.memory_space<hbm>>) target(%arg10 : memref<128x64xbf16, #tpu.memory_space<vmem>>) offsets(%dma_start3A_96 : memref<128xi32, #tpu.memory_space<vmem>>) semaphore(%arg13 : memref<!tpu.dma_semaphore, #tpu.memory_space<semaphore_mem>>)
      }
      %scan3A_31 = arith.constant 51 : i32
      %dma_wait3A = arith.constant 0 : i32
      %dma_wait3A_32 = arith.constant 0 : i32
      %dma_wait3A_33 = tpu.memref_slice %arg2[%dma_wait3A, %dma_wait3A_32] : memref<10000x64xbf16, #tpu.memory_space<hbm>> -> memref<128x64xbf16, #tpu.memory_space<hbm>>
      %dma_wait3A_34 = arith.constant 0 : i32
      %dma_wait3A_35 = arith.constant 0 : i32
      %dma_wait3A_36 = tpu.memref_slice %arg2[%dma_wait3A_34, %dma_wait3A_35] : memref<10000x64xbf16, #tpu.memory_space<hbm>> -> memref<128x64xbf16, #tpu.memory_space<hbm>>
      tpu.wait_dma2 semaphore(%arg12 : memref<!tpu.dma_semaphore, #tpu.memory_space<semaphore_mem>>) src(%dma_wait3A_36 : memref<128x64xbf16, #tpu.memory_space<hbm>>) dst(%arg9 : memref<128x64xbf16, #tpu.memory_space<vmem>>)
      %run_scoped3A = arith.constant 102 : i32
      "tpu.region"() ({
        %run_scoped3A_44 = tpu.sem_alloc : memref<!tpu.dma_semaphore, #tpu.memory_space<semaphore_mem>>
        %dma_start3A_45 = arith.constant 0 : i32
        %dma_start3A_46 = tpu.memref_slice %arg8[%run_scoped3A, %dma_start3A_45] : memref<104x128xi32, #tpu.memory_space<vmem>> -> memref<1x128xi32, #tpu.memory_space<vmem>>
        %dma_start3A_47 = tpu.memref_squeeze %dma_start3A_46 : memref<1x128xi32, #tpu.memory_space<vmem>> -> memref<128xi32, #tpu.memory_space<vmem>>
        %dma_start3A_48 = arith.constant 0 : i32
        %dma_start3A_49 = arith.constant 0 : i32
        %dma_start3A_50 = tpu.memref_slice %arg11[%dma_start3A_48, %dma_start3A_49] : memref<10240x64xbf16, #tpu.memory_space<vmem_shared>> -> memref<10240x64xbf16, #tpu.memory_space<vmem_shared>>
        tpu.enqueue_indirect_dma source(%arg9 : memref<128x64xbf16, #tpu.memory_space<vmem>>) target(%dma_start3A_50 : memref<10240x64xbf16, #tpu.memory_space<vmem_shared>>) offsets(%dma_start3A_47 : memref<128xi32, #tpu.memory_space<vmem>>) semaphore(%run_scoped3A_44 : memref<!tpu.dma_semaphore, #tpu.memory_space<semaphore_mem>>) {add = true}
        %dma_wait3A_51 = arith.constant 0 : i32
        %dma_wait3A_52 = tpu.memref_slice %arg8[%run_scoped3A, %dma_wait3A_51] : memref<104x128xi32, #tpu.memory_space<vmem>> -> memref<1x128xi32, #tpu.memory_space<vmem>>
        %dma_wait3A_53 = tpu.memref_squeeze %dma_wait3A_52 : memref<1x128xi32, #tpu.memory_space<vmem>> -> memref<128xi32, #tpu.memory_space<vmem>>
        %dma_wait3A_54 = arith.constant 0 : i32
        %dma_wait3A_55 = arith.constant 0 : i32
        %dma_wait3A_56 = tpu.memref_slice %arg11[%dma_wait3A_54, %dma_wait3A_55] : memref<10240x64xbf16, #tpu.memory_space<vmem_shared>> -> memref<10240x64xbf16, #tpu.memory_space<vmem_shared>>
        tpu.wait_indirect_dma semaphore(%run_scoped3A_44 : memref<!tpu.dma_semaphore, #tpu.memory_space<semaphore_mem>>) src(%arg9 : memref<128x64xbf16, #tpu.memory_space<vmem>>) dst(%dma_wait3A_56 : memref<10240x64xbf16, #tpu.memory_space<vmem_shared>>)
        tpu.yield
      }) : () -> ()
      %dma_wait3A_37 = arith.constant 0 : i32
      %dma_wait3A_38 = arith.constant 0 : i32
      %dma_wait3A_39 = tpu.memref_slice %arg2[%dma_wait3A_37, %dma_wait3A_38] : memref<10000x64xbf16, #tpu.memory_space<hbm>> -> memref<128x64xbf16, #tpu.memory_space<hbm>>
      %dma_wait3A_40 = arith.constant 0 : i32
      %dma_wait3A_41 = arith.constant 0 : i32
      %dma_wait3A_42 = tpu.memref_slice %arg2[%dma_wait3A_40, %dma_wait3A_41] : memref<10000x64xbf16, #tpu.memory_space<hbm>> -> memref<128x64xbf16, #tpu.memory_space<hbm>>
      tpu.wait_dma2 semaphore(%arg13 : memref<!tpu.dma_semaphore, #tpu.memory_space<semaphore_mem>>) src(%dma_wait3A_42 : memref<128x64xbf16, #tpu.memory_space<hbm>>) dst(%arg10 : memref<128x64xbf16, #tpu.memory_space<vmem>>)
      %run_scoped3A_43 = arith.constant 103 : i32
      "tpu.region"() ({
        %run_scoped3A_44 = tpu.sem_alloc : memref<!tpu.dma_semaphore, #tpu.memory_space<semaphore_mem>>
        %dma_start3A_45 = arith.constant 0 : i32
        %dma_start3A_46 = tpu.memref_slice %arg8[%run_scoped3A_43, %dma_start3A_45] : memref<104x128xi32, #tpu.memory_space<vmem>> -> memref<1x128xi32, #tpu.memory_space<vmem>>
        %dma_start3A_47 = tpu.memref_squeeze %dma_start3A_46 : memref<1x128xi32, #tpu.memory_space<vmem>> -> memref<128xi32, #tpu.memory_space<vmem>>
        %dma_start3A_48 = arith.constant 0 : i32
        %dma_start3A_49 = arith.constant 0 : i32
        %dma_start3A_50 = tpu.memref_slice %arg11[%dma_start3A_48, %dma_start3A_49] : memref<10240x64xbf16, #tpu.memory_space<vmem_shared>> -> memref<10240x64xbf16, #tpu.memory_space<vmem_shared>>
        tpu.enqueue_indirect_dma source(%arg10 : memref<128x64xbf16, #tpu.memory_space<vmem>>) target(%dma_start3A_50 : memref<10240x64xbf16, #tpu.memory_space<vmem_shared>>) offsets(%dma_start3A_47 : memref<128xi32, #tpu.memory_space<vmem>>) semaphore(%run_scoped3A_44 : memref<!tpu.dma_semaphore, #tpu.memory_space<semaphore_mem>>) {add = true}
        %dma_wait3A_51 = arith.constant 0 : i32
        %dma_wait3A_52 = tpu.memref_slice %arg8[%run_scoped3A_43, %dma_wait3A_51] : memref<104x128xi32, #tpu.memory_space<vmem>> -> memref<1x128xi32, #tpu.memory_space<vmem>>
        %dma_wait3A_53 = tpu.memref_squeeze %dma_wait3A_52 : memref<1x128xi32, #tpu.memory_space<vmem>> -> memref<128xi32, #tpu.memory_space<vmem>>
        %dma_wait3A_54 = arith.constant 0 : i32
        %dma_wait3A_55 = arith.constant 0 : i32
        %dma_wait3A_56 = tpu.memref_slice %arg11[%dma_wait3A_54, %dma_wait3A_55] : memref<10240x64xbf16, #tpu.memory_space<vmem_shared>> -> memref<10240x64xbf16, #tpu.memory_space<vmem_shared>>
        tpu.wait_indirect_dma semaphore(%run_scoped3A_44 : memref<!tpu.dma_semaphore, #tpu.memory_space<semaphore_mem>>) src(%arg10 : memref<128x64xbf16, #tpu.memory_space<vmem>>) dst(%dma_wait3A_56 : memref<10240x64xbf16, #tpu.memory_space<vmem_shared>>)
        tpu.yield
      }) : () -> ()
    } else {
    }
    %ne3A = arith.constant 0 : i32
    %ne3A_3 = arith.cmpi ne, %arg0, %ne3A : i32
    %convert_element_type3A_4 = arith.extui %ne3A_3 : i1 to i32
    %cond3A_5 = arith.constant 0 : i32
    %cond3A_6 = arith.cmpi ne, %convert_element_type3A_4, %cond3A_5 : i32
    scf.if %cond3A_6 {
      %mul3A_12 = arith.constant 56 : i32
      %mul3A_13 = arith.muli %arg1, %mul3A_12 : i32
      %add3A = arith.constant 1664 : i32
      %add3A_14 = arith.addi %add3A, %mul3A_13 : i32
      "tpu.region"() ({
        %run_scoped3A_45 = tpu.sem_alloc : memref<!tpu.dma_semaphore, #tpu.memory_space<semaphore_mem>>
        %dma_start3A_46 = arith.constant 0 : i32
        %dma_start3A_47 = arith.constant 0 : i32
        %dma_start3A_48 = tpu.memref_slice %arg7[%dma_start3A_46, %dma_start3A_47] : memref<104x128xi32, #tpu.memory_space<vmem>> -> memref<56x128xi32, #tpu.memory_space<vmem>>
        %dma_start3A_49 = arith.constant 0 : i32
        %dma_start3A_50 = tpu.memref_slice %arg3[%add3A_14, %dma_start3A_49] : memref<2560x128xi32, #tpu.memory_space<hbm>> -> memref<56x128xi32, #tpu.memory_space<hbm>>
        %dma_start3A_51 = arith.constant 0 : i32
        %dma_start3A_52 = arith.constant 0 : i32
        %dma_start3A_53 = tpu.memref_slice %arg7[%dma_start3A_51, %dma_start3A_52] : memref<104x128xi32, #tpu.memory_space<vmem>> -> memref<56x128xi32, #tpu.memory_space<vmem>>
        %dma_start3A_54 = arith.constant 0 : i32
        %dma_start3A_55 = tpu.memref_slice %arg3[%add3A_14, %dma_start3A_54] : memref<2560x128xi32, #tpu.memory_space<hbm>> -> memref<56x128xi32, #tpu.memory_space<hbm>>
        tpu.enqueue_dma source(%dma_start3A_55 : memref<56x128xi32, #tpu.memory_space<hbm>>) target(%dma_start3A_53 : memref<56x128xi32, #tpu.memory_space<vmem>>) target_semaphore(%run_scoped3A_45 : memref<!tpu.dma_semaphore, #tpu.memory_space<semaphore_mem>>)
        %dma_wait3A_56 = arith.constant 0 : i32
        %dma_wait3A_57 = arith.constant 0 : i32
        %dma_wait3A_58 = tpu.memref_slice %arg7[%dma_wait3A_56, %dma_wait3A_57] : memref<104x128xi32, #tpu.memory_space<vmem>> -> memref<56x128xi32, #tpu.memory_space<vmem>>
        %dma_wait3A_59 = arith.constant 0 : i32
        %dma_wait3A_60 = tpu.memref_slice %arg3[%add3A_14, %dma_wait3A_59] : memref<2560x128xi32, #tpu.memory_space<hbm>> -> memref<56x128xi32, #tpu.memory_space<hbm>>
        %dma_wait3A_61 = arith.constant 0 : i32
        %dma_wait3A_62 = arith.constant 0 : i32
        %dma_wait3A_63 = tpu.memref_slice %arg7[%dma_wait3A_61, %dma_wait3A_62] : memref<104x128xi32, #tpu.memory_space<vmem>> -> memref<56x128xi32, #tpu.memory_space<vmem>>
        %dma_wait3A_64 = arith.constant 0 : i32
        %dma_wait3A_65 = tpu.memref_slice %arg3[%add3A_14, %dma_wait3A_64] : memref<2560x128xi32, #tpu.memory_space<hbm>> -> memref<56x128xi32, #tpu.memory_space<hbm>>
        tpu.wait_dma2 semaphore(%run_scoped3A_45 : memref<!tpu.dma_semaphore, #tpu.memory_space<semaphore_mem>>) src(%dma_wait3A_65 : memref<56x128xi32, #tpu.memory_space<hbm>>) dst(%dma_wait3A_63 : memref<56x128xi32, #tpu.memory_space<vmem>>)
        tpu.yield
      }) : () -> ()
      "tpu.region"() ({
        %run_scoped3A_45 = tpu.sem_alloc : memref<!tpu.dma_semaphore, #tpu.memory_space<semaphore_mem>>
        %dma_start3A_46 = arith.constant 0 : i32
        %dma_start3A_47 = arith.constant 0 : i32
        %dma_start3A_48 = tpu.memref_slice %arg8[%dma_start3A_46, %dma_start3A_47] : memref<104x128xi32, #tpu.memory_space<vmem>> -> memref<56x128xi32, #tpu.memory_space<vmem>>
        %dma_start3A_49 = arith.constant 0 : i32
        %dma_start3A_50 = tpu.memref_slice %arg4[%add3A_14, %dma_start3A_49] : memref<2560x128xi32, #tpu.memory_space<hbm>> -> memref<56x128xi32, #tpu.memory_space<hbm>>
        %dma_start3A_51 = arith.constant 0 : i32
        %dma_start3A_52 = arith.constant 0 : i32
        %dma_start3A_53 = tpu.memref_slice %arg8[%dma_start3A_51, %dma_start3A_52] : memref<104x128xi32, #tpu.memory_space<vmem>> -> memref<56x128xi32, #tpu.memory_space<vmem>>
        %dma_start3A_54 = arith.constant 0 : i32
        %dma_start3A_55 = tpu.memref_slice %arg4[%add3A_14, %dma_start3A_54] : memref<2560x128xi32, #tpu.memory_space<hbm>> -> memref<56x128xi32, #tpu.memory_space<hbm>>
        tpu.enqueue_dma source(%dma_start3A_55 : memref<56x128xi32, #tpu.memory_space<hbm>>) target(%dma_start3A_53 : memref<56x128xi32, #tpu.memory_space<vmem>>) target_semaphore(%run_scoped3A_45 : memref<!tpu.dma_semaphore, #tpu.memory_space<semaphore_mem>>)
        %dma_wait3A_56 = arith.constant 0 : i32
        %dma_wait3A_57 = arith.constant 0 : i32
        %dma_wait3A_58 = tpu.memref_slice %arg8[%dma_wait3A_56, %dma_wait3A_57] : memref<104x128xi32, #tpu.memory_space<vmem>> -> memref<56x128xi32, #tpu.memory_space<vmem>>
        %dma_wait3A_59 = arith.constant 0 : i32
        %dma_wait3A_60 = tpu.memref_slice %arg4[%add3A_14, %dma_wait3A_59] : memref<2560x128xi32, #tpu.memory_space<hbm>> -> memref<56x128xi32, #tpu.memory_space<hbm>>
        %dma_wait3A_61 = arith.constant 0 : i32
        %dma_wait3A_62 = arith.constant 0 : i32
        %dma_wait3A_63 = tpu.memref_slice %arg8[%dma_wait3A_61, %dma_wait3A_62] : memref<104x128xi32, #tpu.memory_space<vmem>> -> memref<56x128xi32, #tpu.memory_space<vmem>>
        %dma_wait3A_64 = arith.constant 0 : i32
        %dma_wait3A_65 = tpu.memref_slice %arg4[%add3A_14, %dma_wait3A_64] : memref<2560x128xi32, #tpu.memory_space<hbm>> -> memref<56x128xi32, #tpu.memory_space<hbm>>
        tpu.wait_dma2 semaphore(%run_scoped3A_45 : memref<!tpu.dma_semaphore, #tpu.memory_space<semaphore_mem>>) src(%dma_wait3A_65 : memref<56x128xi32, #tpu.memory_space<hbm>>) dst(%dma_wait3A_63 : memref<56x128xi32, #tpu.memory_space<vmem>>)
        tpu.yield
      }) : () -> ()
      %dma_start3A = arith.constant 0 : i32
      %dma_start3A_15 = arith.constant 0 : i32
      %dma_start3A_16 = tpu.memref_slice %arg7[%dma_start3A, %dma_start3A_15] : memref<104x128xi32, #tpu.memory_space<vmem>> -> memref<1x128xi32, #tpu.memory_space<vmem>>
      %dma_start3A_17 = tpu.memref_squeeze %dma_start3A_16 : memref<1x128xi32, #tpu.memory_space<vmem>> -> memref<128xi32, #tpu.memory_space<vmem>>
      %dma_start3A_18 = arith.constant 0 : i32
      %dma_start3A_19 = arith.constant 0 : i32
      %dma_start3A_20 = tpu.memref_slice %arg2[%dma_start3A_18, %dma_start3A_19] : memref<10000x64xbf16, #tpu.memory_space<hbm>> -> memref<10000x64xbf16, #tpu.memory_space<hbm>>
      tpu.enqueue_indirect_dma source(%dma_start3A_20 : memref<10000x64xbf16, #tpu.memory_space<hbm>>) target(%arg9 : memref<128x64xbf16, #tpu.memory_space<vmem>>) offsets(%dma_start3A_17 : memref<128xi32, #tpu.memory_space<vmem>>) semaphore(%arg12 : memref<!tpu.dma_semaphore, #tpu.memory_space<semaphore_mem>>)
      %dma_start3A_21 = arith.constant 1 : i32
      %dma_start3A_22 = arith.constant 0 : i32
      %dma_start3A_23 = tpu.memref_slice %arg7[%dma_start3A_21, %dma_start3A_22] : memref<104x128xi32, #tpu.memory_space<vmem>> -> memref<1x128xi32, #tpu.memory_space<vmem>>
      %dma_start3A_24 = tpu.memref_squeeze %dma_start3A_23 : memref<1x128xi32, #tpu.memory_space<vmem>> -> memref<128xi32, #tpu.memory_space<vmem>>
      %dma_start3A_25 = arith.constant 0 : i32
      %dma_start3A_26 = arith.constant 0 : i32
      %dma_start3A_27 = tpu.memref_slice %arg2[%dma_start3A_25, %dma_start3A_26] : memref<10000x64xbf16, #tpu.memory_space<hbm>> -> memref<10000x64xbf16, #tpu.memory_space<hbm>>
      tpu.enqueue_indirect_dma source(%dma_start3A_27 : memref<10000x64xbf16, #tpu.memory_space<hbm>>) target(%arg10 : memref<128x64xbf16, #tpu.memory_space<vmem>>) offsets(%dma_start3A_24 : memref<128xi32, #tpu.memory_space<vmem>>) semaphore(%arg13 : memref<!tpu.dma_semaphore, #tpu.memory_space<semaphore_mem>>)
      %scan3A = arith.constant 0 : i32
      %scan3A_28 = arith.constant 0 : i32
      %scan3A_29 = arith.constant 27 : i32
      %scan3A_30 = arith.addi %scan3A_28, %scan3A_29 : i32
      %scan3A_31 = arith.constant 1 : i32
      scf.for %scan3A_45 = %scan3A_28 to %scan3A_30 step %scan3A_31  : i32 {
        %mul3A_46 = arith.constant 2 : i32
        %mul3A_47 = arith.muli %scan3A_45, %mul3A_46 : i32
        %dma_wait3A_48 = arith.constant 0 : i32
        %dma_wait3A_49 = arith.constant 0 : i32
        %dma_wait3A_50 = tpu.memref_slice %arg2[%dma_wait3A_48, %dma_wait3A_49] : memref<10000x64xbf16, #tpu.memory_space<hbm>> -> memref<128x64xbf16, #tpu.memory_space<hbm>>
        %dma_wait3A_51 = arith.constant 0 : i32
        %dma_wait3A_52 = arith.constant 0 : i32
        %dma_wait3A_53 = tpu.memref_slice %arg2[%dma_wait3A_51, %dma_wait3A_52] : memref<10000x64xbf16, #tpu.memory_space<hbm>> -> memref<128x64xbf16, #tpu.memory_space<hbm>>
        tpu.wait_dma2 semaphore(%arg12 : memref<!tpu.dma_semaphore, #tpu.memory_space<semaphore_mem>>) src(%dma_wait3A_53 : memref<128x64xbf16, #tpu.memory_space<hbm>>) dst(%arg9 : memref<128x64xbf16, #tpu.memory_space<vmem>>)
        %dma_start3A_54 = arith.constant 0 : i32
        %dma_start3A_55 = tpu.memref_slice %arg8[%mul3A_47, %dma_start3A_54] : memref<104x128xi32, #tpu.memory_space<vmem>> -> memref<1x128xi32, #tpu.memory_space<vmem>>
        %dma_start3A_56 = tpu.memref_squeeze %dma_start3A_55 : memref<1x128xi32, #tpu.memory_space<vmem>> -> memref<128xi32, #tpu.memory_space<vmem>>
        %dma_start3A_57 = arith.constant 0 : i32
        %dma_start3A_58 = arith.constant 0 : i32
        %dma_start3A_59 = tpu.memref_slice %arg11[%dma_start3A_57, %dma_start3A_58] : memref<10240x64xbf16, #tpu.memory_space<vmem_shared>> -> memref<10240x64xbf16, #tpu.memory_space<vmem_shared>>
        tpu.enqueue_indirect_dma source(%arg9 : memref<128x64xbf16, #tpu.memory_space<vmem>>) target(%dma_start3A_59 : memref<10240x64xbf16, #tpu.memory_space<vmem_shared>>) offsets(%dma_start3A_56 : memref<128xi32, #tpu.memory_space<vmem>>) semaphore(%arg14 : memref<!tpu.dma_semaphore, #tpu.memory_space<semaphore_mem>>) {add = true}
        %dma_wait3A_60 = arith.constant 0 : i32
        %dma_wait3A_61 = arith.constant 0 : i32
        %dma_wait3A_62 = tpu.memref_slice %arg2[%dma_wait3A_60, %dma_wait3A_61] : memref<10000x64xbf16, #tpu.memory_space<hbm>> -> memref<128x64xbf16, #tpu.memory_space<hbm>>
        %dma_wait3A_63 = arith.constant 0 : i32
        %dma_wait3A_64 = arith.constant 0 : i32
        %dma_wait3A_65 = tpu.memref_slice %arg2[%dma_wait3A_63, %dma_wait3A_64] : memref<10000x64xbf16, #tpu.memory_space<hbm>> -> memref<128x64xbf16, #tpu.memory_space<hbm>>
        tpu.wait_dma2 semaphore(%arg13 : memref<!tpu.dma_semaphore, #tpu.memory_space<semaphore_mem>>) src(%dma_wait3A_65 : memref<128x64xbf16, #tpu.memory_space<hbm>>) dst(%arg10 : memref<128x64xbf16, #tpu.memory_space<vmem>>)
        %add3A_66 = arith.constant 1 : i32
        %add3A_67 = arith.addi %mul3A_47, %add3A_66 : i32
        %dma_start3A_68 = arith.constant 0 : i32
        %dma_start3A_69 = tpu.memref_slice %arg8[%add3A_67, %dma_start3A_68] : memref<104x128xi32, #tpu.memory_space<vmem>> -> memref<1x128xi32, #tpu.memory_space<vmem>>
        %dma_start3A_70 = tpu.memref_squeeze %dma_start3A_69 : memref<1x128xi32, #tpu.memory_space<vmem>> -> memref<128xi32, #tpu.memory_space<vmem>>
        %dma_start3A_71 = arith.constant 0 : i32
        %dma_start3A_72 = arith.constant 0 : i32
        %dma_start3A_73 = tpu.memref_slice %arg11[%dma_start3A_71, %dma_start3A_72] : memref<10240x64xbf16, #tpu.memory_space<vmem_shared>> -> memref<10240x64xbf16, #tpu.memory_space<vmem_shared>>
        tpu.enqueue_indirect_dma source(%arg10 : memref<128x64xbf16, #tpu.memory_space<vmem>>) target(%dma_start3A_73 : memref<10240x64xbf16, #tpu.memory_space<vmem_shared>>) offsets(%dma_start3A_70 : memref<128xi32, #tpu.memory_space<vmem>>) semaphore(%arg15 : memref<!tpu.dma_semaphore, #tpu.memory_space<semaphore_mem>>) {add = true}
        %dma_wait3A_74 = arith.constant 0 : i32
        %dma_wait3A_75 = tpu.memref_slice %arg8[%mul3A_47, %dma_wait3A_74] : memref<104x128xi32, #tpu.memory_space<vmem>> -> memref<1x128xi32, #tpu.memory_space<vmem>>
        %dma_wait3A_76 = tpu.memref_squeeze %dma_wait3A_75 : memref<1x128xi32, #tpu.memory_space<vmem>> -> memref<128xi32, #tpu.memory_space<vmem>>
        %dma_wait3A_77 = arith.constant 0 : i32
        %dma_wait3A_78 = arith.constant 0 : i32
        %dma_wait3A_79 = tpu.memref_slice %arg11[%dma_wait3A_77, %dma_wait3A_78] : memref<10240x64xbf16, #tpu.memory_space<vmem_shared>> -> memref<10240x64xbf16, #tpu.memory_space<vmem_shared>>
        tpu.wait_indirect_dma semaphore(%arg14 : memref<!tpu.dma_semaphore, #tpu.memory_space<semaphore_mem>>) src(%arg9 : memref<128x64xbf16, #tpu.memory_space<vmem>>) dst(%dma_wait3A_79 : memref<10240x64xbf16, #tpu.memory_space<vmem_shared>>)
        %add3A_80 = arith.constant 2 : i32
        %add3A_81 = arith.addi %mul3A_47, %add3A_80 : i32
        %dma_start3A_82 = arith.constant 0 : i32
        %dma_start3A_83 = tpu.memref_slice %arg7[%add3A_81, %dma_start3A_82] : memref<104x128xi32, #tpu.memory_space<vmem>> -> memref<1x128xi32, #tpu.memory_space<vmem>>
        %dma_start3A_84 = tpu.memref_squeeze %dma_start3A_83 : memref<1x128xi32, #tpu.memory_space<vmem>> -> memref<128xi32, #tpu.memory_space<vmem>>
        %dma_start3A_85 = arith.constant 0 : i32
        %dma_start3A_86 = arith.constant 0 : i32
        %dma_start3A_87 = tpu.memref_slice %arg2[%dma_start3A_85, %dma_start3A_86] : memref<10000x64xbf16, #tpu.memory_space<hbm>> -> memref<10000x64xbf16, #tpu.memory_space<hbm>>
        tpu.enqueue_indirect_dma source(%dma_start3A_87 : memref<10000x64xbf16, #tpu.memory_space<hbm>>) target(%arg9 : memref<128x64xbf16, #tpu.memory_space<vmem>>) offsets(%dma_start3A_84 : memref<128xi32, #tpu.memory_space<vmem>>) semaphore(%arg12 : memref<!tpu.dma_semaphore, #tpu.memory_space<semaphore_mem>>)
        %dma_wait3A_88 = arith.constant 0 : i32
        %dma_wait3A_89 = tpu.memref_slice %arg8[%add3A_67, %dma_wait3A_88] : memref<104x128xi32, #tpu.memory_space<vmem>> -> memref<1x128xi32, #tpu.memory_space<vmem>>
        %dma_wait3A_90 = tpu.memref_squeeze %dma_wait3A_89 : memref<1x128xi32, #tpu.memory_space<vmem>> -> memref<128xi32, #tpu.memory_space<vmem>>
        %dma_wait3A_91 = arith.constant 0 : i32
        %dma_wait3A_92 = arith.constant 0 : i32
        %dma_wait3A_93 = tpu.memref_slice %arg11[%dma_wait3A_91, %dma_wait3A_92] : memref<10240x64xbf16, #tpu.memory_space<vmem_shared>> -> memref<10240x64xbf16, #tpu.memory_space<vmem_shared>>
        tpu.wait_indirect_dma semaphore(%arg15 : memref<!tpu.dma_semaphore, #tpu.memory_space<semaphore_mem>>) src(%arg10 : memref<128x64xbf16, #tpu.memory_space<vmem>>) dst(%dma_wait3A_93 : memref<10240x64xbf16, #tpu.memory_space<vmem_shared>>)
        %add3A_94 = arith.constant 3 : i32
        %add3A_95 = arith.addi %mul3A_47, %add3A_94 : i32
        %dma_start3A_96 = arith.constant 0 : i32
        %dma_start3A_97 = tpu.memref_slice %arg7[%add3A_95, %dma_start3A_96] : memref<104x128xi32, #tpu.memory_space<vmem>> -> memref<1x128xi32, #tpu.memory_space<vmem>>
        %dma_start3A_98 = tpu.memref_squeeze %dma_start3A_97 : memref<1x128xi32, #tpu.memory_space<vmem>> -> memref<128xi32, #tpu.memory_space<vmem>>
        %dma_start3A_99 = arith.constant 0 : i32
        %dma_start3A_100 = arith.constant 0 : i32
        %dma_start3A_101 = tpu.memref_slice %arg2[%dma_start3A_99, %dma_start3A_100] : memref<10000x64xbf16, #tpu.memory_space<hbm>> -> memref<10000x64xbf16, #tpu.memory_space<hbm>>
        tpu.enqueue_indirect_dma source(%dma_start3A_101 : memref<10000x64xbf16, #tpu.memory_space<hbm>>) target(%arg10 : memref<128x64xbf16, #tpu.memory_space<vmem>>) offsets(%dma_start3A_98 : memref<128xi32, #tpu.memory_space<vmem>>) semaphore(%arg13 : memref<!tpu.dma_semaphore, #tpu.memory_space<semaphore_mem>>)
      }
      %scan3A_32 = arith.constant 27 : i32
      %dma_wait3A = arith.constant 0 : i32
      %dma_wait3A_33 = arith.constant 0 : i32
      %dma_wait3A_34 = tpu.memref_slice %arg2[%dma_wait3A, %dma_wait3A_33] : memref<10000x64xbf16, #tpu.memory_space<hbm>> -> memref<128x64xbf16, #tpu.memory_space<hbm>>
      %dma_wait3A_35 = arith.constant 0 : i32
      %dma_wait3A_36 = arith.constant 0 : i32
      %dma_wait3A_37 = tpu.memref_slice %arg2[%dma_wait3A_35, %dma_wait3A_36] : memref<10000x64xbf16, #tpu.memory_space<hbm>> -> memref<128x64xbf16, #tpu.memory_space<hbm>>
      tpu.wait_dma2 semaphore(%arg12 : memref<!tpu.dma_semaphore, #tpu.memory_space<semaphore_mem>>) src(%dma_wait3A_37 : memref<128x64xbf16, #tpu.memory_space<hbm>>) dst(%arg9 : memref<128x64xbf16, #tpu.memory_space<vmem>>)
      %run_scoped3A = arith.constant 54 : i32
      "tpu.region"() ({
        %run_scoped3A_45 = tpu.sem_alloc : memref<!tpu.dma_semaphore, #tpu.memory_space<semaphore_mem>>
        %dma_start3A_46 = arith.constant 0 : i32
        %dma_start3A_47 = tpu.memref_slice %arg8[%run_scoped3A, %dma_start3A_46] : memref<104x128xi32, #tpu.memory_space<vmem>> -> memref<1x128xi32, #tpu.memory_space<vmem>>
        %dma_start3A_48 = tpu.memref_squeeze %dma_start3A_47 : memref<1x128xi32, #tpu.memory_space<vmem>> -> memref<128xi32, #tpu.memory_space<vmem>>
        %dma_start3A_49 = arith.constant 0 : i32
        %dma_start3A_50 = arith.constant 0 : i32
        %dma_start3A_51 = tpu.memref_slice %arg11[%dma_start3A_49, %dma_start3A_50] : memref<10240x64xbf16, #tpu.memory_space<vmem_shared>> -> memref<10240x64xbf16, #tpu.memory_space<vmem_shared>>
        tpu.enqueue_indirect_dma source(%arg9 : memref<128x64xbf16, #tpu.memory_space<vmem>>) target(%dma_start3A_51 : memref<10240x64xbf16, #tpu.memory_space<vmem_shared>>) offsets(%dma_start3A_48 : memref<128xi32, #tpu.memory_space<vmem>>) semaphore(%run_scoped3A_45 : memref<!tpu.dma_semaphore, #tpu.memory_space<semaphore_mem>>) {add = true}
        %dma_wait3A_52 = arith.constant 0 : i32
        %dma_wait3A_53 = tpu.memref_slice %arg8[%run_scoped3A, %dma_wait3A_52] : memref<104x128xi32, #tpu.memory_space<vmem>> -> memref<1x128xi32, #tpu.memory_space<vmem>>
        %dma_wait3A_54 = tpu.memref_squeeze %dma_wait3A_53 : memref<1x128xi32, #tpu.memory_space<vmem>> -> memref<128xi32, #tpu.memory_space<vmem>>
        %dma_wait3A_55 = arith.constant 0 : i32
        %dma_wait3A_56 = arith.constant 0 : i32
        %dma_wait3A_57 = tpu.memref_slice %arg11[%dma_wait3A_55, %dma_wait3A_56] : memref<10240x64xbf16, #tpu.memory_space<vmem_shared>> -> memref<10240x64xbf16, #tpu.memory_space<vmem_shared>>
        tpu.wait_indirect_dma semaphore(%run_scoped3A_45 : memref<!tpu.dma_semaphore, #tpu.memory_space<semaphore_mem>>) src(%arg9 : memref<128x64xbf16, #tpu.memory_space<vmem>>) dst(%dma_wait3A_57 : memref<10240x64xbf16, #tpu.memory_space<vmem_shared>>)
        tpu.yield
      }) : () -> ()
      %dma_wait3A_38 = arith.constant 0 : i32
      %dma_wait3A_39 = arith.constant 0 : i32
      %dma_wait3A_40 = tpu.memref_slice %arg2[%dma_wait3A_38, %dma_wait3A_39] : memref<10000x64xbf16, #tpu.memory_space<hbm>> -> memref<128x64xbf16, #tpu.memory_space<hbm>>
      %dma_wait3A_41 = arith.constant 0 : i32
      %dma_wait3A_42 = arith.constant 0 : i32
      %dma_wait3A_43 = tpu.memref_slice %arg2[%dma_wait3A_41, %dma_wait3A_42] : memref<10000x64xbf16, #tpu.memory_space<hbm>> -> memref<128x64xbf16, #tpu.memory_space<hbm>>
      tpu.wait_dma2 semaphore(%arg13 : memref<!tpu.dma_semaphore, #tpu.memory_space<semaphore_mem>>) src(%dma_wait3A_43 : memref<128x64xbf16, #tpu.memory_space<hbm>>) dst(%arg10 : memref<128x64xbf16, #tpu.memory_space<vmem>>)
      %run_scoped3A_44 = arith.constant 55 : i32
      "tpu.region"() ({
        %run_scoped3A_45 = tpu.sem_alloc : memref<!tpu.dma_semaphore, #tpu.memory_space<semaphore_mem>>
        %dma_start3A_46 = arith.constant 0 : i32
        %dma_start3A_47 = tpu.memref_slice %arg8[%run_scoped3A_44, %dma_start3A_46] : memref<104x128xi32, #tpu.memory_space<vmem>> -> memref<1x128xi32, #tpu.memory_space<vmem>>
        %dma_start3A_48 = tpu.memref_squeeze %dma_start3A_47 : memref<1x128xi32, #tpu.memory_space<vmem>> -> memref<128xi32, #tpu.memory_space<vmem>>
        %dma_start3A_49 = arith.constant 0 : i32
        %dma_start3A_50 = arith.constant 0 : i32
        %dma_start3A_51 = tpu.memref_slice %arg11[%dma_start3A_49, %dma_start3A_50] : memref<10240x64xbf16, #tpu.memory_space<vmem_shared>> -> memref<10240x64xbf16, #tpu.memory_space<vmem_shared>>
        tpu.enqueue_indirect_dma source(%arg10 : memref<128x64xbf16, #tpu.memory_space<vmem>>) target(%dma_start3A_51 : memref<10240x64xbf16, #tpu.memory_space<vmem_shared>>) offsets(%dma_start3A_48 : memref<128xi32, #tpu.memory_space<vmem>>) semaphore(%run_scoped3A_45 : memref<!tpu.dma_semaphore, #tpu.memory_space<semaphore_mem>>) {add = true}
        %dma_wait3A_52 = arith.constant 0 : i32
        %dma_wait3A_53 = tpu.memref_slice %arg8[%run_scoped3A_44, %dma_wait3A_52] : memref<104x128xi32, #tpu.memory_space<vmem>> -> memref<1x128xi32, #tpu.memory_space<vmem>>
        %dma_wait3A_54 = tpu.memref_squeeze %dma_wait3A_53 : memref<1x128xi32, #tpu.memory_space<vmem>> -> memref<128xi32, #tpu.memory_space<vmem>>
        %dma_wait3A_55 = arith.constant 0 : i32
        %dma_wait3A_56 = arith.constant 0 : i32
        %dma_wait3A_57 = tpu.memref_slice %arg11[%dma_wait3A_55, %dma_wait3A_56] : memref<10240x64xbf16, #tpu.memory_space<vmem_shared>> -> memref<10240x64xbf16, #tpu.memory_space<vmem_shared>>
        tpu.wait_indirect_dma semaphore(%run_scoped3A_45 : memref<!tpu.dma_semaphore, #tpu.memory_space<semaphore_mem>>) src(%arg10 : memref<128x64xbf16, #tpu.memory_space<vmem>>) dst(%dma_wait3A_57 : memref<10240x64xbf16, #tpu.memory_space<vmem_shared>>)
        tpu.yield
      }) : () -> ()
    } else {
    }
    %barrier3A_7 = arith.constant 0 : index
    tpu.barrier barrier_id(%barrier3A_7)
    %mul3A_8 = arith.constant 640 : i32
    %mul3A_9 = arith.muli %arg1, %mul3A_8 : i32
    %mul3A_10 = arith.constant 640 : i32
    %mul3A_11 = arith.muli %arg1, %mul3A_10 : i32
    "tpu.region"() ({
      %run_scoped3A = tpu.sem_alloc : memref<!tpu.dma_semaphore, #tpu.memory_space<semaphore_mem>>
      %dma_start3A = arith.constant 0 : i32
      %dma_start3A_12 = tpu.memref_slice %arg6[%arg0, %mul3A_11, %dma_start3A] : memref<2x10240x64xbf16, #tpu.memory_space<hbm>> -> memref<1x640x64xbf16, #tpu.memory_space<hbm>>
      %dma_start3A_13 = tpu.memref_squeeze %dma_start3A_12 : memref<1x640x64xbf16, #tpu.memory_space<hbm>> -> memref<640x64xbf16, #tpu.memory_space<hbm>>
      %dma_start3A_14 = arith.constant 0 : i32
      %dma_start3A_15 = tpu.memref_slice %arg11[%mul3A_9, %dma_start3A_14] : memref<10240x64xbf16, #tpu.memory_space<vmem_shared>> -> memref<640x64xbf16, #tpu.memory_space<vmem_shared>>
      tpu.enqueue_dma source(%dma_start3A_15 : memref<640x64xbf16, #tpu.memory_space<vmem_shared>>) target(%dma_start3A_13 : memref<640x64xbf16, #tpu.memory_space<hbm>>) target_semaphore(%run_scoped3A : memref<!tpu.dma_semaphore, #tpu.memory_space<semaphore_mem>>)
      %dma_wait3A = arith.constant 0 : i32
      %dma_wait3A_16 = tpu.memref_slice %arg6[%arg0, %mul3A_11, %dma_wait3A] : memref<2x10240x64xbf16, #tpu.memory_space<hbm>> -> memref<1x640x64xbf16, #tpu.memory_space<hbm>>
      %dma_wait3A_17 = tpu.memref_squeeze %dma_wait3A_16 : memref<1x640x64xbf16, #tpu.memory_space<hbm>> -> memref<640x64xbf16, #tpu.memory_space<hbm>>
      %dma_wait3A_18 = arith.constant 0 : i32
      %dma_wait3A_19 = tpu.memref_slice %arg11[%mul3A_9, %dma_wait3A_18] : memref<10240x64xbf16, #tpu.memory_space<vmem_shared>> -> memref<640x64xbf16, #tpu.memory_space<vmem_shared>>
      tpu.wait_dma2 semaphore(%run_scoped3A : memref<!tpu.dma_semaphore, #tpu.memory_space<semaphore_mem>>) src(%dma_wait3A_19 : memref<640x64xbf16, #tpu.memory_space<vmem_shared>>) dst(%dma_wait3A_17 : memref<640x64xbf16, #tpu.memory_space<hbm>>)
      tpu.yield
    }) : () -> ()
    return
  }
}

#map = affine_map<(d0, d1) -> (0, 0)>
#map1 = affine_map<(d0, d1) -> (0, 0, 0)>
module attributes {stable_mosaic.version = 14 : i64} {
  func.func @agg_kernel(%arg0: i32, %arg1: i32, %arg2: memref<10000x128xbf16, #tpu.memory_space<hbm>>, %arg3: memref<2560x128xi32, #tpu.memory_space<hbm>>, %arg4: memref<2560x128xi32, #tpu.memory_space<hbm>>, %arg5: memref<640x128xbf16, #tpu.memory_space<hbm>>, %arg6: memref<2x10240x128xbf16, #tpu.memory_space<hbm>>, %arg7: memref<134x128xi32, #tpu.memory_space<vmem>>, %arg8: memref<134x128xi32, #tpu.memory_space<vmem>>, %arg9: memref<128x128xbf16, #tpu.memory_space<vmem>>, %arg10: memref<128x128xbf16, #tpu.memory_space<vmem>>, %arg11: memref<10240x128xbf16, #tpu.memory_space<vmem_shared>>, %arg12: memref<!tpu.dma_semaphore, #tpu.memory_space<semaphore_mem>>, %arg13: memref<!tpu.dma_semaphore, #tpu.memory_space<semaphore_mem>>, %arg14: memref<!tpu.dma_semaphore, #tpu.memory_space<semaphore_mem>>, %arg15: memref<!tpu.dma_semaphore, #tpu.memory_space<semaphore_mem>>) attributes {dimension_semantics = [#tpu.dimension_semantics<core_parallel>, #tpu.dimension_semantics<subcore_parallel>], iteration_bounds = array<i64: 2, 16>, scalar_prefetch = 0 : i64, scratch_operands = 9 : i64, tpu.core_type = #tpu.core_type<sc_vector_subcore>, window_params = [{transform_indices = #map}, {transform_indices = #map}, {transform_indices = #map}, {transform_indices = #map}, {transform_indices = #map1}]} {
    %mul3A = arith.constant 640 : i32
    %mul3A_0 = arith.muli %arg1, %mul3A : i32
    "tpu.region"() ({
      %run_scoped3A = tpu.sem_alloc : memref<!tpu.dma_semaphore, #tpu.memory_space<semaphore_mem>>
      %dma_start3A = arith.constant 0 : i32
      %dma_start3A_12 = tpu.memref_slice %arg11[%mul3A_0, %dma_start3A] : memref<10240x128xbf16, #tpu.memory_space<vmem_shared>> -> memref<640x128xbf16, #tpu.memory_space<vmem_shared>>
      tpu.enqueue_dma source(%arg5 : memref<640x128xbf16, #tpu.memory_space<hbm>>) target(%dma_start3A_12 : memref<640x128xbf16, #tpu.memory_space<vmem_shared>>) target_semaphore(%run_scoped3A : memref<!tpu.dma_semaphore, #tpu.memory_space<semaphore_mem>>)
      %dma_wait3A = arith.constant 0 : i32
      %dma_wait3A_13 = tpu.memref_slice %arg11[%mul3A_0, %dma_wait3A] : memref<10240x128xbf16, #tpu.memory_space<vmem_shared>> -> memref<640x128xbf16, #tpu.memory_space<vmem_shared>>
      tpu.wait_dma2 semaphore(%run_scoped3A : memref<!tpu.dma_semaphore, #tpu.memory_space<semaphore_mem>>) src(%arg5 : memref<640x128xbf16, #tpu.memory_space<hbm>>) dst(%dma_wait3A_13 : memref<640x128xbf16, #tpu.memory_space<vmem_shared>>)
      tpu.yield
    }) : () -> ()
    %barrier3A = arith.constant 0 : index
    tpu.barrier barrier_id(%barrier3A)
    %eq3A = arith.constant 0 : i32
    %eq3A_1 = arith.cmpi eq, %arg0, %eq3A : i32
    %convert_element_type3A = arith.extui %eq3A_1 : i1 to i32
    %cond3A = arith.constant 0 : i32
    %cond3A_2 = arith.cmpi ne, %convert_element_type3A, %cond3A : i32
    scf.if %cond3A_2 {
      %mul3A_12 = arith.constant 134 : i32
      %mul3A_13 = arith.muli %arg1, %mul3A_12 : i32
      "tpu.region"() ({
        %run_scoped3A_44 = tpu.sem_alloc : memref<!tpu.dma_semaphore, #tpu.memory_space<semaphore_mem>>
        %dma_start3A_45 = arith.constant 0 : i32
        %dma_start3A_46 = arith.constant 0 : i32
        %dma_start3A_47 = tpu.memref_slice %arg7[%dma_start3A_45, %dma_start3A_46] : memref<134x128xi32, #tpu.memory_space<vmem>> -> memref<134x128xi32, #tpu.memory_space<vmem>>
        %dma_start3A_48 = arith.constant 0 : i32
        %dma_start3A_49 = tpu.memref_slice %arg3[%mul3A_13, %dma_start3A_48] : memref<2560x128xi32, #tpu.memory_space<hbm>> -> memref<134x128xi32, #tpu.memory_space<hbm>>
        %dma_start3A_50 = arith.constant 0 : i32
        %dma_start3A_51 = arith.constant 0 : i32
        %dma_start3A_52 = tpu.memref_slice %arg7[%dma_start3A_50, %dma_start3A_51] : memref<134x128xi32, #tpu.memory_space<vmem>> -> memref<134x128xi32, #tpu.memory_space<vmem>>
        %dma_start3A_53 = arith.constant 0 : i32
        %dma_start3A_54 = tpu.memref_slice %arg3[%mul3A_13, %dma_start3A_53] : memref<2560x128xi32, #tpu.memory_space<hbm>> -> memref<134x128xi32, #tpu.memory_space<hbm>>
        tpu.enqueue_dma source(%dma_start3A_54 : memref<134x128xi32, #tpu.memory_space<hbm>>) target(%dma_start3A_52 : memref<134x128xi32, #tpu.memory_space<vmem>>) target_semaphore(%run_scoped3A_44 : memref<!tpu.dma_semaphore, #tpu.memory_space<semaphore_mem>>)
        %dma_wait3A_55 = arith.constant 0 : i32
        %dma_wait3A_56 = arith.constant 0 : i32
        %dma_wait3A_57 = tpu.memref_slice %arg7[%dma_wait3A_55, %dma_wait3A_56] : memref<134x128xi32, #tpu.memory_space<vmem>> -> memref<134x128xi32, #tpu.memory_space<vmem>>
        %dma_wait3A_58 = arith.constant 0 : i32
        %dma_wait3A_59 = tpu.memref_slice %arg3[%mul3A_13, %dma_wait3A_58] : memref<2560x128xi32, #tpu.memory_space<hbm>> -> memref<134x128xi32, #tpu.memory_space<hbm>>
        %dma_wait3A_60 = arith.constant 0 : i32
        %dma_wait3A_61 = arith.constant 0 : i32
        %dma_wait3A_62 = tpu.memref_slice %arg7[%dma_wait3A_60, %dma_wait3A_61] : memref<134x128xi32, #tpu.memory_space<vmem>> -> memref<134x128xi32, #tpu.memory_space<vmem>>
        %dma_wait3A_63 = arith.constant 0 : i32
        %dma_wait3A_64 = tpu.memref_slice %arg3[%mul3A_13, %dma_wait3A_63] : memref<2560x128xi32, #tpu.memory_space<hbm>> -> memref<134x128xi32, #tpu.memory_space<hbm>>
        tpu.wait_dma2 semaphore(%run_scoped3A_44 : memref<!tpu.dma_semaphore, #tpu.memory_space<semaphore_mem>>) src(%dma_wait3A_64 : memref<134x128xi32, #tpu.memory_space<hbm>>) dst(%dma_wait3A_62 : memref<134x128xi32, #tpu.memory_space<vmem>>)
        tpu.yield
      }) : () -> ()
      "tpu.region"() ({
        %run_scoped3A_44 = tpu.sem_alloc : memref<!tpu.dma_semaphore, #tpu.memory_space<semaphore_mem>>
        %dma_start3A_45 = arith.constant 0 : i32
        %dma_start3A_46 = arith.constant 0 : i32
        %dma_start3A_47 = tpu.memref_slice %arg8[%dma_start3A_45, %dma_start3A_46] : memref<134x128xi32, #tpu.memory_space<vmem>> -> memref<134x128xi32, #tpu.memory_space<vmem>>
        %dma_start3A_48 = arith.constant 0 : i32
        %dma_start3A_49 = tpu.memref_slice %arg4[%mul3A_13, %dma_start3A_48] : memref<2560x128xi32, #tpu.memory_space<hbm>> -> memref<134x128xi32, #tpu.memory_space<hbm>>
        %dma_start3A_50 = arith.constant 0 : i32
        %dma_start3A_51 = arith.constant 0 : i32
        %dma_start3A_52 = tpu.memref_slice %arg8[%dma_start3A_50, %dma_start3A_51] : memref<134x128xi32, #tpu.memory_space<vmem>> -> memref<134x128xi32, #tpu.memory_space<vmem>>
        %dma_start3A_53 = arith.constant 0 : i32
        %dma_start3A_54 = tpu.memref_slice %arg4[%mul3A_13, %dma_start3A_53] : memref<2560x128xi32, #tpu.memory_space<hbm>> -> memref<134x128xi32, #tpu.memory_space<hbm>>
        tpu.enqueue_dma source(%dma_start3A_54 : memref<134x128xi32, #tpu.memory_space<hbm>>) target(%dma_start3A_52 : memref<134x128xi32, #tpu.memory_space<vmem>>) target_semaphore(%run_scoped3A_44 : memref<!tpu.dma_semaphore, #tpu.memory_space<semaphore_mem>>)
        %dma_wait3A_55 = arith.constant 0 : i32
        %dma_wait3A_56 = arith.constant 0 : i32
        %dma_wait3A_57 = tpu.memref_slice %arg8[%dma_wait3A_55, %dma_wait3A_56] : memref<134x128xi32, #tpu.memory_space<vmem>> -> memref<134x128xi32, #tpu.memory_space<vmem>>
        %dma_wait3A_58 = arith.constant 0 : i32
        %dma_wait3A_59 = tpu.memref_slice %arg4[%mul3A_13, %dma_wait3A_58] : memref<2560x128xi32, #tpu.memory_space<hbm>> -> memref<134x128xi32, #tpu.memory_space<hbm>>
        %dma_wait3A_60 = arith.constant 0 : i32
        %dma_wait3A_61 = arith.constant 0 : i32
        %dma_wait3A_62 = tpu.memref_slice %arg8[%dma_wait3A_60, %dma_wait3A_61] : memref<134x128xi32, #tpu.memory_space<vmem>> -> memref<134x128xi32, #tpu.memory_space<vmem>>
        %dma_wait3A_63 = arith.constant 0 : i32
        %dma_wait3A_64 = tpu.memref_slice %arg4[%mul3A_13, %dma_wait3A_63] : memref<2560x128xi32, #tpu.memory_space<hbm>> -> memref<134x128xi32, #tpu.memory_space<hbm>>
        tpu.wait_dma2 semaphore(%run_scoped3A_44 : memref<!tpu.dma_semaphore, #tpu.memory_space<semaphore_mem>>) src(%dma_wait3A_64 : memref<134x128xi32, #tpu.memory_space<hbm>>) dst(%dma_wait3A_62 : memref<134x128xi32, #tpu.memory_space<vmem>>)
        tpu.yield
      }) : () -> ()
      %dma_start3A = arith.constant 0 : i32
      %dma_start3A_14 = arith.constant 0 : i32
      %dma_start3A_15 = tpu.memref_slice %arg7[%dma_start3A, %dma_start3A_14] : memref<134x128xi32, #tpu.memory_space<vmem>> -> memref<1x128xi32, #tpu.memory_space<vmem>>
      %dma_start3A_16 = tpu.memref_squeeze %dma_start3A_15 : memref<1x128xi32, #tpu.memory_space<vmem>> -> memref<128xi32, #tpu.memory_space<vmem>>
      %dma_start3A_17 = arith.constant 0 : i32
      %dma_start3A_18 = arith.constant 0 : i32
      %dma_start3A_19 = tpu.memref_slice %arg2[%dma_start3A_17, %dma_start3A_18] : memref<10000x128xbf16, #tpu.memory_space<hbm>> -> memref<10000x128xbf16, #tpu.memory_space<hbm>>
      tpu.enqueue_indirect_dma source(%dma_start3A_19 : memref<10000x128xbf16, #tpu.memory_space<hbm>>) target(%arg9 : memref<128x128xbf16, #tpu.memory_space<vmem>>) offsets(%dma_start3A_16 : memref<128xi32, #tpu.memory_space<vmem>>) semaphore(%arg12 : memref<!tpu.dma_semaphore, #tpu.memory_space<semaphore_mem>>)
      %dma_start3A_20 = arith.constant 1 : i32
      %dma_start3A_21 = arith.constant 0 : i32
      %dma_start3A_22 = tpu.memref_slice %arg7[%dma_start3A_20, %dma_start3A_21] : memref<134x128xi32, #tpu.memory_space<vmem>> -> memref<1x128xi32, #tpu.memory_space<vmem>>
      %dma_start3A_23 = tpu.memref_squeeze %dma_start3A_22 : memref<1x128xi32, #tpu.memory_space<vmem>> -> memref<128xi32, #tpu.memory_space<vmem>>
      %dma_start3A_24 = arith.constant 0 : i32
      %dma_start3A_25 = arith.constant 0 : i32
      %dma_start3A_26 = tpu.memref_slice %arg2[%dma_start3A_24, %dma_start3A_25] : memref<10000x128xbf16, #tpu.memory_space<hbm>> -> memref<10000x128xbf16, #tpu.memory_space<hbm>>
      tpu.enqueue_indirect_dma source(%dma_start3A_26 : memref<10000x128xbf16, #tpu.memory_space<hbm>>) target(%arg10 : memref<128x128xbf16, #tpu.memory_space<vmem>>) offsets(%dma_start3A_23 : memref<128xi32, #tpu.memory_space<vmem>>) semaphore(%arg13 : memref<!tpu.dma_semaphore, #tpu.memory_space<semaphore_mem>>)
      %scan3A = arith.constant 0 : i32
      %scan3A_27 = arith.constant 0 : i32
      %scan3A_28 = arith.constant 66 : i32
      %scan3A_29 = arith.addi %scan3A_27, %scan3A_28 : i32
      %scan3A_30 = arith.constant 1 : i32
      scf.for %scan3A_44 = %scan3A_27 to %scan3A_29 step %scan3A_30  : i32 {
        %mul3A_45 = arith.constant 2 : i32
        %mul3A_46 = arith.muli %scan3A_44, %mul3A_45 : i32
        %dma_wait3A_47 = arith.constant 0 : i32
        %dma_wait3A_48 = arith.constant 0 : i32
        %dma_wait3A_49 = tpu.memref_slice %arg2[%dma_wait3A_47, %dma_wait3A_48] : memref<10000x128xbf16, #tpu.memory_space<hbm>> -> memref<128x128xbf16, #tpu.memory_space<hbm>>
        %dma_wait3A_50 = arith.constant 0 : i32
        %dma_wait3A_51 = arith.constant 0 : i32
        %dma_wait3A_52 = tpu.memref_slice %arg2[%dma_wait3A_50, %dma_wait3A_51] : memref<10000x128xbf16, #tpu.memory_space<hbm>> -> memref<128x128xbf16, #tpu.memory_space<hbm>>
        tpu.wait_dma2 semaphore(%arg12 : memref<!tpu.dma_semaphore, #tpu.memory_space<semaphore_mem>>) src(%dma_wait3A_52 : memref<128x128xbf16, #tpu.memory_space<hbm>>) dst(%arg9 : memref<128x128xbf16, #tpu.memory_space<vmem>>)
        %dma_start3A_53 = arith.constant 0 : i32
        %dma_start3A_54 = tpu.memref_slice %arg8[%mul3A_46, %dma_start3A_53] : memref<134x128xi32, #tpu.memory_space<vmem>> -> memref<1x128xi32, #tpu.memory_space<vmem>>
        %dma_start3A_55 = tpu.memref_squeeze %dma_start3A_54 : memref<1x128xi32, #tpu.memory_space<vmem>> -> memref<128xi32, #tpu.memory_space<vmem>>
        %dma_start3A_56 = arith.constant 0 : i32
        %dma_start3A_57 = arith.constant 0 : i32
        %dma_start3A_58 = tpu.memref_slice %arg11[%dma_start3A_56, %dma_start3A_57] : memref<10240x128xbf16, #tpu.memory_space<vmem_shared>> -> memref<10240x128xbf16, #tpu.memory_space<vmem_shared>>
        tpu.enqueue_indirect_dma source(%arg9 : memref<128x128xbf16, #tpu.memory_space<vmem>>) target(%dma_start3A_58 : memref<10240x128xbf16, #tpu.memory_space<vmem_shared>>) offsets(%dma_start3A_55 : memref<128xi32, #tpu.memory_space<vmem>>) semaphore(%arg14 : memref<!tpu.dma_semaphore, #tpu.memory_space<semaphore_mem>>) {add = true}
        %dma_wait3A_59 = arith.constant 0 : i32
        %dma_wait3A_60 = arith.constant 0 : i32
        %dma_wait3A_61 = tpu.memref_slice %arg2[%dma_wait3A_59, %dma_wait3A_60] : memref<10000x128xbf16, #tpu.memory_space<hbm>> -> memref<128x128xbf16, #tpu.memory_space<hbm>>
        %dma_wait3A_62 = arith.constant 0 : i32
        %dma_wait3A_63 = arith.constant 0 : i32
        %dma_wait3A_64 = tpu.memref_slice %arg2[%dma_wait3A_62, %dma_wait3A_63] : memref<10000x128xbf16, #tpu.memory_space<hbm>> -> memref<128x128xbf16, #tpu.memory_space<hbm>>
        tpu.wait_dma2 semaphore(%arg13 : memref<!tpu.dma_semaphore, #tpu.memory_space<semaphore_mem>>) src(%dma_wait3A_64 : memref<128x128xbf16, #tpu.memory_space<hbm>>) dst(%arg10 : memref<128x128xbf16, #tpu.memory_space<vmem>>)
        %add3A = arith.constant 1 : i32
        %add3A_65 = arith.addi %mul3A_46, %add3A : i32
        %dma_start3A_66 = arith.constant 0 : i32
        %dma_start3A_67 = tpu.memref_slice %arg8[%add3A_65, %dma_start3A_66] : memref<134x128xi32, #tpu.memory_space<vmem>> -> memref<1x128xi32, #tpu.memory_space<vmem>>
        %dma_start3A_68 = tpu.memref_squeeze %dma_start3A_67 : memref<1x128xi32, #tpu.memory_space<vmem>> -> memref<128xi32, #tpu.memory_space<vmem>>
        %dma_start3A_69 = arith.constant 0 : i32
        %dma_start3A_70 = arith.constant 0 : i32
        %dma_start3A_71 = tpu.memref_slice %arg11[%dma_start3A_69, %dma_start3A_70] : memref<10240x128xbf16, #tpu.memory_space<vmem_shared>> -> memref<10240x128xbf16, #tpu.memory_space<vmem_shared>>
        tpu.enqueue_indirect_dma source(%arg10 : memref<128x128xbf16, #tpu.memory_space<vmem>>) target(%dma_start3A_71 : memref<10240x128xbf16, #tpu.memory_space<vmem_shared>>) offsets(%dma_start3A_68 : memref<128xi32, #tpu.memory_space<vmem>>) semaphore(%arg15 : memref<!tpu.dma_semaphore, #tpu.memory_space<semaphore_mem>>) {add = true}
        %dma_wait3A_72 = arith.constant 0 : i32
        %dma_wait3A_73 = tpu.memref_slice %arg8[%mul3A_46, %dma_wait3A_72] : memref<134x128xi32, #tpu.memory_space<vmem>> -> memref<1x128xi32, #tpu.memory_space<vmem>>
        %dma_wait3A_74 = tpu.memref_squeeze %dma_wait3A_73 : memref<1x128xi32, #tpu.memory_space<vmem>> -> memref<128xi32, #tpu.memory_space<vmem>>
        %dma_wait3A_75 = arith.constant 0 : i32
        %dma_wait3A_76 = arith.constant 0 : i32
        %dma_wait3A_77 = tpu.memref_slice %arg11[%dma_wait3A_75, %dma_wait3A_76] : memref<10240x128xbf16, #tpu.memory_space<vmem_shared>> -> memref<10240x128xbf16, #tpu.memory_space<vmem_shared>>
        tpu.wait_indirect_dma semaphore(%arg14 : memref<!tpu.dma_semaphore, #tpu.memory_space<semaphore_mem>>) src(%arg9 : memref<128x128xbf16, #tpu.memory_space<vmem>>) dst(%dma_wait3A_77 : memref<10240x128xbf16, #tpu.memory_space<vmem_shared>>)
        %add3A_78 = arith.constant 2 : i32
        %add3A_79 = arith.addi %mul3A_46, %add3A_78 : i32
        %dma_start3A_80 = arith.constant 0 : i32
        %dma_start3A_81 = tpu.memref_slice %arg7[%add3A_79, %dma_start3A_80] : memref<134x128xi32, #tpu.memory_space<vmem>> -> memref<1x128xi32, #tpu.memory_space<vmem>>
        %dma_start3A_82 = tpu.memref_squeeze %dma_start3A_81 : memref<1x128xi32, #tpu.memory_space<vmem>> -> memref<128xi32, #tpu.memory_space<vmem>>
        %dma_start3A_83 = arith.constant 0 : i32
        %dma_start3A_84 = arith.constant 0 : i32
        %dma_start3A_85 = tpu.memref_slice %arg2[%dma_start3A_83, %dma_start3A_84] : memref<10000x128xbf16, #tpu.memory_space<hbm>> -> memref<10000x128xbf16, #tpu.memory_space<hbm>>
        tpu.enqueue_indirect_dma source(%dma_start3A_85 : memref<10000x128xbf16, #tpu.memory_space<hbm>>) target(%arg9 : memref<128x128xbf16, #tpu.memory_space<vmem>>) offsets(%dma_start3A_82 : memref<128xi32, #tpu.memory_space<vmem>>) semaphore(%arg12 : memref<!tpu.dma_semaphore, #tpu.memory_space<semaphore_mem>>)
        %dma_wait3A_86 = arith.constant 0 : i32
        %dma_wait3A_87 = tpu.memref_slice %arg8[%add3A_65, %dma_wait3A_86] : memref<134x128xi32, #tpu.memory_space<vmem>> -> memref<1x128xi32, #tpu.memory_space<vmem>>
        %dma_wait3A_88 = tpu.memref_squeeze %dma_wait3A_87 : memref<1x128xi32, #tpu.memory_space<vmem>> -> memref<128xi32, #tpu.memory_space<vmem>>
        %dma_wait3A_89 = arith.constant 0 : i32
        %dma_wait3A_90 = arith.constant 0 : i32
        %dma_wait3A_91 = tpu.memref_slice %arg11[%dma_wait3A_89, %dma_wait3A_90] : memref<10240x128xbf16, #tpu.memory_space<vmem_shared>> -> memref<10240x128xbf16, #tpu.memory_space<vmem_shared>>
        tpu.wait_indirect_dma semaphore(%arg15 : memref<!tpu.dma_semaphore, #tpu.memory_space<semaphore_mem>>) src(%arg10 : memref<128x128xbf16, #tpu.memory_space<vmem>>) dst(%dma_wait3A_91 : memref<10240x128xbf16, #tpu.memory_space<vmem_shared>>)
        %add3A_92 = arith.constant 3 : i32
        %add3A_93 = arith.addi %mul3A_46, %add3A_92 : i32
        %dma_start3A_94 = arith.constant 0 : i32
        %dma_start3A_95 = tpu.memref_slice %arg7[%add3A_93, %dma_start3A_94] : memref<134x128xi32, #tpu.memory_space<vmem>> -> memref<1x128xi32, #tpu.memory_space<vmem>>
        %dma_start3A_96 = tpu.memref_squeeze %dma_start3A_95 : memref<1x128xi32, #tpu.memory_space<vmem>> -> memref<128xi32, #tpu.memory_space<vmem>>
        %dma_start3A_97 = arith.constant 0 : i32
        %dma_start3A_98 = arith.constant 0 : i32
        %dma_start3A_99 = tpu.memref_slice %arg2[%dma_start3A_97, %dma_start3A_98] : memref<10000x128xbf16, #tpu.memory_space<hbm>> -> memref<10000x128xbf16, #tpu.memory_space<hbm>>
        tpu.enqueue_indirect_dma source(%dma_start3A_99 : memref<10000x128xbf16, #tpu.memory_space<hbm>>) target(%arg10 : memref<128x128xbf16, #tpu.memory_space<vmem>>) offsets(%dma_start3A_96 : memref<128xi32, #tpu.memory_space<vmem>>) semaphore(%arg13 : memref<!tpu.dma_semaphore, #tpu.memory_space<semaphore_mem>>)
      }
      %scan3A_31 = arith.constant 66 : i32
      %dma_wait3A = arith.constant 0 : i32
      %dma_wait3A_32 = arith.constant 0 : i32
      %dma_wait3A_33 = tpu.memref_slice %arg2[%dma_wait3A, %dma_wait3A_32] : memref<10000x128xbf16, #tpu.memory_space<hbm>> -> memref<128x128xbf16, #tpu.memory_space<hbm>>
      %dma_wait3A_34 = arith.constant 0 : i32
      %dma_wait3A_35 = arith.constant 0 : i32
      %dma_wait3A_36 = tpu.memref_slice %arg2[%dma_wait3A_34, %dma_wait3A_35] : memref<10000x128xbf16, #tpu.memory_space<hbm>> -> memref<128x128xbf16, #tpu.memory_space<hbm>>
      tpu.wait_dma2 semaphore(%arg12 : memref<!tpu.dma_semaphore, #tpu.memory_space<semaphore_mem>>) src(%dma_wait3A_36 : memref<128x128xbf16, #tpu.memory_space<hbm>>) dst(%arg9 : memref<128x128xbf16, #tpu.memory_space<vmem>>)
      %run_scoped3A = arith.constant 132 : i32
      "tpu.region"() ({
        %run_scoped3A_44 = tpu.sem_alloc : memref<!tpu.dma_semaphore, #tpu.memory_space<semaphore_mem>>
        %dma_start3A_45 = arith.constant 0 : i32
        %dma_start3A_46 = tpu.memref_slice %arg8[%run_scoped3A, %dma_start3A_45] : memref<134x128xi32, #tpu.memory_space<vmem>> -> memref<1x128xi32, #tpu.memory_space<vmem>>
        %dma_start3A_47 = tpu.memref_squeeze %dma_start3A_46 : memref<1x128xi32, #tpu.memory_space<vmem>> -> memref<128xi32, #tpu.memory_space<vmem>>
        %dma_start3A_48 = arith.constant 0 : i32
        %dma_start3A_49 = arith.constant 0 : i32
        %dma_start3A_50 = tpu.memref_slice %arg11[%dma_start3A_48, %dma_start3A_49] : memref<10240x128xbf16, #tpu.memory_space<vmem_shared>> -> memref<10240x128xbf16, #tpu.memory_space<vmem_shared>>
        tpu.enqueue_indirect_dma source(%arg9 : memref<128x128xbf16, #tpu.memory_space<vmem>>) target(%dma_start3A_50 : memref<10240x128xbf16, #tpu.memory_space<vmem_shared>>) offsets(%dma_start3A_47 : memref<128xi32, #tpu.memory_space<vmem>>) semaphore(%run_scoped3A_44 : memref<!tpu.dma_semaphore, #tpu.memory_space<semaphore_mem>>) {add = true}
        %dma_wait3A_51 = arith.constant 0 : i32
        %dma_wait3A_52 = tpu.memref_slice %arg8[%run_scoped3A, %dma_wait3A_51] : memref<134x128xi32, #tpu.memory_space<vmem>> -> memref<1x128xi32, #tpu.memory_space<vmem>>
        %dma_wait3A_53 = tpu.memref_squeeze %dma_wait3A_52 : memref<1x128xi32, #tpu.memory_space<vmem>> -> memref<128xi32, #tpu.memory_space<vmem>>
        %dma_wait3A_54 = arith.constant 0 : i32
        %dma_wait3A_55 = arith.constant 0 : i32
        %dma_wait3A_56 = tpu.memref_slice %arg11[%dma_wait3A_54, %dma_wait3A_55] : memref<10240x128xbf16, #tpu.memory_space<vmem_shared>> -> memref<10240x128xbf16, #tpu.memory_space<vmem_shared>>
        tpu.wait_indirect_dma semaphore(%run_scoped3A_44 : memref<!tpu.dma_semaphore, #tpu.memory_space<semaphore_mem>>) src(%arg9 : memref<128x128xbf16, #tpu.memory_space<vmem>>) dst(%dma_wait3A_56 : memref<10240x128xbf16, #tpu.memory_space<vmem_shared>>)
        tpu.yield
      }) : () -> ()
      %dma_wait3A_37 = arith.constant 0 : i32
      %dma_wait3A_38 = arith.constant 0 : i32
      %dma_wait3A_39 = tpu.memref_slice %arg2[%dma_wait3A_37, %dma_wait3A_38] : memref<10000x128xbf16, #tpu.memory_space<hbm>> -> memref<128x128xbf16, #tpu.memory_space<hbm>>
      %dma_wait3A_40 = arith.constant 0 : i32
      %dma_wait3A_41 = arith.constant 0 : i32
      %dma_wait3A_42 = tpu.memref_slice %arg2[%dma_wait3A_40, %dma_wait3A_41] : memref<10000x128xbf16, #tpu.memory_space<hbm>> -> memref<128x128xbf16, #tpu.memory_space<hbm>>
      tpu.wait_dma2 semaphore(%arg13 : memref<!tpu.dma_semaphore, #tpu.memory_space<semaphore_mem>>) src(%dma_wait3A_42 : memref<128x128xbf16, #tpu.memory_space<hbm>>) dst(%arg10 : memref<128x128xbf16, #tpu.memory_space<vmem>>)
      %run_scoped3A_43 = arith.constant 133 : i32
      "tpu.region"() ({
        %run_scoped3A_44 = tpu.sem_alloc : memref<!tpu.dma_semaphore, #tpu.memory_space<semaphore_mem>>
        %dma_start3A_45 = arith.constant 0 : i32
        %dma_start3A_46 = tpu.memref_slice %arg8[%run_scoped3A_43, %dma_start3A_45] : memref<134x128xi32, #tpu.memory_space<vmem>> -> memref<1x128xi32, #tpu.memory_space<vmem>>
        %dma_start3A_47 = tpu.memref_squeeze %dma_start3A_46 : memref<1x128xi32, #tpu.memory_space<vmem>> -> memref<128xi32, #tpu.memory_space<vmem>>
        %dma_start3A_48 = arith.constant 0 : i32
        %dma_start3A_49 = arith.constant 0 : i32
        %dma_start3A_50 = tpu.memref_slice %arg11[%dma_start3A_48, %dma_start3A_49] : memref<10240x128xbf16, #tpu.memory_space<vmem_shared>> -> memref<10240x128xbf16, #tpu.memory_space<vmem_shared>>
        tpu.enqueue_indirect_dma source(%arg10 : memref<128x128xbf16, #tpu.memory_space<vmem>>) target(%dma_start3A_50 : memref<10240x128xbf16, #tpu.memory_space<vmem_shared>>) offsets(%dma_start3A_47 : memref<128xi32, #tpu.memory_space<vmem>>) semaphore(%run_scoped3A_44 : memref<!tpu.dma_semaphore, #tpu.memory_space<semaphore_mem>>) {add = true}
        %dma_wait3A_51 = arith.constant 0 : i32
        %dma_wait3A_52 = tpu.memref_slice %arg8[%run_scoped3A_43, %dma_wait3A_51] : memref<134x128xi32, #tpu.memory_space<vmem>> -> memref<1x128xi32, #tpu.memory_space<vmem>>
        %dma_wait3A_53 = tpu.memref_squeeze %dma_wait3A_52 : memref<1x128xi32, #tpu.memory_space<vmem>> -> memref<128xi32, #tpu.memory_space<vmem>>
        %dma_wait3A_54 = arith.constant 0 : i32
        %dma_wait3A_55 = arith.constant 0 : i32
        %dma_wait3A_56 = tpu.memref_slice %arg11[%dma_wait3A_54, %dma_wait3A_55] : memref<10240x128xbf16, #tpu.memory_space<vmem_shared>> -> memref<10240x128xbf16, #tpu.memory_space<vmem_shared>>
        tpu.wait_indirect_dma semaphore(%run_scoped3A_44 : memref<!tpu.dma_semaphore, #tpu.memory_space<semaphore_mem>>) src(%arg10 : memref<128x128xbf16, #tpu.memory_space<vmem>>) dst(%dma_wait3A_56 : memref<10240x128xbf16, #tpu.memory_space<vmem_shared>>)
        tpu.yield
      }) : () -> ()
    } else {
    }
    %ne3A = arith.constant 0 : i32
    %ne3A_3 = arith.cmpi ne, %arg0, %ne3A : i32
    %convert_element_type3A_4 = arith.extui %ne3A_3 : i1 to i32
    %cond3A_5 = arith.constant 0 : i32
    %cond3A_6 = arith.cmpi ne, %convert_element_type3A_4, %cond3A_5 : i32
    scf.if %cond3A_6 {
      %mul3A_12 = arith.constant 26 : i32
      %mul3A_13 = arith.muli %arg1, %mul3A_12 : i32
      %add3A = arith.constant 2144 : i32
      %add3A_14 = arith.addi %add3A, %mul3A_13 : i32
      "tpu.region"() ({
        %run_scoped3A_45 = tpu.sem_alloc : memref<!tpu.dma_semaphore, #tpu.memory_space<semaphore_mem>>
        %dma_start3A_46 = arith.constant 0 : i32
        %dma_start3A_47 = arith.constant 0 : i32
        %dma_start3A_48 = tpu.memref_slice %arg7[%dma_start3A_46, %dma_start3A_47] : memref<134x128xi32, #tpu.memory_space<vmem>> -> memref<26x128xi32, #tpu.memory_space<vmem>>
        %dma_start3A_49 = arith.constant 0 : i32
        %dma_start3A_50 = tpu.memref_slice %arg3[%add3A_14, %dma_start3A_49] : memref<2560x128xi32, #tpu.memory_space<hbm>> -> memref<26x128xi32, #tpu.memory_space<hbm>>
        %dma_start3A_51 = arith.constant 0 : i32
        %dma_start3A_52 = arith.constant 0 : i32
        %dma_start3A_53 = tpu.memref_slice %arg7[%dma_start3A_51, %dma_start3A_52] : memref<134x128xi32, #tpu.memory_space<vmem>> -> memref<26x128xi32, #tpu.memory_space<vmem>>
        %dma_start3A_54 = arith.constant 0 : i32
        %dma_start3A_55 = tpu.memref_slice %arg3[%add3A_14, %dma_start3A_54] : memref<2560x128xi32, #tpu.memory_space<hbm>> -> memref<26x128xi32, #tpu.memory_space<hbm>>
        tpu.enqueue_dma source(%dma_start3A_55 : memref<26x128xi32, #tpu.memory_space<hbm>>) target(%dma_start3A_53 : memref<26x128xi32, #tpu.memory_space<vmem>>) target_semaphore(%run_scoped3A_45 : memref<!tpu.dma_semaphore, #tpu.memory_space<semaphore_mem>>)
        %dma_wait3A_56 = arith.constant 0 : i32
        %dma_wait3A_57 = arith.constant 0 : i32
        %dma_wait3A_58 = tpu.memref_slice %arg7[%dma_wait3A_56, %dma_wait3A_57] : memref<134x128xi32, #tpu.memory_space<vmem>> -> memref<26x128xi32, #tpu.memory_space<vmem>>
        %dma_wait3A_59 = arith.constant 0 : i32
        %dma_wait3A_60 = tpu.memref_slice %arg3[%add3A_14, %dma_wait3A_59] : memref<2560x128xi32, #tpu.memory_space<hbm>> -> memref<26x128xi32, #tpu.memory_space<hbm>>
        %dma_wait3A_61 = arith.constant 0 : i32
        %dma_wait3A_62 = arith.constant 0 : i32
        %dma_wait3A_63 = tpu.memref_slice %arg7[%dma_wait3A_61, %dma_wait3A_62] : memref<134x128xi32, #tpu.memory_space<vmem>> -> memref<26x128xi32, #tpu.memory_space<vmem>>
        %dma_wait3A_64 = arith.constant 0 : i32
        %dma_wait3A_65 = tpu.memref_slice %arg3[%add3A_14, %dma_wait3A_64] : memref<2560x128xi32, #tpu.memory_space<hbm>> -> memref<26x128xi32, #tpu.memory_space<hbm>>
        tpu.wait_dma2 semaphore(%run_scoped3A_45 : memref<!tpu.dma_semaphore, #tpu.memory_space<semaphore_mem>>) src(%dma_wait3A_65 : memref<26x128xi32, #tpu.memory_space<hbm>>) dst(%dma_wait3A_63 : memref<26x128xi32, #tpu.memory_space<vmem>>)
        tpu.yield
      }) : () -> ()
      "tpu.region"() ({
        %run_scoped3A_45 = tpu.sem_alloc : memref<!tpu.dma_semaphore, #tpu.memory_space<semaphore_mem>>
        %dma_start3A_46 = arith.constant 0 : i32
        %dma_start3A_47 = arith.constant 0 : i32
        %dma_start3A_48 = tpu.memref_slice %arg8[%dma_start3A_46, %dma_start3A_47] : memref<134x128xi32, #tpu.memory_space<vmem>> -> memref<26x128xi32, #tpu.memory_space<vmem>>
        %dma_start3A_49 = arith.constant 0 : i32
        %dma_start3A_50 = tpu.memref_slice %arg4[%add3A_14, %dma_start3A_49] : memref<2560x128xi32, #tpu.memory_space<hbm>> -> memref<26x128xi32, #tpu.memory_space<hbm>>
        %dma_start3A_51 = arith.constant 0 : i32
        %dma_start3A_52 = arith.constant 0 : i32
        %dma_start3A_53 = tpu.memref_slice %arg8[%dma_start3A_51, %dma_start3A_52] : memref<134x128xi32, #tpu.memory_space<vmem>> -> memref<26x128xi32, #tpu.memory_space<vmem>>
        %dma_start3A_54 = arith.constant 0 : i32
        %dma_start3A_55 = tpu.memref_slice %arg4[%add3A_14, %dma_start3A_54] : memref<2560x128xi32, #tpu.memory_space<hbm>> -> memref<26x128xi32, #tpu.memory_space<hbm>>
        tpu.enqueue_dma source(%dma_start3A_55 : memref<26x128xi32, #tpu.memory_space<hbm>>) target(%dma_start3A_53 : memref<26x128xi32, #tpu.memory_space<vmem>>) target_semaphore(%run_scoped3A_45 : memref<!tpu.dma_semaphore, #tpu.memory_space<semaphore_mem>>)
        %dma_wait3A_56 = arith.constant 0 : i32
        %dma_wait3A_57 = arith.constant 0 : i32
        %dma_wait3A_58 = tpu.memref_slice %arg8[%dma_wait3A_56, %dma_wait3A_57] : memref<134x128xi32, #tpu.memory_space<vmem>> -> memref<26x128xi32, #tpu.memory_space<vmem>>
        %dma_wait3A_59 = arith.constant 0 : i32
        %dma_wait3A_60 = tpu.memref_slice %arg4[%add3A_14, %dma_wait3A_59] : memref<2560x128xi32, #tpu.memory_space<hbm>> -> memref<26x128xi32, #tpu.memory_space<hbm>>
        %dma_wait3A_61 = arith.constant 0 : i32
        %dma_wait3A_62 = arith.constant 0 : i32
        %dma_wait3A_63 = tpu.memref_slice %arg8[%dma_wait3A_61, %dma_wait3A_62] : memref<134x128xi32, #tpu.memory_space<vmem>> -> memref<26x128xi32, #tpu.memory_space<vmem>>
        %dma_wait3A_64 = arith.constant 0 : i32
        %dma_wait3A_65 = tpu.memref_slice %arg4[%add3A_14, %dma_wait3A_64] : memref<2560x128xi32, #tpu.memory_space<hbm>> -> memref<26x128xi32, #tpu.memory_space<hbm>>
        tpu.wait_dma2 semaphore(%run_scoped3A_45 : memref<!tpu.dma_semaphore, #tpu.memory_space<semaphore_mem>>) src(%dma_wait3A_65 : memref<26x128xi32, #tpu.memory_space<hbm>>) dst(%dma_wait3A_63 : memref<26x128xi32, #tpu.memory_space<vmem>>)
        tpu.yield
      }) : () -> ()
      %dma_start3A = arith.constant 0 : i32
      %dma_start3A_15 = arith.constant 0 : i32
      %dma_start3A_16 = tpu.memref_slice %arg7[%dma_start3A, %dma_start3A_15] : memref<134x128xi32, #tpu.memory_space<vmem>> -> memref<1x128xi32, #tpu.memory_space<vmem>>
      %dma_start3A_17 = tpu.memref_squeeze %dma_start3A_16 : memref<1x128xi32, #tpu.memory_space<vmem>> -> memref<128xi32, #tpu.memory_space<vmem>>
      %dma_start3A_18 = arith.constant 0 : i32
      %dma_start3A_19 = arith.constant 0 : i32
      %dma_start3A_20 = tpu.memref_slice %arg2[%dma_start3A_18, %dma_start3A_19] : memref<10000x128xbf16, #tpu.memory_space<hbm>> -> memref<10000x128xbf16, #tpu.memory_space<hbm>>
      tpu.enqueue_indirect_dma source(%dma_start3A_20 : memref<10000x128xbf16, #tpu.memory_space<hbm>>) target(%arg9 : memref<128x128xbf16, #tpu.memory_space<vmem>>) offsets(%dma_start3A_17 : memref<128xi32, #tpu.memory_space<vmem>>) semaphore(%arg12 : memref<!tpu.dma_semaphore, #tpu.memory_space<semaphore_mem>>)
      %dma_start3A_21 = arith.constant 1 : i32
      %dma_start3A_22 = arith.constant 0 : i32
      %dma_start3A_23 = tpu.memref_slice %arg7[%dma_start3A_21, %dma_start3A_22] : memref<134x128xi32, #tpu.memory_space<vmem>> -> memref<1x128xi32, #tpu.memory_space<vmem>>
      %dma_start3A_24 = tpu.memref_squeeze %dma_start3A_23 : memref<1x128xi32, #tpu.memory_space<vmem>> -> memref<128xi32, #tpu.memory_space<vmem>>
      %dma_start3A_25 = arith.constant 0 : i32
      %dma_start3A_26 = arith.constant 0 : i32
      %dma_start3A_27 = tpu.memref_slice %arg2[%dma_start3A_25, %dma_start3A_26] : memref<10000x128xbf16, #tpu.memory_space<hbm>> -> memref<10000x128xbf16, #tpu.memory_space<hbm>>
      tpu.enqueue_indirect_dma source(%dma_start3A_27 : memref<10000x128xbf16, #tpu.memory_space<hbm>>) target(%arg10 : memref<128x128xbf16, #tpu.memory_space<vmem>>) offsets(%dma_start3A_24 : memref<128xi32, #tpu.memory_space<vmem>>) semaphore(%arg13 : memref<!tpu.dma_semaphore, #tpu.memory_space<semaphore_mem>>)
      %scan3A = arith.constant 0 : i32
      %scan3A_28 = arith.constant 0 : i32
      %scan3A_29 = arith.constant 12 : i32
      %scan3A_30 = arith.addi %scan3A_28, %scan3A_29 : i32
      %scan3A_31 = arith.constant 1 : i32
      scf.for %scan3A_45 = %scan3A_28 to %scan3A_30 step %scan3A_31  : i32 {
        %mul3A_46 = arith.constant 2 : i32
        %mul3A_47 = arith.muli %scan3A_45, %mul3A_46 : i32
        %dma_wait3A_48 = arith.constant 0 : i32
        %dma_wait3A_49 = arith.constant 0 : i32
        %dma_wait3A_50 = tpu.memref_slice %arg2[%dma_wait3A_48, %dma_wait3A_49] : memref<10000x128xbf16, #tpu.memory_space<hbm>> -> memref<128x128xbf16, #tpu.memory_space<hbm>>
        %dma_wait3A_51 = arith.constant 0 : i32
        %dma_wait3A_52 = arith.constant 0 : i32
        %dma_wait3A_53 = tpu.memref_slice %arg2[%dma_wait3A_51, %dma_wait3A_52] : memref<10000x128xbf16, #tpu.memory_space<hbm>> -> memref<128x128xbf16, #tpu.memory_space<hbm>>
        tpu.wait_dma2 semaphore(%arg12 : memref<!tpu.dma_semaphore, #tpu.memory_space<semaphore_mem>>) src(%dma_wait3A_53 : memref<128x128xbf16, #tpu.memory_space<hbm>>) dst(%arg9 : memref<128x128xbf16, #tpu.memory_space<vmem>>)
        %dma_start3A_54 = arith.constant 0 : i32
        %dma_start3A_55 = tpu.memref_slice %arg8[%mul3A_47, %dma_start3A_54] : memref<134x128xi32, #tpu.memory_space<vmem>> -> memref<1x128xi32, #tpu.memory_space<vmem>>
        %dma_start3A_56 = tpu.memref_squeeze %dma_start3A_55 : memref<1x128xi32, #tpu.memory_space<vmem>> -> memref<128xi32, #tpu.memory_space<vmem>>
        %dma_start3A_57 = arith.constant 0 : i32
        %dma_start3A_58 = arith.constant 0 : i32
        %dma_start3A_59 = tpu.memref_slice %arg11[%dma_start3A_57, %dma_start3A_58] : memref<10240x128xbf16, #tpu.memory_space<vmem_shared>> -> memref<10240x128xbf16, #tpu.memory_space<vmem_shared>>
        tpu.enqueue_indirect_dma source(%arg9 : memref<128x128xbf16, #tpu.memory_space<vmem>>) target(%dma_start3A_59 : memref<10240x128xbf16, #tpu.memory_space<vmem_shared>>) offsets(%dma_start3A_56 : memref<128xi32, #tpu.memory_space<vmem>>) semaphore(%arg14 : memref<!tpu.dma_semaphore, #tpu.memory_space<semaphore_mem>>) {add = true}
        %dma_wait3A_60 = arith.constant 0 : i32
        %dma_wait3A_61 = arith.constant 0 : i32
        %dma_wait3A_62 = tpu.memref_slice %arg2[%dma_wait3A_60, %dma_wait3A_61] : memref<10000x128xbf16, #tpu.memory_space<hbm>> -> memref<128x128xbf16, #tpu.memory_space<hbm>>
        %dma_wait3A_63 = arith.constant 0 : i32
        %dma_wait3A_64 = arith.constant 0 : i32
        %dma_wait3A_65 = tpu.memref_slice %arg2[%dma_wait3A_63, %dma_wait3A_64] : memref<10000x128xbf16, #tpu.memory_space<hbm>> -> memref<128x128xbf16, #tpu.memory_space<hbm>>
        tpu.wait_dma2 semaphore(%arg13 : memref<!tpu.dma_semaphore, #tpu.memory_space<semaphore_mem>>) src(%dma_wait3A_65 : memref<128x128xbf16, #tpu.memory_space<hbm>>) dst(%arg10 : memref<128x128xbf16, #tpu.memory_space<vmem>>)
        %add3A_66 = arith.constant 1 : i32
        %add3A_67 = arith.addi %mul3A_47, %add3A_66 : i32
        %dma_start3A_68 = arith.constant 0 : i32
        %dma_start3A_69 = tpu.memref_slice %arg8[%add3A_67, %dma_start3A_68] : memref<134x128xi32, #tpu.memory_space<vmem>> -> memref<1x128xi32, #tpu.memory_space<vmem>>
        %dma_start3A_70 = tpu.memref_squeeze %dma_start3A_69 : memref<1x128xi32, #tpu.memory_space<vmem>> -> memref<128xi32, #tpu.memory_space<vmem>>
        %dma_start3A_71 = arith.constant 0 : i32
        %dma_start3A_72 = arith.constant 0 : i32
        %dma_start3A_73 = tpu.memref_slice %arg11[%dma_start3A_71, %dma_start3A_72] : memref<10240x128xbf16, #tpu.memory_space<vmem_shared>> -> memref<10240x128xbf16, #tpu.memory_space<vmem_shared>>
        tpu.enqueue_indirect_dma source(%arg10 : memref<128x128xbf16, #tpu.memory_space<vmem>>) target(%dma_start3A_73 : memref<10240x128xbf16, #tpu.memory_space<vmem_shared>>) offsets(%dma_start3A_70 : memref<128xi32, #tpu.memory_space<vmem>>) semaphore(%arg15 : memref<!tpu.dma_semaphore, #tpu.memory_space<semaphore_mem>>) {add = true}
        %dma_wait3A_74 = arith.constant 0 : i32
        %dma_wait3A_75 = tpu.memref_slice %arg8[%mul3A_47, %dma_wait3A_74] : memref<134x128xi32, #tpu.memory_space<vmem>> -> memref<1x128xi32, #tpu.memory_space<vmem>>
        %dma_wait3A_76 = tpu.memref_squeeze %dma_wait3A_75 : memref<1x128xi32, #tpu.memory_space<vmem>> -> memref<128xi32, #tpu.memory_space<vmem>>
        %dma_wait3A_77 = arith.constant 0 : i32
        %dma_wait3A_78 = arith.constant 0 : i32
        %dma_wait3A_79 = tpu.memref_slice %arg11[%dma_wait3A_77, %dma_wait3A_78] : memref<10240x128xbf16, #tpu.memory_space<vmem_shared>> -> memref<10240x128xbf16, #tpu.memory_space<vmem_shared>>
        tpu.wait_indirect_dma semaphore(%arg14 : memref<!tpu.dma_semaphore, #tpu.memory_space<semaphore_mem>>) src(%arg9 : memref<128x128xbf16, #tpu.memory_space<vmem>>) dst(%dma_wait3A_79 : memref<10240x128xbf16, #tpu.memory_space<vmem_shared>>)
        %add3A_80 = arith.constant 2 : i32
        %add3A_81 = arith.addi %mul3A_47, %add3A_80 : i32
        %dma_start3A_82 = arith.constant 0 : i32
        %dma_start3A_83 = tpu.memref_slice %arg7[%add3A_81, %dma_start3A_82] : memref<134x128xi32, #tpu.memory_space<vmem>> -> memref<1x128xi32, #tpu.memory_space<vmem>>
        %dma_start3A_84 = tpu.memref_squeeze %dma_start3A_83 : memref<1x128xi32, #tpu.memory_space<vmem>> -> memref<128xi32, #tpu.memory_space<vmem>>
        %dma_start3A_85 = arith.constant 0 : i32
        %dma_start3A_86 = arith.constant 0 : i32
        %dma_start3A_87 = tpu.memref_slice %arg2[%dma_start3A_85, %dma_start3A_86] : memref<10000x128xbf16, #tpu.memory_space<hbm>> -> memref<10000x128xbf16, #tpu.memory_space<hbm>>
        tpu.enqueue_indirect_dma source(%dma_start3A_87 : memref<10000x128xbf16, #tpu.memory_space<hbm>>) target(%arg9 : memref<128x128xbf16, #tpu.memory_space<vmem>>) offsets(%dma_start3A_84 : memref<128xi32, #tpu.memory_space<vmem>>) semaphore(%arg12 : memref<!tpu.dma_semaphore, #tpu.memory_space<semaphore_mem>>)
        %dma_wait3A_88 = arith.constant 0 : i32
        %dma_wait3A_89 = tpu.memref_slice %arg8[%add3A_67, %dma_wait3A_88] : memref<134x128xi32, #tpu.memory_space<vmem>> -> memref<1x128xi32, #tpu.memory_space<vmem>>
        %dma_wait3A_90 = tpu.memref_squeeze %dma_wait3A_89 : memref<1x128xi32, #tpu.memory_space<vmem>> -> memref<128xi32, #tpu.memory_space<vmem>>
        %dma_wait3A_91 = arith.constant 0 : i32
        %dma_wait3A_92 = arith.constant 0 : i32
        %dma_wait3A_93 = tpu.memref_slice %arg11[%dma_wait3A_91, %dma_wait3A_92] : memref<10240x128xbf16, #tpu.memory_space<vmem_shared>> -> memref<10240x128xbf16, #tpu.memory_space<vmem_shared>>
        tpu.wait_indirect_dma semaphore(%arg15 : memref<!tpu.dma_semaphore, #tpu.memory_space<semaphore_mem>>) src(%arg10 : memref<128x128xbf16, #tpu.memory_space<vmem>>) dst(%dma_wait3A_93 : memref<10240x128xbf16, #tpu.memory_space<vmem_shared>>)
        %add3A_94 = arith.constant 3 : i32
        %add3A_95 = arith.addi %mul3A_47, %add3A_94 : i32
        %dma_start3A_96 = arith.constant 0 : i32
        %dma_start3A_97 = tpu.memref_slice %arg7[%add3A_95, %dma_start3A_96] : memref<134x128xi32, #tpu.memory_space<vmem>> -> memref<1x128xi32, #tpu.memory_space<vmem>>
        %dma_start3A_98 = tpu.memref_squeeze %dma_start3A_97 : memref<1x128xi32, #tpu.memory_space<vmem>> -> memref<128xi32, #tpu.memory_space<vmem>>
        %dma_start3A_99 = arith.constant 0 : i32
        %dma_start3A_100 = arith.constant 0 : i32
        %dma_start3A_101 = tpu.memref_slice %arg2[%dma_start3A_99, %dma_start3A_100] : memref<10000x128xbf16, #tpu.memory_space<hbm>> -> memref<10000x128xbf16, #tpu.memory_space<hbm>>
        tpu.enqueue_indirect_dma source(%dma_start3A_101 : memref<10000x128xbf16, #tpu.memory_space<hbm>>) target(%arg10 : memref<128x128xbf16, #tpu.memory_space<vmem>>) offsets(%dma_start3A_98 : memref<128xi32, #tpu.memory_space<vmem>>) semaphore(%arg13 : memref<!tpu.dma_semaphore, #tpu.memory_space<semaphore_mem>>)
      }
      %scan3A_32 = arith.constant 12 : i32
      %dma_wait3A = arith.constant 0 : i32
      %dma_wait3A_33 = arith.constant 0 : i32
      %dma_wait3A_34 = tpu.memref_slice %arg2[%dma_wait3A, %dma_wait3A_33] : memref<10000x128xbf16, #tpu.memory_space<hbm>> -> memref<128x128xbf16, #tpu.memory_space<hbm>>
      %dma_wait3A_35 = arith.constant 0 : i32
      %dma_wait3A_36 = arith.constant 0 : i32
      %dma_wait3A_37 = tpu.memref_slice %arg2[%dma_wait3A_35, %dma_wait3A_36] : memref<10000x128xbf16, #tpu.memory_space<hbm>> -> memref<128x128xbf16, #tpu.memory_space<hbm>>
      tpu.wait_dma2 semaphore(%arg12 : memref<!tpu.dma_semaphore, #tpu.memory_space<semaphore_mem>>) src(%dma_wait3A_37 : memref<128x128xbf16, #tpu.memory_space<hbm>>) dst(%arg9 : memref<128x128xbf16, #tpu.memory_space<vmem>>)
      %run_scoped3A = arith.constant 24 : i32
      "tpu.region"() ({
        %run_scoped3A_45 = tpu.sem_alloc : memref<!tpu.dma_semaphore, #tpu.memory_space<semaphore_mem>>
        %dma_start3A_46 = arith.constant 0 : i32
        %dma_start3A_47 = tpu.memref_slice %arg8[%run_scoped3A, %dma_start3A_46] : memref<134x128xi32, #tpu.memory_space<vmem>> -> memref<1x128xi32, #tpu.memory_space<vmem>>
        %dma_start3A_48 = tpu.memref_squeeze %dma_start3A_47 : memref<1x128xi32, #tpu.memory_space<vmem>> -> memref<128xi32, #tpu.memory_space<vmem>>
        %dma_start3A_49 = arith.constant 0 : i32
        %dma_start3A_50 = arith.constant 0 : i32
        %dma_start3A_51 = tpu.memref_slice %arg11[%dma_start3A_49, %dma_start3A_50] : memref<10240x128xbf16, #tpu.memory_space<vmem_shared>> -> memref<10240x128xbf16, #tpu.memory_space<vmem_shared>>
        tpu.enqueue_indirect_dma source(%arg9 : memref<128x128xbf16, #tpu.memory_space<vmem>>) target(%dma_start3A_51 : memref<10240x128xbf16, #tpu.memory_space<vmem_shared>>) offsets(%dma_start3A_48 : memref<128xi32, #tpu.memory_space<vmem>>) semaphore(%run_scoped3A_45 : memref<!tpu.dma_semaphore, #tpu.memory_space<semaphore_mem>>) {add = true}
        %dma_wait3A_52 = arith.constant 0 : i32
        %dma_wait3A_53 = tpu.memref_slice %arg8[%run_scoped3A, %dma_wait3A_52] : memref<134x128xi32, #tpu.memory_space<vmem>> -> memref<1x128xi32, #tpu.memory_space<vmem>>
        %dma_wait3A_54 = tpu.memref_squeeze %dma_wait3A_53 : memref<1x128xi32, #tpu.memory_space<vmem>> -> memref<128xi32, #tpu.memory_space<vmem>>
        %dma_wait3A_55 = arith.constant 0 : i32
        %dma_wait3A_56 = arith.constant 0 : i32
        %dma_wait3A_57 = tpu.memref_slice %arg11[%dma_wait3A_55, %dma_wait3A_56] : memref<10240x128xbf16, #tpu.memory_space<vmem_shared>> -> memref<10240x128xbf16, #tpu.memory_space<vmem_shared>>
        tpu.wait_indirect_dma semaphore(%run_scoped3A_45 : memref<!tpu.dma_semaphore, #tpu.memory_space<semaphore_mem>>) src(%arg9 : memref<128x128xbf16, #tpu.memory_space<vmem>>) dst(%dma_wait3A_57 : memref<10240x128xbf16, #tpu.memory_space<vmem_shared>>)
        tpu.yield
      }) : () -> ()
      %dma_wait3A_38 = arith.constant 0 : i32
      %dma_wait3A_39 = arith.constant 0 : i32
      %dma_wait3A_40 = tpu.memref_slice %arg2[%dma_wait3A_38, %dma_wait3A_39] : memref<10000x128xbf16, #tpu.memory_space<hbm>> -> memref<128x128xbf16, #tpu.memory_space<hbm>>
      %dma_wait3A_41 = arith.constant 0 : i32
      %dma_wait3A_42 = arith.constant 0 : i32
      %dma_wait3A_43 = tpu.memref_slice %arg2[%dma_wait3A_41, %dma_wait3A_42] : memref<10000x128xbf16, #tpu.memory_space<hbm>> -> memref<128x128xbf16, #tpu.memory_space<hbm>>
      tpu.wait_dma2 semaphore(%arg13 : memref<!tpu.dma_semaphore, #tpu.memory_space<semaphore_mem>>) src(%dma_wait3A_43 : memref<128x128xbf16, #tpu.memory_space<hbm>>) dst(%arg10 : memref<128x128xbf16, #tpu.memory_space<vmem>>)
      %run_scoped3A_44 = arith.constant 25 : i32
      "tpu.region"() ({
        %run_scoped3A_45 = tpu.sem_alloc : memref<!tpu.dma_semaphore, #tpu.memory_space<semaphore_mem>>
        %dma_start3A_46 = arith.constant 0 : i32
        %dma_start3A_47 = tpu.memref_slice %arg8[%run_scoped3A_44, %dma_start3A_46] : memref<134x128xi32, #tpu.memory_space<vmem>> -> memref<1x128xi32, #tpu.memory_space<vmem>>
        %dma_start3A_48 = tpu.memref_squeeze %dma_start3A_47 : memref<1x128xi32, #tpu.memory_space<vmem>> -> memref<128xi32, #tpu.memory_space<vmem>>
        %dma_start3A_49 = arith.constant 0 : i32
        %dma_start3A_50 = arith.constant 0 : i32
        %dma_start3A_51 = tpu.memref_slice %arg11[%dma_start3A_49, %dma_start3A_50] : memref<10240x128xbf16, #tpu.memory_space<vmem_shared>> -> memref<10240x128xbf16, #tpu.memory_space<vmem_shared>>
        tpu.enqueue_indirect_dma source(%arg10 : memref<128x128xbf16, #tpu.memory_space<vmem>>) target(%dma_start3A_51 : memref<10240x128xbf16, #tpu.memory_space<vmem_shared>>) offsets(%dma_start3A_48 : memref<128xi32, #tpu.memory_space<vmem>>) semaphore(%run_scoped3A_45 : memref<!tpu.dma_semaphore, #tpu.memory_space<semaphore_mem>>) {add = true}
        %dma_wait3A_52 = arith.constant 0 : i32
        %dma_wait3A_53 = tpu.memref_slice %arg8[%run_scoped3A_44, %dma_wait3A_52] : memref<134x128xi32, #tpu.memory_space<vmem>> -> memref<1x128xi32, #tpu.memory_space<vmem>>
        %dma_wait3A_54 = tpu.memref_squeeze %dma_wait3A_53 : memref<1x128xi32, #tpu.memory_space<vmem>> -> memref<128xi32, #tpu.memory_space<vmem>>
        %dma_wait3A_55 = arith.constant 0 : i32
        %dma_wait3A_56 = arith.constant 0 : i32
        %dma_wait3A_57 = tpu.memref_slice %arg11[%dma_wait3A_55, %dma_wait3A_56] : memref<10240x128xbf16, #tpu.memory_space<vmem_shared>> -> memref<10240x128xbf16, #tpu.memory_space<vmem_shared>>
        tpu.wait_indirect_dma semaphore(%run_scoped3A_45 : memref<!tpu.dma_semaphore, #tpu.memory_space<semaphore_mem>>) src(%arg10 : memref<128x128xbf16, #tpu.memory_space<vmem>>) dst(%dma_wait3A_57 : memref<10240x128xbf16, #tpu.memory_space<vmem_shared>>)
        tpu.yield
      }) : () -> ()
    } else {
    }
    %barrier3A_7 = arith.constant 0 : index
    tpu.barrier barrier_id(%barrier3A_7)
    %mul3A_8 = arith.constant 640 : i32
    %mul3A_9 = arith.muli %arg1, %mul3A_8 : i32
    %mul3A_10 = arith.constant 640 : i32
    %mul3A_11 = arith.muli %arg1, %mul3A_10 : i32
    "tpu.region"() ({
      %run_scoped3A = tpu.sem_alloc : memref<!tpu.dma_semaphore, #tpu.memory_space<semaphore_mem>>
      %dma_start3A = arith.constant 0 : i32
      %dma_start3A_12 = tpu.memref_slice %arg6[%arg0, %mul3A_11, %dma_start3A] : memref<2x10240x128xbf16, #tpu.memory_space<hbm>> -> memref<1x640x128xbf16, #tpu.memory_space<hbm>>
      %dma_start3A_13 = tpu.memref_squeeze %dma_start3A_12 : memref<1x640x128xbf16, #tpu.memory_space<hbm>> -> memref<640x128xbf16, #tpu.memory_space<hbm>>
      %dma_start3A_14 = arith.constant 0 : i32
      %dma_start3A_15 = tpu.memref_slice %arg11[%mul3A_9, %dma_start3A_14] : memref<10240x128xbf16, #tpu.memory_space<vmem_shared>> -> memref<640x128xbf16, #tpu.memory_space<vmem_shared>>
      tpu.enqueue_dma source(%dma_start3A_15 : memref<640x128xbf16, #tpu.memory_space<vmem_shared>>) target(%dma_start3A_13 : memref<640x128xbf16, #tpu.memory_space<hbm>>) target_semaphore(%run_scoped3A : memref<!tpu.dma_semaphore, #tpu.memory_space<semaphore_mem>>)
      %dma_wait3A = arith.constant 0 : i32
      %dma_wait3A_16 = tpu.memref_slice %arg6[%arg0, %mul3A_11, %dma_wait3A] : memref<2x10240x128xbf16, #tpu.memory_space<hbm>> -> memref<1x640x128xbf16, #tpu.memory_space<hbm>>
      %dma_wait3A_17 = tpu.memref_squeeze %dma_wait3A_16 : memref<1x640x128xbf16, #tpu.memory_space<hbm>> -> memref<640x128xbf16, #tpu.memory_space<hbm>>
      %dma_wait3A_18 = arith.constant 0 : i32
      %dma_wait3A_19 = tpu.memref_slice %arg11[%mul3A_9, %dma_wait3A_18] : memref<10240x128xbf16, #tpu.memory_space<vmem_shared>> -> memref<640x128xbf16, #tpu.memory_space<vmem_shared>>
      tpu.wait_dma2 semaphore(%run_scoped3A : memref<!tpu.dma_semaphore, #tpu.memory_space<semaphore_mem>>) src(%dma_wait3A_19 : memref<640x128xbf16, #tpu.memory_space<vmem_shared>>) dst(%dma_wait3A_17 : memref<640x128xbf16, #tpu.memory_space<hbm>>)
      tpu.yield
    }) : () -> ()
    return
  }
}

module attributes {stable_mosaic.version = 14 : i64} {
  func.func @_l1_body(%arg0: i32, %arg1: memref<1000x128xf32, #tpu.memory_space<vmem>>, %arg2: memref<128x128xf32, #tpu.memory_space<vmem>>, %arg3: memref<2x1000x8xf32, #tpu.memory_space<vmem>>, %arg4: memref<1000x128xbf16, #tpu.memory_space<vmem>>) attributes {dimension_semantics = [#tpu.dimension_semantics<arbitrary>], iteration_bounds = array<i64: 10>, scalar_prefetch = 0 : i64, scratch_operands = 0 : i64, tpu.core_type = #tpu.core_type<tc>, window_params = [{transform_indices = @transform_0, window_bounds = array<i64: 1000, 128>}, {pipeline_mode = #tpu.pipeline_mode<synchronous>, transform_indices = @transform_1, window_bounds = array<i64: 128, 128>}, {transform_indices = @transform_2, window_bounds = array<i64: 2, 1000, 8>}, {transform_indices = @transform_3, window_bounds = array<i64: 1000, 128>}]} {
    %get3A = arith.constant 0 : index
    %get3A_0 = arith.constant 0 : index
    %get3A_1 = arith.constant 0 : index
    %get3A_2 = vector.load %arg3[%get3A, %get3A_0, %get3A_1] : memref<2x1000x8xf32, #tpu.memory_space<vmem>>, vector<1x1000x1xf32>
    %get3A_3 = vector.shape_cast %get3A_2 : vector<1x1000x1xf32> to vector<1000x1xf32>
    %get3A_4 = arith.constant 1 : index
    %get3A_5 = arith.constant 0 : index
    %get3A_6 = arith.constant 0 : index
    %get3A_7 = vector.load %arg3[%get3A_4, %get3A_5, %get3A_6] : memref<2x1000x8xf32, #tpu.memory_space<vmem>>, vector<1x1000x1xf32>
    %get3A_8 = vector.shape_cast %get3A_7 : vector<1x1000x1xf32> to vector<1000x1xf32>
    %add3A = arith.addf %get3A_3, %get3A_8 : vector<1000x1xf32>
    %add3A_9 = arith.constant 1.000000e+00 : f32
    %add3A_10 = vector.broadcast %add3A_9 : f32 to vector<1000x1xf32>
    %add3A_11 = arith.addf %add3A, %add3A_10 : vector<1000x1xf32>
    %rsqrt3A = math.rsqrt %add3A_11 : vector<1000x1xf32>
    %get3A_12 = arith.constant 0 : index
    %get3A_13 = arith.constant 0 : index
    %get3A_14 = vector.load %arg1[%get3A_12, %get3A_13] : memref<1000x128xf32, #tpu.memory_space<vmem>>, vector<1000x128xf32>
    %get3A_15 = arith.constant 0 : index
    %get3A_16 = arith.constant 0 : index
    %get3A_17 = vector.load %arg2[%get3A_15, %get3A_16] : memref<128x128xf32, #tpu.memory_space<vmem>>, vector<128x128xf32>
    %dot_general3A = arith.constant dense<0.000000e+00> : vector<1000x128xf32>
    %dot_general3A_18 = tpu.matmul %get3A_14, %get3A_17, %dot_general3A {dimension_numbers = #tpu.dot_dimension_numbers<[1], [0], [0], [1], [0, 0, 1, 1], [], []>, transpose_lhs_hint = false} : vector<1000x128xf32>, vector<128x128xf32>, vector<1000x128xf32> -> vector<1000x128xf32>
    %mul3A = vector.broadcast %rsqrt3A : vector<1000x1xf32> to vector<1000x128xf32>
    %mul3A_19 = arith.mulf %dot_general3A_18, %mul3A : vector<1000x128xf32>
    %convert_element_type3A = arith.truncf %mul3A_19 : vector<1000x128xf32> to vector<1000x128xbf16>
    %swap3A = arith.constant 0 : index
    %swap3A_20 = arith.constant 0 : index
    %swap3A_21 = vector.load %arg4[%swap3A, %swap3A_20] : memref<1000x128xbf16, #tpu.memory_space<vmem>>, vector<1000x128xbf16>
    tpu.vector_store %arg4[%swap3A, %swap3A_20], %convert_element_type3A {strides = array<i32>} : memref<1000x128xbf16, #tpu.memory_space<vmem>>, vector<1000x128xbf16>,
    return
  }
  func.func @transform_0(%arg0: i32) -> (i32, i32) {
    %c0_i32 = arith.constant 0 : i32
    %c0_i32_0 = arith.constant 0 : i32
    return %arg0, %c0_i32 : i32, i32
  }
  func.func @transform_1(%arg0: i32) -> (i32, i32) {
    %c0_i32 = arith.constant 0 : i32
    %c0_i32_0 = arith.constant 0 : i32
    %c0_i32_1 = arith.constant 0 : i32
    return %c0_i32, %c0_i32_0 : i32, i32
  }
  func.func @transform_2(%arg0: i32) -> (i32, i32, i32) {
    %c0_i32 = arith.constant 0 : i32
    %c0_i32_0 = arith.constant 0 : i32
    %c0_i32_1 = arith.constant 0 : i32
    return %c0_i32, %arg0, %c0_i32_0 : i32, i32, i32
  }
  func.func @transform_3(%arg0: i32) -> (i32, i32) {
    %c0_i32 = arith.constant 0 : i32
    %c0_i32_0 = arith.constant 0 : i32
    return %arg0, %c0_i32 : i32, i32
  }
}

module attributes {stable_mosaic.version = 14 : i64} {
  func.func @_mid_body(%arg0: i32, %arg1: memref<2x1000x128xbf16, #tpu.memory_space<vmem>>, %arg2: memref<1000x128xbf16, #tpu.memory_space<vmem>>, %arg3: memref<2x1000x8xf32, #tpu.memory_space<vmem>>, %arg4: memref<1x128xf32, #tpu.memory_space<vmem>>, %arg5: memref<128x64xf32, #tpu.memory_space<vmem>>, %arg6: memref<1000x64xbf16, #tpu.memory_space<vmem>>) attributes {dimension_semantics = [#tpu.dimension_semantics<arbitrary>], iteration_bounds = array<i64: 10>, scalar_prefetch = 0 : i64, scratch_operands = 0 : i64, tpu.core_type = #tpu.core_type<tc>, window_params = [{transform_indices = @transform_0, window_bounds = array<i64: 2, 1000, 128>}, {transform_indices = @transform_1, window_bounds = array<i64: 1000, 128>}, {transform_indices = @transform_2, window_bounds = array<i64: 2, 1000, 8>}, {pipeline_mode = #tpu.pipeline_mode<synchronous>, transform_indices = @transform_3, window_bounds = array<i64: 1, 128>}, {pipeline_mode = #tpu.pipeline_mode<synchronous>, transform_indices = @transform_4, window_bounds = array<i64: 128, 64>}, {transform_indices = @transform_5, window_bounds = array<i64: 1000, 64>}]} {
    %get3A = arith.constant 0 : index
    %get3A_0 = arith.constant 0 : index
    %get3A_1 = arith.constant 0 : index
    %get3A_2 = vector.load %arg3[%get3A, %get3A_0, %get3A_1] : memref<2x1000x8xf32, #tpu.memory_space<vmem>>, vector<1x1000x1xf32>
    %get3A_3 = vector.shape_cast %get3A_2 : vector<1x1000x1xf32> to vector<1000x1xf32>
    %get3A_4 = arith.constant 1 : index
    %get3A_5 = arith.constant 0 : index
    %get3A_6 = arith.constant 0 : index
    %get3A_7 = vector.load %arg3[%get3A_4, %get3A_5, %get3A_6] : memref<2x1000x8xf32, #tpu.memory_space<vmem>>, vector<1x1000x1xf32>
    %get3A_8 = vector.shape_cast %get3A_7 : vector<1x1000x1xf32> to vector<1000x1xf32>
    %add3A = arith.addf %get3A_3, %get3A_8 : vector<1000x1xf32>
    %add3A_9 = arith.constant 1.000000e+00 : f32
    %add3A_10 = vector.broadcast %add3A_9 : f32 to vector<1000x1xf32>
    %add3A_11 = arith.addf %add3A, %add3A_10 : vector<1000x1xf32>
    %rsqrt3A = math.rsqrt %add3A_11 : vector<1000x1xf32>
    %get3A_12 = arith.constant 0 : index
    %get3A_13 = arith.constant 0 : index
    %get3A_14 = arith.constant 0 : index
    %get3A_15 = vector.load %arg1[%get3A_12, %get3A_13, %get3A_14] : memref<2x1000x128xbf16, #tpu.memory_space<vmem>>, vector<1x1000x128xbf16>
    %get3A_16 = vector.shape_cast %get3A_15 : vector<1x1000x128xbf16> to vector<1000x128xbf16>
    %convert_element_type3A = arith.extf %get3A_16 : vector<1000x128xbf16> to vector<1000x128xf32>
    %get3A_17 = arith.constant 1 : index
    %get3A_18 = arith.constant 0 : index
    %get3A_19 = arith.constant 0 : index
    %get3A_20 = vector.load %arg1[%get3A_17, %get3A_18, %get3A_19] : memref<2x1000x128xbf16, #tpu.memory_space<vmem>>, vector<1x1000x128xbf16>
    %get3A_21 = vector.shape_cast %get3A_20 : vector<1x1000x128xbf16> to vector<1000x128xbf16>
    %convert_element_type3A_22 = arith.extf %get3A_21 : vector<1000x128xbf16> to vector<1000x128xf32>
    %add3A_23 = arith.addf %convert_element_type3A, %convert_element_type3A_22 : vector<1000x128xf32>
    %get3A_24 = arith.constant 0 : index
    %get3A_25 = arith.constant 0 : index
    %get3A_26 = vector.load %arg2[%get3A_24, %get3A_25] : memref<1000x128xbf16, #tpu.memory_space<vmem>>, vector<1000x128xbf16>
    %convert_element_type3A_27 = arith.extf %get3A_26 : vector<1000x128xbf16> to vector<1000x128xf32>
    %add3A_28 = arith.addf %add3A_23, %convert_element_type3A_27 : vector<1000x128xf32>
    %mul3A = vector.broadcast %rsqrt3A : vector<1000x1xf32> to vector<1000x128xf32>
    %mul3A_29 = arith.mulf %add3A_28, %mul3A : vector<1000x128xf32>
    %get3A_30 = arith.constant 0 : index
    %get3A_31 = arith.constant 0 : index
    %get3A_32 = vector.load %arg4[%get3A_30, %get3A_31] : memref<1x128xf32, #tpu.memory_space<vmem>>, vector<1x128xf32>
    %add3A_33 = vector.broadcast %get3A_32 : vector<1x128xf32> to vector<1000x128xf32>
    %add3A_34 = arith.addf %mul3A_29, %add3A_33 : vector<1000x128xf32>
    %max3A = arith.constant 0.000000e+00 : f32
    %max3A_35 = vector.broadcast %max3A : f32 to vector<1000x128xf32>
    %max3A_36 = arith.maximumf %add3A_34, %max3A_35 : vector<1000x128xf32>
    %get3A_37 = arith.constant 0 : index
    %get3A_38 = arith.constant 0 : index
    %get3A_39 = vector.load %arg5[%get3A_37, %get3A_38] : memref<128x64xf32, #tpu.memory_space<vmem>>, vector<128x64xf32>
    %dot_general3A = arith.constant dense<0.000000e+00> : vector<1000x64xf32>
    %dot_general3A_40 = tpu.matmul %max3A_36, %get3A_39, %dot_general3A {dimension_numbers = #tpu.dot_dimension_numbers<[1], [0], [0], [1], [0, 0, 1, 1], [], []>, transpose_lhs_hint = false} : vector<1000x128xf32>, vector<128x64xf32>, vector<1000x64xf32> -> vector<1000x64xf32>
    %mul3A_41 = vector.broadcast %rsqrt3A : vector<1000x1xf32> to vector<1000x64xf32>
    %mul3A_42 = arith.mulf %dot_general3A_40, %mul3A_41 : vector<1000x64xf32>
    %convert_element_type3A_43 = arith.truncf %mul3A_42 : vector<1000x64xf32> to vector<1000x64xbf16>
    %swap3A = arith.constant 0 : index
    %swap3A_44 = arith.constant 0 : index
    %swap3A_45 = vector.load %arg6[%swap3A, %swap3A_44] : memref<1000x64xbf16, #tpu.memory_space<vmem>>, vector<1000x64xbf16>
    tpu.vector_store %arg6[%swap3A, %swap3A_44], %convert_element_type3A_43 {strides = array<i32>} : memref<1000x64xbf16, #tpu.memory_space<vmem>>, vector<1000x64xbf16>,
    return
  }
  func.func @transform_0(%arg0: i32) -> (i32, i32, i32) {
    %c0_i32 = arith.constant 0 : i32
    %c0_i32_0 = arith.constant 0 : i32
    %c0_i32_1 = arith.constant 0 : i32
    return %c0_i32, %arg0, %c0_i32_0 : i32, i32, i32
  }
  func.func @transform_1(%arg0: i32) -> (i32, i32) {
    %c0_i32 = arith.constant 0 : i32
    %c0_i32_0 = arith.constant 0 : i32
    return %arg0, %c0_i32 : i32, i32
  }
  func.func @transform_2(%arg0: i32) -> (i32, i32, i32) {
    %c0_i32 = arith.constant 0 : i32
    %c0_i32_0 = arith.constant 0 : i32
    %c0_i32_1 = arith.constant 0 : i32
    return %c0_i32, %arg0, %c0_i32_0 : i32, i32, i32
  }
  func.func @transform_3(%arg0: i32) -> (i32, i32) {
    %c0_i32 = arith.constant 0 : i32
    %c0_i32_0 = arith.constant 0 : i32
    %c0_i32_1 = arith.constant 0 : i32
    return %c0_i32, %c0_i32_0 : i32, i32
  }
  func.func @transform_4(%arg0: i32) -> (i32, i32) {
    %c0_i32 = arith.constant 0 : i32
    %c0_i32_0 = arith.constant 0 : i32
    %c0_i32_1 = arith.constant 0 : i32
    return %c0_i32, %c0_i32_0 : i32, i32
  }
  func.func @transform_5(%arg0: i32) -> (i32, i32) {
    %c0_i32 = arith.constant 0 : i32
    %c0_i32_0 = arith.constant 0 : i32
    return %arg0, %c0_i32 : i32, i32
  }
}

module attributes {stable_mosaic.version = 14 : i64} {
  func.func @_mid_body(%arg0: i32, %arg1: memref<2x1000x64xbf16, #tpu.memory_space<vmem>>, %arg2: memref<1000x64xbf16, #tpu.memory_space<vmem>>, %arg3: memref<2x1000x8xf32, #tpu.memory_space<vmem>>, %arg4: memref<1x64xf32, #tpu.memory_space<vmem>>, %arg5: memref<64x48xf32, #tpu.memory_space<vmem>>, %arg6: memref<1000x48xbf16, #tpu.memory_space<vmem>>) attributes {dimension_semantics = [#tpu.dimension_semantics<arbitrary>], iteration_bounds = array<i64: 10>, scalar_prefetch = 0 : i64, scratch_operands = 0 : i64, tpu.core_type = #tpu.core_type<tc>, window_params = [{transform_indices = @transform_0, window_bounds = array<i64: 2, 1000, 64>}, {transform_indices = @transform_1, window_bounds = array<i64: 1000, 64>}, {transform_indices = @transform_2, window_bounds = array<i64: 2, 1000, 8>}, {pipeline_mode = #tpu.pipeline_mode<synchronous>, transform_indices = @transform_3, window_bounds = array<i64: 1, 64>}, {pipeline_mode = #tpu.pipeline_mode<synchronous>, transform_indices = @transform_4, window_bounds = array<i64: 64, 48>}, {transform_indices = @transform_5, window_bounds = array<i64: 1000, 48>}]} {
    %get3A = arith.constant 0 : index
    %get3A_0 = arith.constant 0 : index
    %get3A_1 = arith.constant 0 : index
    %get3A_2 = vector.load %arg3[%get3A, %get3A_0, %get3A_1] : memref<2x1000x8xf32, #tpu.memory_space<vmem>>, vector<1x1000x1xf32>
    %get3A_3 = vector.shape_cast %get3A_2 : vector<1x1000x1xf32> to vector<1000x1xf32>
    %get3A_4 = arith.constant 1 : index
    %get3A_5 = arith.constant 0 : index
    %get3A_6 = arith.constant 0 : index
    %get3A_7 = vector.load %arg3[%get3A_4, %get3A_5, %get3A_6] : memref<2x1000x8xf32, #tpu.memory_space<vmem>>, vector<1x1000x1xf32>
    %get3A_8 = vector.shape_cast %get3A_7 : vector<1x1000x1xf32> to vector<1000x1xf32>
    %add3A = arith.addf %get3A_3, %get3A_8 : vector<1000x1xf32>
    %add3A_9 = arith.constant 1.000000e+00 : f32
    %add3A_10 = vector.broadcast %add3A_9 : f32 to vector<1000x1xf32>
    %add3A_11 = arith.addf %add3A, %add3A_10 : vector<1000x1xf32>
    %rsqrt3A = math.rsqrt %add3A_11 : vector<1000x1xf32>
    %get3A_12 = arith.constant 0 : index
    %get3A_13 = arith.constant 0 : index
    %get3A_14 = arith.constant 0 : index
    %get3A_15 = vector.load %arg1[%get3A_12, %get3A_13, %get3A_14] : memref<2x1000x64xbf16, #tpu.memory_space<vmem>>, vector<1x1000x64xbf16>
    %get3A_16 = vector.shape_cast %get3A_15 : vector<1x1000x64xbf16> to vector<1000x64xbf16>
    %convert_element_type3A = arith.extf %get3A_16 : vector<1000x64xbf16> to vector<1000x64xf32>
    %get3A_17 = arith.constant 1 : index
    %get3A_18 = arith.constant 0 : index
    %get3A_19 = arith.constant 0 : index
    %get3A_20 = vector.load %arg1[%get3A_17, %get3A_18, %get3A_19] : memref<2x1000x64xbf16, #tpu.memory_space<vmem>>, vector<1x1000x64xbf16>
    %get3A_21 = vector.shape_cast %get3A_20 : vector<1x1000x64xbf16> to vector<1000x64xbf16>
    %convert_element_type3A_22 = arith.extf %get3A_21 : vector<1000x64xbf16> to vector<1000x64xf32>
    %add3A_23 = arith.addf %convert_element_type3A, %convert_element_type3A_22 : vector<1000x64xf32>
    %get3A_24 = arith.constant 0 : index
    %get3A_25 = arith.constant 0 : index
    %get3A_26 = vector.load %arg2[%get3A_24, %get3A_25] : memref<1000x64xbf16, #tpu.memory_space<vmem>>, vector<1000x64xbf16>
    %convert_element_type3A_27 = arith.extf %get3A_26 : vector<1000x64xbf16> to vector<1000x64xf32>
    %add3A_28 = arith.addf %add3A_23, %convert_element_type3A_27 : vector<1000x64xf32>
    %mul3A = vector.broadcast %rsqrt3A : vector<1000x1xf32> to vector<1000x64xf32>
    %mul3A_29 = arith.mulf %add3A_28, %mul3A : vector<1000x64xf32>
    %get3A_30 = arith.constant 0 : index
    %get3A_31 = arith.constant 0 : index
    %get3A_32 = vector.load %arg4[%get3A_30, %get3A_31] : memref<1x64xf32, #tpu.memory_space<vmem>>, vector<1x64xf32>
    %add3A_33 = vector.broadcast %get3A_32 : vector<1x64xf32> to vector<1000x64xf32>
    %add3A_34 = arith.addf %mul3A_29, %add3A_33 : vector<1000x64xf32>
    %max3A = arith.constant 0.000000e+00 : f32
    %max3A_35 = vector.broadcast %max3A : f32 to vector<1000x64xf32>
    %max3A_36 = arith.maximumf %add3A_34, %max3A_35 : vector<1000x64xf32>
    %get3A_37 = arith.constant 0 : index
    %get3A_38 = arith.constant 0 : index
    %get3A_39 = vector.load %arg5[%get3A_37, %get3A_38] : memref<64x48xf32, #tpu.memory_space<vmem>>, vector<64x48xf32>
    %dot_general3A = arith.constant dense<0.000000e+00> : vector<1000x48xf32>
    %dot_general3A_40 = tpu.matmul %max3A_36, %get3A_39, %dot_general3A {dimension_numbers = #tpu.dot_dimension_numbers<[1], [0], [0], [1], [0, 0, 1, 1], [], []>, transpose_lhs_hint = false} : vector<1000x64xf32>, vector<64x48xf32>, vector<1000x48xf32> -> vector<1000x48xf32>
    %mul3A_41 = vector.broadcast %rsqrt3A : vector<1000x1xf32> to vector<1000x48xf32>
    %mul3A_42 = arith.mulf %dot_general3A_40, %mul3A_41 : vector<1000x48xf32>
    %convert_element_type3A_43 = arith.truncf %mul3A_42 : vector<1000x48xf32> to vector<1000x48xbf16>
    %swap3A = arith.constant 0 : index
    %swap3A_44 = arith.constant 0 : index
    %swap3A_45 = vector.load %arg6[%swap3A, %swap3A_44] : memref<1000x48xbf16, #tpu.memory_space<vmem>>, vector<1000x48xbf16>
    tpu.vector_store %arg6[%swap3A, %swap3A_44], %convert_element_type3A_43 {strides = array<i32>} : memref<1000x48xbf16, #tpu.memory_space<vmem>>, vector<1000x48xbf16>,
    return
  }
  func.func @transform_0(%arg0: i32) -> (i32, i32, i32) {
    %c0_i32 = arith.constant 0 : i32
    %c0_i32_0 = arith.constant 0 : i32
    %c0_i32_1 = arith.constant 0 : i32
    return %c0_i32, %arg0, %c0_i32_0 : i32, i32, i32
  }
  func.func @transform_1(%arg0: i32) -> (i32, i32) {
    %c0_i32 = arith.constant 0 : i32
    %c0_i32_0 = arith.constant 0 : i32
    return %arg0, %c0_i32 : i32, i32
  }
  func.func @transform_2(%arg0: i32) -> (i32, i32, i32) {
    %c0_i32 = arith.constant 0 : i32
    %c0_i32_0 = arith.constant 0 : i32
    %c0_i32_1 = arith.constant 0 : i32
    return %c0_i32, %arg0, %c0_i32_0 : i32, i32, i32
  }
  func.func @transform_3(%arg0: i32) -> (i32, i32) {
    %c0_i32 = arith.constant 0 : i32
    %c0_i32_0 = arith.constant 0 : i32
    %c0_i32_1 = arith.constant 0 : i32
    return %c0_i32, %c0_i32_0 : i32, i32
  }
  func.func @transform_4(%arg0: i32) -> (i32, i32) {
    %c0_i32 = arith.constant 0 : i32
    %c0_i32_0 = arith.constant 0 : i32
    %c0_i32_1 = arith.constant 0 : i32
    return %c0_i32, %c0_i32_0 : i32, i32
  }
  func.func @transform_5(%arg0: i32) -> (i32, i32) {
    %c0_i32 = arith.constant 0 : i32
    %c0_i32_0 = arith.constant 0 : i32
    return %arg0, %c0_i32 : i32, i32
  }
}

module attributes {stable_mosaic.version = 14 : i64} {
  func.func @_fin_body(%arg0: i32, %arg1: memref<2x1000x48xbf16, #tpu.memory_space<vmem>>, %arg2: memref<1000x48xbf16, #tpu.memory_space<vmem>>, %arg3: memref<2x1000x8xf32, #tpu.memory_space<vmem>>, %arg4: memref<1x48xf32, #tpu.memory_space<vmem>>, %arg5: memref<1000x40xf32, #tpu.memory_space<vmem>>) attributes {dimension_semantics = [#tpu.dimension_semantics<arbitrary>], iteration_bounds = array<i64: 10>, scalar_prefetch = 0 : i64, scratch_operands = 0 : i64, tpu.core_type = #tpu.core_type<tc>, window_params = [{transform_indices = @transform_0, window_bounds = array<i64: 2, 1000, 48>}, {transform_indices = @transform_1, window_bounds = array<i64: 1000, 48>}, {transform_indices = @transform_2, window_bounds = array<i64: 2, 1000, 8>}, {pipeline_mode = #tpu.pipeline_mode<synchronous>, transform_indices = @transform_3, window_bounds = array<i64: 1, 48>}, {transform_indices = @transform_4, window_bounds = array<i64: 1000, 40>}]} {
    %get3A = arith.constant 0 : index
    %get3A_0 = arith.constant 0 : index
    %get3A_1 = arith.constant 0 : index
    %get3A_2 = vector.load %arg3[%get3A, %get3A_0, %get3A_1] : memref<2x1000x8xf32, #tpu.memory_space<vmem>>, vector<1x1000x1xf32>
    %get3A_3 = vector.shape_cast %get3A_2 : vector<1x1000x1xf32> to vector<1000x1xf32>
    %get3A_4 = arith.constant 1 : index
    %get3A_5 = arith.constant 0 : index
    %get3A_6 = arith.constant 0 : index
    %get3A_7 = vector.load %arg3[%get3A_4, %get3A_5, %get3A_6] : memref<2x1000x8xf32, #tpu.memory_space<vmem>>, vector<1x1000x1xf32>
    %get3A_8 = vector.shape_cast %get3A_7 : vector<1x1000x1xf32> to vector<1000x1xf32>
    %add3A = arith.addf %get3A_3, %get3A_8 : vector<1000x1xf32>
    %add3A_9 = arith.constant 1.000000e+00 : f32
    %add3A_10 = vector.broadcast %add3A_9 : f32 to vector<1000x1xf32>
    %add3A_11 = arith.addf %add3A, %add3A_10 : vector<1000x1xf32>
    %rsqrt3A = math.rsqrt %add3A_11 : vector<1000x1xf32>
    %get3A_12 = arith.constant 0 : index
    %get3A_13 = arith.constant 0 : index
    %get3A_14 = arith.constant 0 : index
    %get3A_15 = vector.load %arg1[%get3A_12, %get3A_13, %get3A_14] : memref<2x1000x48xbf16, #tpu.memory_space<vmem>>, vector<1x1000x48xbf16>
    %get3A_16 = vector.shape_cast %get3A_15 : vector<1x1000x48xbf16> to vector<1000x48xbf16>
    %convert_element_type3A = arith.extf %get3A_16 : vector<1000x48xbf16> to vector<1000x48xf32>
    %get3A_17 = arith.constant 1 : index
    %get3A_18 = arith.constant 0 : index
    %get3A_19 = arith.constant 0 : index
    %get3A_20 = vector.load %arg1[%get3A_17, %get3A_18, %get3A_19] : memref<2x1000x48xbf16, #tpu.memory_space<vmem>>, vector<1x1000x48xbf16>
    %get3A_21 = vector.shape_cast %get3A_20 : vector<1x1000x48xbf16> to vector<1000x48xbf16>
    %convert_element_type3A_22 = arith.extf %get3A_21 : vector<1000x48xbf16> to vector<1000x48xf32>
    %add3A_23 = arith.addf %convert_element_type3A, %convert_element_type3A_22 : vector<1000x48xf32>
    %get3A_24 = arith.constant 0 : index
    %get3A_25 = arith.constant 0 : index
    %get3A_26 = vector.load %arg2[%get3A_24, %get3A_25] : memref<1000x48xbf16, #tpu.memory_space<vmem>>, vector<1000x48xbf16>
    %convert_element_type3A_27 = arith.extf %get3A_26 : vector<1000x48xbf16> to vector<1000x48xf32>
    %add3A_28 = arith.addf %add3A_23, %convert_element_type3A_27 : vector<1000x48xf32>
    %mul3A = vector.broadcast %rsqrt3A : vector<1000x1xf32> to vector<1000x48xf32>
    %mul3A_29 = arith.mulf %add3A_28, %mul3A : vector<1000x48xf32>
    %get3A_30 = arith.constant 0 : index
    %get3A_31 = arith.constant 0 : index
    %get3A_32 = vector.load %arg4[%get3A_30, %get3A_31] : memref<1x48xf32, #tpu.memory_space<vmem>>, vector<1x48xf32>
    %add3A_33 = vector.broadcast %get3A_32 : vector<1x48xf32> to vector<1000x48xf32>
    %add3A_34 = arith.addf %mul3A_29, %add3A_33 : vector<1000x48xf32>
    %slice3A = vector.extract_strided_slice %add3A_34 {offsets = [0, 0], sizes = [1000, 40], strides = [1, 1]} : vector<1000x48xf32> to vector<1000x40xf32>
    %reduce_max3A = arith.constant dense<0xFF800000> : vector<1000xf32>
    %reduce_max3A_35 = vector.multi_reduction <maximumf>, %slice3A, %reduce_max3A [1] : vector<1000x40xf32> to vector<1000xf32>
    %broadcast_in_dim3A = vector.shape_cast %reduce_max3A_35 : vector<1000xf32> to vector<1000x1xf32>
    %sub3A = vector.broadcast %broadcast_in_dim3A : vector<1000x1xf32> to vector<1000x40xf32>
    %sub3A_36 = arith.subf %slice3A, %sub3A : vector<1000x40xf32>
    %exp3A = math.exp %sub3A_36 : vector<1000x40xf32>
    %reduce_sum3A = arith.constant dense<0.000000e+00> : vector<1000xf32>
    %reduce_sum3A_37 = vector.multi_reduction <add>, %exp3A, %reduce_sum3A [1] : vector<1000x40xf32> to vector<1000xf32>
    %broadcast_in_dim3A_38 = vector.shape_cast %reduce_sum3A_37 : vector<1000xf32> to vector<1000x1xf32>
    %log3A = math.log %broadcast_in_dim3A_38 : vector<1000x1xf32>
    %sub3A_39 = vector.broadcast %log3A : vector<1000x1xf32> to vector<1000x40xf32>
    %sub3A_40 = arith.subf %sub3A_36, %sub3A_39 : vector<1000x40xf32>
    %swap3A = arith.constant 0 : index
    %swap3A_41 = arith.constant 0 : index
    %swap3A_42 = vector.load %arg5[%swap3A, %swap3A_41] : memref<1000x40xf32, #tpu.memory_space<vmem>>, vector<1000x40xf32>
    tpu.vector_store %arg5[%swap3A, %swap3A_41], %sub3A_40 {strides = array<i32>} : memref<1000x40xf32, #tpu.memory_space<vmem>>, vector<1000x40xf32>,
    return
  }
  func.func @transform_0(%arg0: i32) -> (i32, i32, i32) {
    %c0_i32 = arith.constant 0 : i32
    %c0_i32_0 = arith.constant 0 : i32
    %c0_i32_1 = arith.constant 0 : i32
    return %c0_i32, %arg0, %c0_i32_0 : i32, i32, i32
  }
  func.func @transform_1(%arg0: i32) -> (i32, i32) {
    %c0_i32 = arith.constant 0 : i32
    %c0_i32_0 = arith.constant 0 : i32
    return %arg0, %c0_i32 : i32, i32
  }
  func.func @transform_2(%arg0: i32) -> (i32, i32, i32) {
    %c0_i32 = arith.constant 0 : i32
    %c0_i32_0 = arith.constant 0 : i32
    %c0_i32_1 = arith.constant 0 : i32
    return %c0_i32, %arg0, %c0_i32_0 : i32, i32, i32
  }
  func.func @transform_3(%arg0: i32) -> (i32, i32) {
    %c0_i32 = arith.constant 0 : i32
    %c0_i32_0 = arith.constant 0 : i32
    %c0_i32_1 = arith.constant 0 : i32
    return %c0_i32, %c0_i32_0 : i32, i32
  }
  func.func @transform_4(%arg0: i32) -> (i32, i32) {
    %c0_i32 = arith.constant 0 : i32
    %c0_i32_0 = arith.constant 0 : i32
    return %arg0, %c0_i32 : i32, i32
  }
}

</mosaic_0001>

<sc_bundles>
// kernel: kernel.10.cloned.1.call-start
scs
__scs_entry_jumppad:
0x0: {  	(pc) =	sbr.rel $0x88, $3  }
0x1: {  	(tag) =	ssettag $0x0;
	lr =	simm.s32 $0x1  }
0x2: {  	[smem:$0x3F99] =	sst lr;
	_ =	strace $0xD0000000  }
0x3: {  	_ = 	snop  }
0x4: {  	_ = 	snop  }
0x5: {  	_ = 	snop  }
0x6: {  	_ = 	snop  }
0x7: {  	_ = 	snop  }
__scs_overlays_trampoline_lowered:
0x8: {  	[smem:$0x3FA8] =	sst s0  }
0x9: {  	[smem:$0x3FA9] =	sst s1  }
0xa: {  	[smem:$0x3FAA] =	sst s2  }
0xb: {  	[smem:$0x3FAB] =	sst s3  }
0xc: {  	[smem:$0x3FAC] =	sst s4  }
0xd: {  	[smem:$0x3FAD] =	sst s5  }
0xe: {  	[smem:$0x3FAE] =	sst s6  }
0xf: {  	[smem:$0x3FAF] =	sst s7  }
0x10: {  	[smem:$0x3FB0] =	sst s8  }
0x11: {  	[smem:$0x3FB1] =	sst s9;
	s0 =	simm.s32 @!p0 $0x0  }
0x12: {  	s1 =	sld [smem:$0x3F97];
	s0 =	simm.s32 @p0 $0x1  }
0x13: {  	[smem:$0x3FB2] =	sst s0;
	s0 =	simm.s32 @!p1 $0x0  }
0x14: {  	s2 =	sld [smem:$0x3F96];
	s0 =	simm.s32 @p1 $0x1  }
0x15: {  	[smem:$0x3FB3] =	sst s0;
	s0 =	simm.s32 @!p2 $0x0  }
0x16: {  	s3 =	sld [smem:$0x3FDB];
	s0 =	simm.s32 @p2 $0x1  }
0x17: {  	s4 =	simm.s32 $0x1BF5;
	[smem:$0x3FB5] =	sst s0  }
0x18: {  	s0 =	sld [smem:$0x3F98];
	_ =	swait.ge [sflag:s4], $0x0  }
0x19: {  	s7 =	sld [smem:$0x3F99]  }
0x1a: {  	s8 =	sadd.s32 $0xFFFFE003, lr  }
0x1b: {  	s9 =	sadd.s32 $0xFFFFFEF7, lr;
	s5 =	simm.s32 $0xFFFFFFFF;
	p2 =	slt.u32 s8, $0xFFFFF086  }
0x1c: {  	p1 =	slt.u32 s9, $0xF7A;
	s5 =	simm.s32 @!p2 $0x0  }
0x1d: {  	s5 =	simm.s32 @p1 $0x1;
	p0 =	seq.s32 s7, s2  }
0x1e: {  	s7 =	smul.u32 @!p0 $0xF7A, s2;
	p2 =	seq.s32 @!p0 s5, $0x0  }
0x1f: {  	s9 =	smul.u32 $0xF7A, s1;
	s8 =	simm.s32 @!p0 $0x1BF5;
	p2 =	por !p2, p0  }
0x20: {  	[sflag:s8] =	ssyncset.s32 @!p0 $0xFFFFF086;
	s6 =	sadd.s32 @!p0 s3, s7;
	s7 =	simm.s32 @!p0 $0x108  }
0x21: {  	s3 =	sadd.s32 s3, s9;
	s6 =	sadd.s32 @!p0 $0x88, s6;
	s7 =	simm.s32 @p2 $0x1082  }
0x22: {  	[simem:s7], [sflag:s8] =	dma.local @!p0 [hbm:s6], $0xF7A  }
0x23: {  	s9 =	sor.u32 $0xD0000000, s2;
	s6 =	simm.s32 $0x108;
	_ =	swait.ge @!p0 [sflag:s8], $0x0  }
0x24: {  	s3 =	sadd.s32 $0x88, s3;
	s6 =	simm.s32 @!p1 $0x1082;
	[sflag:s4] =	ssyncset.s32 $0xFFFFF086  }
0x25: {  	[simem:s6], [sflag:s4] =	dma.local [hbm:s3], $0xF7A  }
0x26: {  	[smem:$0x3F99] =	sst s1;
	(tag) =	ssettag s2;
	_ =	strace s9  }
0x27: {  	s1 =	sld [smem:$0x3FA9]  }
0x28: {  	s2 =	sld [smem:$0x3FAA]  }
0x29: {  	s4 =	sld [smem:$0x3FAC]  }
0x2a: {  	p0 =	seq.s32 s5, $0x0;
	s5 =	sld [smem:$0x3FAD]  }
0x2b: {  	s6 =	sld [smem:$0x3FAE]  }
0x2c: {  	s7 =	sld [smem:$0x3FAF]  }
0x2d: {  	s3 =	simm.s32 $0x108;
	s8 =	sld [smem:$0x3FB0]  }
0x2e: {  	s3 =	simm.s32 @!p0 $0x1082;
	s9 =	sld [smem:$0x3FB1]  }
0x2f: {  	lr =	sadd.s32 s0, s3;
	s0 =	sld [smem:$0x3FA8]  }
0x30: {  	s3 =	sld [smem:$0x3FAB]  }
0x31: {  	[smem:$0x3FB4] =	sst s10  }
0x32: {  	s10 =	sld [smem:$0x3FB2];
	_ =	sdelay $0x3  }
0x33: {  	p0 =	seq.s32 s10, $0x1;
	s10 =	sld [smem:$0x3FB4];
	_ =	sdelay $0x3  }
0x34: {  	[smem:$0x3FB4] =	sst s10  }
0x35: {  	s10 =	sld [smem:$0x3FB3];
	_ =	sdelay $0x3  }
0x36: {  	p1 =	seq.s32 s10, $0x1;
	s10 =	sld [smem:$0x3FB4];
	_ =	sdelay $0x3  }
0x37: {  	[smem:$0x3FB4] =	sst s10  }
0x38: {  	s10 =	sld [smem:$0x3FB5]  }
0x39: {  	_ = 	snop;
	(pc) =	sbr.ind lr, $3  }
0x3a: {  	_ = 	snop  }
0x3b: {  	_ = 	snop  }
0x3c: {  	p2 =	seq.s32 s10, $0x1;
	s10 =	sld [smem:$0x3FB4]  }
0x3d: {  	_ =	shalt  }
0x3e: {  	_ =	shalt  }
0x3f: {  	_ =	shalt  }
0x40: {  	_ =	shalt  }
0x41: {  	_ =	shalt  }
0x42: {  	_ =	shalt  }
0x43: {  	_ =	shalt  }
0x44: {  	_ =	shalt  }
0x45: {  	_ =	shalt  }
0x46: {  	_ =	shalt  }
0x47: {  	_ =	shalt  }
0x48: {  	_ =	shalt  }
0x49: {  	_ =	shalt  }
0x4a: {  	_ =	shalt  }
0x4b: {  	_ =	shalt  }
0x4c: {  	_ =	shalt  }
0x4d: {  	_ =	shalt  }
0x4e: {  	_ =	shalt  }
0x4f: {  	_ =	shalt  }
0x50: {  	_ =	shalt  }
0x51: {  	_ =	shalt  }
0x52: {  	_ =	shalt  }
0x53: {  	_ =	shalt  }
0x54: {  	_ =	shalt  }
0x55: {  	_ =	shalt  }
0x56: {  	_ =	shalt  }
0x57: {  	_ =	shalt  }
0x58: {  	_ =	shalt  }
0x59: {  	_ =	shalt  }
0x5a: {  	_ =	shalt  }
0x5b: {  	_ =	shalt  }
0x5c: {  	_ =	shalt  }
0x5d: {  	_ =	shalt  }
0x5e: {  	_ =	shalt  }
0x5f: {  	_ =	shalt  }
0x60: {  	_ =	shalt  }
0x61: {  	_ =	shalt  }
0x62: {  	_ =	shalt  }
0x63: {  	_ =	shalt  }
0x64: {  	_ =	shalt  }
0x65: {  	_ =	shalt  }
0x66: {  	_ =	shalt  }
0x67: {  	_ =	shalt  }
0x68: {  	_ =	shalt  }
0x69: {  	_ =	shalt  }
0x6a: {  	_ =	shalt  }
0x6b: {  	_ =	shalt  }
0x6c: {  	_ =	shalt  }
0x6d: {  	_ =	shalt  }
0x6e: {  	_ =	shalt  }
0x6f: {  	_ =	shalt  }
0x70: {  	_ =	shalt  }
0x71: {  	_ =	shalt  }
0x72: {  	_ =	shalt  }
0x73: {  	_ =	shalt  }
0x74: {  	_ =	shalt  }
0x75: {  	_ =	shalt  }
0x76: {  	_ =	shalt  }
0x77: {  	_ =	shalt  }
0x78: {  	_ =	shalt  }
0x79: {  	_ =	shalt  }
0x7a: {  	_ =	shalt  }
0x7b: {  	_ =	shalt  }
0x7c: {  	_ =	shalt  }
0x7d: {  	_ =	shalt  }
0x7e: {  	_ =	shalt  }
0x7f: {  	_ =	shalt  }
0x80: {  	_ =	shalt  }
0x81: {  	_ =	shalt  }
0x82: {  	_ =	shalt  }
0x83: {  	_ =	shalt  }
0x84: {  	_ =	shalt  }
0x85: {  	_ =	shalt  }
0x86: {  	_ =	shalt  }
0x87: {  	_ =	shalt  }
.Lfunc_end0:
.L_simem_size_0:
called_computation_lowered:
.L_overlay_start_0:
0x88: {  	s2 =	sld [smem:$0x3FD9]  }
0x89: {  	s3 =	sld [smem:$0x3FFE];
	_ =	sdelay $0x1  }
0x8a: {  	s1 =	srdreg.scid  }
0x8b: {  	s0 =	sand.u32 $0x1, s1  }
0x8c: {  	s17 =	sshll.u32 s0, $0xA;
	s2 =	sadd.s32 s3, s2  }
0x8d: {  	s2 =	sadd.s32 s2, s17  }
0x8e: {  	[smem:$0x3FC0] =	sst s2  }
0x8f: {  	_ = 	snop  }
0x90: {  	s2 =	sld [smem:$0x3FD0];
	(tm) =	ssettm $0x1  }
0x91: {  	s18 =	sld [smem:$0x3FFB];
	_ =	sdelay $0x3  }
0x92: {  	_ =	strace s18  }
0x93: {  	s3 =	sld [smem:$0x3FFC];
	_ =	sdelay $0x3  }
0x94: {  	_ =	strace s3  }
0x95: {  	s3 =	sld [smem:$0x3FFD];
	_ =	sdelay $0x3  }
0x96: {  	_ =	strace s3  }
0x97: {  	_ =	strace $0x8FFFFFFF  }
0x98: {  	s19 =	sld [smem:$0x3FDB];
	_ =	sdelay $0x1  }
0x99: {  	s4 =	simm.s32 $_scs_section_size  }
0x9a: {  	s5 =	simm.s32 $_size__tile_overlayer_lowered;
	s6 =	simm.s32 $_tile_overlayer_lowered  }
0x9b: {  	s22 =	simm.s32 $0x1BFF;
	s21 =	sshll.u32 s6, $0x1;
	s3 =	sadd.s32 s4, s19  }
0x9c: {  	s7 =	simm.s32 $0x0;
	s20 =	sshll.u32 s5, $0x1;
	s5 =	sadd.s32 s21, s3  }
0x9d: {  	[timem:s7], [sflag:s22] =	dma.local [hbm:s5], s20  }
0x9e: {  	_ =	swait.ge [sflag:s22], s20  }
0x9f: {  	s4 =	ssub.s32 $0x0, s20;
	[sflag:s22] =	ssyncset.done $0x0  }
0xa0: {  	[sflag:s22] =	ssyncadd.s32 s4;
	_ =	sdelay $0x1  }
0xa1: {  	s23 =	simm.s32 $0x1B8B  }
0xa2: {  	_ =	swait.ge [sflag:s23], $0x1  }
0xa3: {  	[sflag:s23] =	ssyncset.done $0x0  }
0xa4: {  	s25 =	simm.s32 $0x1B8E;
	s24 =	sld [smem:$0x3FFE];
	[sflag:s23] =	ssyncadd.s32 $0xFFFFFFFF  }
0xa5: {  	s26 =	simm.s32 $execute0_lowered;
	[smem:$0x3FD2] =	sst s25  }
0xa6: {  	s5 =	sshll.u32 s26, $0x1;
	_ =	strace $0x80000046;
	[dreg:$0x1] =	wrdreg $0xFFFFFFFF  }
0xa7: {  	s28 =	simm.s32 $_size_execute0_lowered;
	s3 =	sadd.s32 s3, s5;
	[dreg:$0x0] =	wrdreg $0x0  }
0xa8: {  	s5 =	sshll.u32 s28, $0x1;
	[dreg:$0x2] =	wrdreg s3  }
0xa9: {  	[dreg:$0x3] =	wrdreg s5  }
0xaa: {  	[dreg:$0x4] =	wrdreg $0xC0  }
0xab: {  	_ =	task [dreg:s7], $0x5FFFF  }
0xac: {  	[dreg:$0x1] =	wrdreg $0xFFFFFFFF  }
0xad: {  	[dreg:$0x0] =	wrdreg $0x60  }
0xae: {  	[dreg:$0x2] =	wrdreg s2  }
0xaf: {  	[dreg:$0x3] =	wrdreg s24  }
0xb0: {  	[dreg:$0x4] =	wrdreg $0x2C000  }
0xb1: {  	[dreg:$0x5] =	wrdreg $0x9  }
0xb2: {  	_ =	task.clear_ibuf [dreg:s7], $0x6FFFF;
	_ =	strace $0x90000046  }
0xb3: {  	s29 =	simm.s32 $0x9;
	_ =	strace $0x80000048  }
0xb4: {  	_ =	swait.ge [sflag:s29], $0x1  }
0xb5: {  	[sflag:s29] =	ssyncadd.s32 $0xFFFFFFFF  }
0xb6: {  	_ =	strace $0x90000048  }
0xb7: {  	_ =	sfence  }
0xb8: {  	s30 =	sld [smem:$0x0];
	_ =	sdelay $0x2  }
0xb9: {  	s31 =	sshll.u32 s1, $0xD;
	s1 =	sshrl.u32 s1, $0x2  }
0xba: {  	s3 =	sand.u32 $0x4000, s31;
	s1 =	sadd.s32 s1, s30  }
0xbb: {  	s0 =	sor.u32 s3, s0;
	s1 =	sshll.u32 s1, $0x11  }
0xbc: {  	s0 =	sor.u32 s1, s0  }
0xbd: {  	s0 =	sadd.s32 $0x8F2B, s0  }
0xbe: {  	[sflag:s0] =	ssyncadd.remote.s32 $0x1  }
0xbf: {  	_ =	sfence.sel $0xFFFF  }
0xc0: {  	[dreg:$0x0] =	wrdreg $0xFFFFFFFF;
	(pc) =	sbr.abs _section_cstart, $3  }
0xc1: {  	[dreg:$0x1] =	wrdreg $0xFFFFFFFF  }
0xc2: {  	_ =	task.clear_ibuf [dreg:s7], $0x2FFFF;
	_ =	strace $0x9FFFFFFF  }
0xc3: {  	(tm) =	ssettm $0x7FFFFFFF  }
tec
execute0_lowered:
.L_overlay_start_1:
0x0: {  	(tag) =	ssettag $0x1  }
0x1: {  	s7 =	rddreg [dreg:$0x0]  }
0x2: {  	s6 =	rddreg [dreg:$0x1]  }
0x3: {  	s2 =	rddreg [dreg:$0x2]  }
0x4: {  	s0 =	rddreg [dreg:$0x3]  }
0x5: {  	s4 =	srdreg.scid;
	s1 =	stileid.u32;
	s3 =	simm.s32 $0x0  }
0x6: {  	s13 =	simm.s32 $0x80;
	s14 =	simm.s32 $0x0;
	s8 =	sand.u32 $0x1, s4  }
0x7: {  	s9 =	smul.u32 $0x1400, s1;
	[smem:$0x7FF] =	sst s3;
	s4 =	sadd.s32 $0x2200, s6  }
0x8: {  	s5 =	sadd.s32 $0x1E00, s6;
	s11 =	sshll.u32 s1, $0x1;
	s31 =	sshll.u32 s1, $0x6  }
0x9: {  	s10 =	smul.u32 $0x14000, s8;
	_ =	strace $0x80000047;
	s12 =	ssub.s32 $0x2, s8  }
0xa: {  	s8 =	sor.u32 s8, s11;
	s11 =	simm.s32 $0x1;
	s28 =	sshrl.u32 s12, $0x1  }
0xb: {  	s8 =	smul.u32 $0x500, s8;
	s30 =	sadd.s32 s9, s2;
	s10 =	sadd.s32 s9, s10  }
0xc: {  	s29 =	ssub.s32 s12, s28;
	s12 =	simm.s32 $0x2800;
	s10 =	sshrl.u32 s10, $0x3  }
0xd: {  	s7 =	sadd.s32 s7, s8;
	s9 =	smax.u32 s29, $0x1;
	s10 =	sadd.s32 s10, s6  }
0xe: {  	s6 =	sor.u32 $0x1C01, s31;
	s8 =	sadd.s32 $0x2400, s10;
	s10 =	sshrl.u32 s30, $0x3  }
.LBB2_1:
0xf: {  	[spmem:s10], [sflag:s6] =	dma.local [hbm:s5], $0x280  }
0x10: {  	_ =	swait.ge [sflag:s11], $0x280  }
0x11: {  	[sflag:s11] =	ssyncset.done $0x0  }
0x12: {  	[sflag:s11] =	ssyncadd.s32 $0xFFFFFD80  }
0x13: {  	[tilespmem:s3], [sflag:$0x1] =	stream.linear.gather [hbm4b:s7+s3], $0x2800, $0x38;
	[tilespmem:$0x4000] =	vst v63  }
0x14: {  	_ =	swait.ge [sflag:s11], $0x2800  }
0x15: {  	[sflag:s11] =	ssyncset.done $0x0  }
0x16: {  	[sflag:s11] =	ssyncadd.s32 $0xFFFFD800  }
0x17: {  	[tilespmem:s12], [sflag:$0x1] =	stream.linear.gather [hbm4b:s4+s3], $0x400, $0x38;
	[tilespmem:$0x4000] =	vst v63  }
0x18: {  	_ =	swait.ge [sflag:s11], $0x400  }
0x19: {  	[sflag:s11] =	ssyncset.done $0x0  }
0x1a: {  	[sflag:s11] =	ssyncadd.s32 $0xFFFFFC00  }
0x1b: {  	s15 =	simm.s32 $0x0;
	[bflag:$0x0] =	sbarrier.arrive $0xFFFF  }
0x1c: {  	[spmem:s2] =	stream.indirect.scatter.add.f32 [tilespmem:s12], [sflag:$0x1], $0x8, s15, s13, $0xb8;
	[tilespmem:$0x4000] =	vst v63  }
0x1d: {  	_ =	swait.ge [sflag:s11], $0x400  }
0x1e: {  	s15 =	simm.s32 $0x200;
	[sflag:s11] =	ssyncset.done $0x0  }
.LBB2_2:
0x1f: {  	s16 =	sshra.s32 s15, $0x2;
	[sflag:s11] =	ssyncadd.s32 $0xFFFFFC00;
	p0 =	sne.s32 s15, $0x9E00  }
0x20: {  	[spmem:s2] =	stream.indirect.scatter.add.f32 [tilespmem:s12], [sflag:$0x1], $0x8, s16, s13, $0xb8;
	[tilespmem:$0x4000] =	vst v63  }
.Ltmp0:
0x21: {  	_ = 	snop;
	(pc) =	sbr.rel @p0 .LBB2_2-.Ltmp0, $4  }
0x22: {  	_ = 	snop  }
0x23: {  	s15 =	sadd.s32 $0x200, s15  }
0x24: {  	_ =	swait.ge [sflag:s11], $0x400  }
0x25: {  	[sflag:s11] =	ssyncset.done $0x0  }
0x26: {  	s14 =	sadd.s32 $0x1, s14  }
0x27: {  	[sflag:s11] =	ssyncadd.s32 $0xFFFFFC00;
	p0 =	sne.s32 s14, s9  }
.Ltmp1:
0x28: {  	[bflag:$0x0] =	sbarrier.arrive $0xFFFF;
	(pc) =	sbr.rel @p0 .LBB2_1-.Ltmp1, $4  }
0x29: {  	[hbm:s8], [sflag:s6] =	dma.local [spmem:s10], $0x280  }
0x2a: {  	_ =	swait.ge [sflag:s11], $0x280  }
0x2b: {  	[sflag:s11] =	ssyncset.done $0x0  }
0x2c: {  	[sflag:s11] =	ssyncadd.s32 $0xFFFFFD80  }
0x2d: {  	_ =	sfence.sel $0x180000  }
0x2e: {  	[bflag:$0x0] =	sbarrier.arrive $0xFFFF  }
0x2f: {  	p0 =	sne.s32 s1, $0x0;
	_ =	strace $0x90000047  }
0x30: {  	s0 =	sadd.s32 @!p0 $0x100000, s0;
	[bflag:$0x2] =	sbarrier.arrive $0xFFFF  }
0x31: {  	[sflag:s0] =	ssyncadd.tile.s32 @!p0 $0x1;
	_ =	shalt  }
.Lfunc_end2:
_tile_overlayer_lowered:
.L_overlay_start_2:
0x32: {  	(tag) =	ssettag $0x2  }
0x33: {  	s0 =	rddreg [dreg:$0x0];
	s2 =	stileid.u32  }
0x34: {  	s1 =	rddreg [dreg:$0x1];
	p0 =	sne.s32 s2, $0x0  }
0x35: {  	s3 =	rddreg [dreg:$0x2];
	[bflag:$0x3] =	sbarrier.arrive $0xFFFF;
	s2 =	simm.s32 @!p0 $0x1C01  }
0x36: {  	[timem:s3], [sflag:s2] =	dma.local @!p0 [hbm:s0], s1  }
0x37: {  	s0 =	simm.s32 @!p0 $0x1  }
0x38: {  	_ =	swait.ge @!p0 [sflag:s0], s1  }
0x39: {  	s1 =	ssub.s32 @!p0 $0x0, s1;
	[sflag:s0] =	ssyncset.done @!p0 $0x0  }
0x3a: {  	[sflag:s0] =	ssyncadd.s32 @!p0 s1  }
0x3b: {  	[bflag:$0x3] =	sbarrier.arrive $0xFFFF  }
0x3c: {  	_ =	shalt  }

// kernel: kernel.13.cloned.1.call-start
scs
__scs_entry_jumppad:
0x0: {  	(pc) =	sbr.rel $0x88, $3  }
0x1: {  	(tag) =	ssettag $0x0;
	lr =	simm.s32 $0x1  }
0x2: {  	[smem:$0x3F99] =	sst lr;
	_ =	strace $0xD0000000  }
0x3: {  	_ = 	snop  }
0x4: {  	_ = 	snop  }
0x5: {  	_ = 	snop  }
0x6: {  	_ = 	snop  }
0x7: {  	_ = 	snop  }
__scs_overlays_trampoline_lowered:
0x8: {  	[smem:$0x3FA8] =	sst s0  }
0x9: {  	[smem:$0x3FA9] =	sst s1  }
0xa: {  	[smem:$0x3FAA] =	sst s2  }
0xb: {  	[smem:$0x3FAB] =	sst s3  }
0xc: {  	[smem:$0x3FAC] =	sst s4  }
0xd: {  	[smem:$0x3FAD] =	sst s5  }
0xe: {  	[smem:$0x3FAE] =	sst s6  }
0xf: {  	[smem:$0x3FAF] =	sst s7  }
0x10: {  	[smem:$0x3FB0] =	sst s8  }
0x11: {  	[smem:$0x3FB1] =	sst s9;
	s0 =	simm.s32 @!p0 $0x0  }
0x12: {  	s1 =	sld [smem:$0x3F97];
	s0 =	simm.s32 @p0 $0x1  }
0x13: {  	[smem:$0x3FB2] =	sst s0;
	s0 =	simm.s32 @!p1 $0x0  }
0x14: {  	s2 =	sld [smem:$0x3F96];
	s0 =	simm.s32 @p1 $0x1  }
0x15: {  	[smem:$0x3FB3] =	sst s0;
	s0 =	simm.s32 @!p2 $0x0  }
0x16: {  	s3 =	sld [smem:$0x3FDB];
	s0 =	simm.s32 @p2 $0x1  }
0x17: {  	s4 =	simm.s32 $0x1BF5;
	[smem:$0x3FB5] =	sst s0  }
0x18: {  	s0 =	sld [smem:$0x3F98];
	_ =	swait.ge [sflag:s4], $0x0  }
0x19: {  	s7 =	sld [smem:$0x3F99]  }
0x1a: {  	s8 =	sadd.s32 $0xFFFFE003, lr  }
0x1b: {  	s9 =	sadd.s32 $0xFFFFFEF7, lr;
	s5 =	simm.s32 $0xFFFFFFFF;
	p2 =	slt.u32 s8, $0xFFFFF086  }
0x1c: {  	p1 =	slt.u32 s9, $0xF7A;
	s5 =	simm.s32 @!p2 $0x0  }
0x1d: {  	s5 =	simm.s32 @p1 $0x1;
	p0 =	seq.s32 s7, s2  }
0x1e: {  	s7 =	smul.u32 @!p0 $0xF7A, s2;
	p2 =	seq.s32 @!p0 s5, $0x0  }
0x1f: {  	s9 =	smul.u32 $0xF7A, s1;
	s8 =	simm.s32 @!p0 $0x1BF5;
	p2 =	por !p2, p0  }
0x20: {  	[sflag:s8] =	ssyncset.s32 @!p0 $0xFFFFF086;
	s6 =	sadd.s32 @!p0 s3, s7;
	s7 =	simm.s32 @!p0 $0x108  }
0x21: {  	s3 =	sadd.s32 s3, s9;
	s6 =	sadd.s32 @!p0 $0x88, s6;
	s7 =	simm.s32 @p2 $0x1082  }
0x22: {  	[simem:s7], [sflag:s8] =	dma.local @!p0 [hbm:s6], $0xF7A  }
0x23: {  	s9 =	sor.u32 $0xD0000000, s2;
	s6 =	simm.s32 $0x108;
	_ =	swait.ge @!p0 [sflag:s8], $0x0  }
0x24: {  	s3 =	sadd.s32 $0x88, s3;
	s6 =	simm.s32 @!p1 $0x1082;
	[sflag:s4] =	ssyncset.s32 $0xFFFFF086  }
0x25: {  	[simem:s6], [sflag:s4] =	dma.local [hbm:s3], $0xF7A  }
0x26: {  	[smem:$0x3F99] =	sst s1;
	(tag) =	ssettag s2;
	_ =	strace s9  }
0x27: {  	s1 =	sld [smem:$0x3FA9]  }
0x28: {  	s2 =	sld [smem:$0x3FAA]  }
0x29: {  	s4 =	sld [smem:$0x3FAC]  }
0x2a: {  	p0 =	seq.s32 s5, $0x0;
	s5 =	sld [smem:$0x3FAD]  }
0x2b: {  	s6 =	sld [smem:$0x3FAE]  }
0x2c: {  	s7 =	sld [smem:$0x3FAF]  }
0x2d: {  	s3 =	simm.s32 $0x108;
	s8 =	sld [smem:$0x3FB0]  }
0x2e: {  	s3 =	simm.s32 @!p0 $0x1082;
	s9 =	sld [smem:$0x3FB1]  }
0x2f: {  	lr =	sadd.s32 s0, s3;
	s0 =	sld [smem:$0x3FA8]  }
0x30: {  	s3 =	sld [smem:$0x3FAB]  }
0x31: {  	[smem:$0x3FB4] =	sst s10  }
0x32: {  	s10 =	sld [smem:$0x3FB2];
	_ =	sdelay $0x3  }
0x33: {  	p0 =	seq.s32 s10, $0x1;
	s10 =	sld [smem:$0x3FB4];
	_ =	sdelay $0x3  }
0x34: {  	[smem:$0x3FB4] =	sst s10  }
0x35: {  	s10 =	sld [smem:$0x3FB3];
	_ =	sdelay $0x3  }
0x36: {  	p1 =	seq.s32 s10, $0x1;
	s10 =	sld [smem:$0x3FB4];
	_ =	sdelay $0x3  }
0x37: {  	[smem:$0x3FB4] =	sst s10  }
0x38: {  	s10 =	sld [smem:$0x3FB5]  }
0x39: {  	_ = 	snop;
	(pc) =	sbr.ind lr, $3  }
0x3a: {  	_ = 	snop  }
0x3b: {  	_ = 	snop  }
0x3c: {  	p2 =	seq.s32 s10, $0x1;
	s10 =	sld [smem:$0x3FB4]  }
0x3d: {  	_ =	shalt  }
0x3e: {  	_ =	shalt  }
0x3f: {  	_ =	shalt  }
0x40: {  	_ =	shalt  }
0x41: {  	_ =	shalt  }
0x42: {  	_ =	shalt  }
0x43: {  	_ =	shalt  }
0x44: {  	_ =	shalt  }
0x45: {  	_ =	shalt  }
0x46: {  	_ =	shalt  }
0x47: {  	_ =	shalt  }
0x48: {  	_ =	shalt  }
0x49: {  	_ =	shalt  }
0x4a: {  	_ =	shalt  }
0x4b: {  	_ =	shalt  }
0x4c: {  	_ =	shalt  }
0x4d: {  	_ =	shalt  }
0x4e: {  	_ =	shalt  }
0x4f: {  	_ =	shalt  }
0x50: {  	_ =	shalt  }
0x51: {  	_ =	shalt  }
0x52: {  	_ =	shalt  }
0x53: {  	_ =	shalt  }
0x54: {  	_ =	shalt  }
0x55: {  	_ =	shalt  }
0x56: {  	_ =	shalt  }
0x57: {  	_ =	shalt  }
0x58: {  	_ =	shalt  }
0x59: {  	_ =	shalt  }
0x5a: {  	_ =	shalt  }
0x5b: {  	_ =	shalt  }
0x5c: {  	_ =	shalt  }
0x5d: {  	_ =	shalt  }
0x5e: {  	_ =	shalt  }
0x5f: {  	_ =	shalt  }
0x60: {  	_ =	shalt  }
0x61: {  	_ =	shalt  }
0x62: {  	_ =	shalt  }
0x63: {  	_ =	shalt  }
0x64: {  	_ =	shalt  }
0x65: {  	_ =	shalt  }
0x66: {  	_ =	shalt  }
0x67: {  	_ =	shalt  }
0x68: {  	_ =	shalt  }
0x69: {  	_ =	shalt  }
0x6a: {  	_ =	shalt  }
0x6b: {  	_ =	shalt  }
0x6c: {  	_ =	shalt  }
0x6d: {  	_ =	shalt  }
0x6e: {  	_ =	shalt  }
0x6f: {  	_ =	shalt  }
0x70: {  	_ =	shalt  }
0x71: {  	_ =	shalt  }
0x72: {  	_ =	shalt  }
0x73: {  	_ =	shalt  }
0x74: {  	_ =	shalt  }
0x75: {  	_ =	shalt  }
0x76: {  	_ =	shalt  }
0x77: {  	_ =	shalt  }
0x78: {  	_ =	shalt  }
0x79: {  	_ =	shalt  }
0x7a: {  	_ =	shalt  }
0x7b: {  	_ =	shalt  }
0x7c: {  	_ =	shalt  }
0x7d: {  	_ =	shalt  }
0x7e: {  	_ =	shalt  }
0x7f: {  	_ =	shalt  }
0x80: {  	_ =	shalt  }
0x81: {  	_ =	shalt  }
0x82: {  	_ =	shalt  }
0x83: {  	_ =	shalt  }
0x84: {  	_ =	shalt  }
0x85: {  	_ =	shalt  }
0x86: {  	_ =	shalt  }
0x87: {  	_ =	shalt  }
.Lfunc_end0:
.L_simem_size_0:
called_computation.1_lowered:
.L_overlay_start_0:
0x88: {  	s2 =	sld [smem:$0x3FD9]  }
0x89: {  	s3 =	sld [smem:$0x3FFE];
	_ =	sdelay $0x1  }
0x8a: {  	s1 =	srdreg.scid  }
0x8b: {  	s0 =	sand.u32 $0x1, s1  }
0x8c: {  	s17 =	sshll.u32 s0, $0xA;
	s2 =	sadd.s32 s3, s2  }
0x8d: {  	s2 =	sadd.s32 s2, s17  }
0x8e: {  	[smem:$0x3FC0] =	sst s2  }
0x8f: {  	_ = 	snop  }
0x90: {  	s2 =	sld [smem:$0x3FD0];
	(tm) =	ssettm $0x1  }
0x91: {  	s18 =	sld [smem:$0x3FFB];
	_ =	sdelay $0x3  }
0x92: {  	_ =	strace s18  }
0x93: {  	s3 =	sld [smem:$0x3FFC];
	_ =	sdelay $0x3  }
0x94: {  	_ =	strace s3  }
0x95: {  	s3 =	sld [smem:$0x3FFD];
	_ =	sdelay $0x3  }
0x96: {  	_ =	strace s3  }
0x97: {  	_ =	strace $0x8FFFFFFF  }
0x98: {  	s19 =	sld [smem:$0x3FDB];
	_ =	sdelay $0x1  }
0x99: {  	s4 =	simm.s32 $_scs_section_size  }
0x9a: {  	s5 =	simm.s32 $_size__tile_overlayer_lowered;
	s6 =	simm.s32 $_tile_overlayer_lowered  }
0x9b: {  	s22 =	simm.s32 $0x1BFF;
	s21 =	sshll.u32 s6, $0x1;
	s3 =	sadd.s32 s4, s19  }
0x9c: {  	s7 =	simm.s32 $0x0;
	s20 =	sshll.u32 s5, $0x1;
	s5 =	sadd.s32 s21, s3  }
0x9d: {  	[timem:s7], [sflag:s22] =	dma.local [hbm:s5], s20  }
0x9e: {  	_ =	swait.ge [sflag:s22], s20  }
0x9f: {  	s4 =	ssub.s32 $0x0, s20;
	[sflag:s22] =	ssyncset.done $0x0  }
0xa0: {  	[sflag:s22] =	ssyncadd.s32 s4;
	_ =	sdelay $0x1  }
0xa1: {  	s23 =	simm.s32 $0x1B8B  }
0xa2: {  	_ =	swait.ge [sflag:s23], $0x1  }
0xa3: {  	[sflag:s23] =	ssyncset.done $0x0  }
0xa4: {  	s25 =	simm.s32 $0x1B8E;
	s24 =	sld [smem:$0x3FFE];
	[sflag:s23] =	ssyncadd.s32 $0xFFFFFFFF  }
0xa5: {  	s26 =	simm.s32 $execute0_lowered;
	[smem:$0x3FD2] =	sst s25  }
0xa6: {  	s5 =	sshll.u32 s26, $0x1;
	_ =	strace $0x80000049;
	[dreg:$0x1] =	wrdreg $0xFFFFFFFF  }
0xa7: {  	s28 =	simm.s32 $_size_execute0_lowered;
	s3 =	sadd.s32 s3, s5;
	[dreg:$0x0] =	wrdreg $0x0  }
0xa8: {  	s5 =	sshll.u32 s28, $0x1;
	[dreg:$0x2] =	wrdreg s3  }
0xa9: {  	[dreg:$0x3] =	wrdreg s5  }
0xaa: {  	[dreg:$0x4] =	wrdreg $0xC0  }
0xab: {  	_ =	task [dreg:s7], $0x5FFFF  }
0xac: {  	[dreg:$0x1] =	wrdreg $0xFFFFFFFF  }
0xad: {  	[dreg:$0x0] =	wrdreg $0x60  }
0xae: {  	[dreg:$0x2] =	wrdreg s24  }
0xaf: {  	[dreg:$0x3] =	wrdreg s2  }
0xb0: {  	[dreg:$0x4] =	wrdreg $0xC6000  }
0xb1: {  	[dreg:$0x5] =	wrdreg $0x9  }
0xb2: {  	_ =	task.clear_ibuf [dreg:s7], $0x6FFFF;
	_ =	strace $0x90000049  }
0xb3: {  	s29 =	simm.s32 $0x9;
	_ =	strace $0x8000004B  }
0xb4: {  	_ =	swait.ge [sflag:s29], $0x1  }
0xb5: {  	[sflag:s29] =	ssyncadd.s32 $0xFFFFFFFF  }
0xb6: {  	_ =	strace $0x9000004B  }
0xb7: {  	_ =	sfence  }
0xb8: {  	s30 =	sld [smem:$0x0];
	_ =	sdelay $0x2  }
0xb9: {  	s31 =	sshll.u32 s1, $0xD;
	s1 =	sshrl.u32 s1, $0x2  }
0xba: {  	s3 =	sand.u32 $0x4000, s31;
	s1 =	sadd.s32 s1, s30  }
0xbb: {  	s0 =	sor.u32 s3, s0;
	s1 =	sshll.u32 s1, $0x11  }
0xbc: {  	s0 =	sor.u32 s1, s0  }
0xbd: {  	s0 =	sadd.s32 $0x8F2B, s0  }
0xbe: {  	[sflag:s0] =	ssyncadd.remote.s32 $0x1  }
0xbf: {  	_ =	sfence.sel $0xFFFF  }
0xc0: {  	[dreg:$0x0] =	wrdreg $0xFFFFFFFF;
	(pc) =	sbr.abs _section_cstart, $3  }
0xc1: {  	[dreg:$0x1] =	wrdreg $0xFFFFFFFF  }
0xc2: {  	_ =	task.clear_ibuf [dreg:s7], $0x2FFFF;
	_ =	strace $0x9FFFFFFF  }
0xc3: {  	(tm) =	ssettm $0x7FFFFFFF  }
tec
execute0_lowered:
.L_overlay_start_1:
0x0: {  	(tag) =	ssettag $0x1  }
0x1: {  	s6 =	rddreg [dreg:$0x0]  }
0x2: {  	s10 =	rddreg [dreg:$0x1]  }
0x3: {  	s2 =	rddreg [dreg:$0x2]  }
0x4: {  	s0 =	rddreg [dreg:$0x3];
	s4 =	srdreg.scid  }
0x5: {  	s1 =	stileid.u32;
	s3 =	simm.s32 $0x0;
	s17 =	simm.s32 $0x8600  }
0x6: {  	s18 =	simm.s32 $0xA600;
	s19 =	simm.s32 $0x1;
	s20 =	simm.s32 $0x2  }
0x7: {  	s21 =	simm.s32 $0x3;
	s22 =	simm.s32 $0x4;
	s7 =	smul.u32 $0x14000, s1  }
0x8: {  	s13 =	sand.u32 $0x1, s4;
	[smem:$0x7FF] =	sst s3;
	s12 =	smul.u32 $0xD00, s1  }
0x9: {  	s4 =	sadd.s32 $0x62800, s6;
	s9 =	sadd.s32 $0x8800, s6;
	s31 =	smul.u32 $0x860, s1  }
0xa: {  	s5 =	sadd.s32 $0x7400, s6;
	s29 =	sshll.u32 s1, $0x6;
	s8 =	smul.u32 $0x140000, s13  }
0xb: {  	_ =	strace $0x8000004A;
	s11 =	ssub.s32 $0x2, s13;
	p0 =	sne.s32 s13, $0x0  }
0xc: {  	s26 =	sshrl.u32 s11, $0x1;
	s28 =	sshrl.u32 s12, $0x3;
	s8 =	sadd.s32 s7, s8  }
0xd: {  	s7 =	sshrl.u32 s7, $0x1;
	s15 =	ssub.s32 s11, s26;
	s30 =	sadd.s32 $0x8600, s28  }
.Ltmp0:
0xe: {  	s8 =	sshrl.u32 s8, $0x4;
	s16 =	sadd.s32 s7, s2;
	(pc) =	sbr.rel .LBB2_1-.Ltmp0, $4  }
0xf: {  	s7 =	sadd.s32 s9, s30;
	s9 =	sadd.s32 s9, s31;
	s12 =	smax.u32 s15, $0x1  }
0x10: {  	s15 =	simm.s32 $0x4300;
	s14 =	sadd.s32 s8, s6;
	s6 =	sor.u32 $0x1C05, s29  }
0x11: {  	s8 =	sadd.s32 s10, s30;
	s10 =	sadd.s32 s10, s31;
	s13 =	sshrl.u32 s16, $0x3  }
0x12: {  	s16 =	simm.s32 $0x80;
	s11 =	sadd.s32 $0x76200, s14;
	s14 =	simm.s32 $0x5  }
.LBB2_4:
0x13: {  	[tilespmem:s18], [sflag:$0x2] =	stream.indirect.gather [hbm4b:s4+s16], $0x40, s24, s16, $0xb8;
	[tilespmem:$0x16600] =	vst v63  }
0x14: {  	s23 =	simm.s32 $0x8580;
	s24 =	simm.s32 $0x8500  }
.LBB2_8:
0x15: {  	_ =	swait.ge [sflag:s19], $0x2000  }
0x16: {  	[sflag:s19] =	ssyncset.done $0x0  }
0x17: {  	[sflag:s19] =	ssyncadd.s32 $0xFFFFE000  }
0x18: {  	[spmem:s2] =	stream.indirect.scatter.add.bf16 [tilespmem:s17], [sflag:$0x5], $0x40, s24, s16, $0xb8;
	[tilespmem:$0x16600] =	vst v63  }
0x19: {  	_ =	swait.ge [sflag:s14], $0x2000  }
0x1a: {  	[sflag:s14] =	ssyncset.done $0x0  }
0x1b: {  	[sflag:s14] =	ssyncadd.s32 $0xFFFFE000  }
0x1c: {  	_ =	swait.ge [sflag:s20], $0x2000  }
0x1d: {  	[sflag:s20] =	ssyncset.done $0x0  }
0x1e: {  	[sflag:s20] =	ssyncadd.s32 $0xFFFFE000  }
0x1f: {  	[spmem:s2] =	stream.indirect.scatter.add.bf16 [tilespmem:s18], [sflag:$0x5], $0x40, s23, s16, $0xb8;
	[tilespmem:$0x16600] =	vst v63  }
0x20: {  	_ =	swait.ge [sflag:s14], $0x2000  }
0x21: {  	s3 =	sadd.s32 $0x1, s3;
	[sflag:s14] =	ssyncset.done $0x0  }
0x22: {  	p1 =	sne.s32 s3, s12;
	[sflag:s14] =	ssyncadd.s32 $0xFFFFE000  }
.Ltmp1:
0x23: {  	[bflag:$0x0] =	sbarrier.arrive $0xFFFF;
	(pc) =	sbr.rel @!p1 .LBB2_9-.Ltmp1, $4  }
0x24: {  	[hbm:s11], [sflag:s6] =	dma.local [spmem:s13], $0x1400  }
0x25: {  	_ =	swait.ge [sflag:s14], $0x1400  }
0x26: {  	[sflag:s14] =	ssyncset.done $0x0  }
0x27: {  	[sflag:s14] =	ssyncadd.s32 $0xFFFFEC00  }
.LBB2_1:
0x28: {  	[spmem:s13], [sflag:s6] =	dma.local [hbm:s5], $0x1400  }
.Ltmp2:
0x29: {  	_ =	swait.ge [sflag:s14], $0x1400;
	(pc) =	sbr.rel @p0 .LBB2_5-.Ltmp2, $4  }
0x2a: {  	[sflag:s14] =	ssyncset.done $0x0  }
0x2b: {  	[sflag:s14] =	ssyncadd.s32 $0xFFFFEC00  }
0x2c: {  	[bflag:$0x0] =	sbarrier.arrive $0xFFFF  }
0x2d: {  	s23 =	simm.s32 $0x0  }
0x2e: {  	[tilespmem:s23], [sflag:$0x5] =	stream.linear.gather [hbm4b:s9+s23], $0x4300, $0x38;
	[tilespmem:$0x16600] =	vst v63  }
0x2f: {  	_ =	swait.ge [sflag:s14], $0x4300  }
0x30: {  	[sflag:s14] =	ssyncset.done $0x0  }
0x31: {  	[sflag:s14] =	ssyncadd.s32 $0xFFFFBD00  }
0x32: {  	[tilespmem:s15], [sflag:$0x5] =	stream.linear.gather [hbm4b:s10+s23], $0x4300, $0x38;
	[tilespmem:$0x16600] =	vst v63  }
0x33: {  	_ =	swait.ge [sflag:s14], $0x4300  }
0x34: {  	[sflag:s14] =	ssyncset.done $0x0  }
0x35: {  	[sflag:s14] =	ssyncadd.s32 $0xFFFFBD00  }
0x36: {  	[tilespmem:s17], [sflag:$0x1] =	stream.indirect.gather [hbm4b:s4+s16], $0x40, s23, s16, $0xb8;
	[tilespmem:$0x16600] =	vst v63  }
0x37: {  	_ = 	snop  }
0x38: {  	[tilespmem:s18], [sflag:$0x2] =	stream.indirect.gather [hbm4b:s4+s16], $0x40, s16, s16, $0xb8;
	[tilespmem:$0x16600] =	vst v63  }
0x39: {  	_ =	swait.ge [sflag:s19], $0x2000  }
0x3a: {  	[sflag:s19] =	ssyncset.done $0x0  }
0x3b: {  	s29 =	simm.s32 $0x4300;
	[sflag:s19] =	ssyncadd.s32 $0xFFFFE000  }
0x3c: {  	[spmem:s2] =	stream.indirect.scatter.add.bf16 [tilespmem:s17], [sflag:$0x3], $0x40, s29, s16, $0xb8;
	[tilespmem:$0x16600] =	vst v63  }
0x3d: {  	_ =	swait.ge [sflag:s20], $0x2000  }
0x3e: {  	[sflag:s20] =	ssyncset.done $0x0  }
0x3f: {  	s30 =	simm.s32 $0x4380;
	[sflag:s20] =	ssyncadd.s32 $0xFFFFE000  }
0x40: {  	[spmem:s2] =	stream.indirect.scatter.add.bf16 [tilespmem:s18], [sflag:$0x4], $0x40, s30, s16, $0xb8;
	[tilespmem:$0x16600] =	vst v63  }
0x41: {  	_ =	swait.ge [sflag:s21], $0x2000  }
0x42: {  	p1 =	por $0x0, $0x0;
	[sflag:s21] =	ssyncset.done $0x0  }
.Ltmp3:
0x43: {  	s31 =	simm.s32 $0x100;
	[sflag:s21] =	ssyncadd.s32 $0xFFFFE000;
	(pc) =	sbr.rel @p1 .LBB2_4-.Ltmp3, $4  }
0x44: {  	[tilespmem:s17], [sflag:$0x1] =	stream.indirect.gather [hbm4b:s4+s16], $0x40, s31, s16, $0xb8;
	[tilespmem:$0x16600] =	vst v63  }
0x45: {  	_ =	swait.ge [sflag:s22], $0x2000  }
0x46: {  	[sflag:s22] =	ssyncset.done $0x0  }
0x47: {  	s24 =	simm.s32 $0x180;
	s23 =	simm.s32 $0x400;
	[sflag:s22] =	ssyncadd.s32 $0xFFFFE000  }
.LBB2_3:
0x48: {  	[tilespmem:s18], [sflag:$0x2] =	stream.indirect.gather [hbm4b:s4+s16], $0x40, s24, s16, $0xb8;
	[tilespmem:$0x16600] =	vst v63  }
0x49: {  	s24 =	smov.u32 s23  }
0x4a: {  	p1 =	seq.s32 s23, $0x10400;
	s23 =	sadd.s32 $0x400, s23;
	_ =	swait.ge [sflag:s19], $0x2000  }
0x4b: {  	s24 =	sshra.s32 s24, $0x2;
	[sflag:s19] =	ssyncset.done $0x0  }
0x4c: {  	s25 =	sadd.s32 $0x4300, s24;
	[sflag:s19] =	ssyncadd.s32 $0xFFFFE000  }
0x4d: {  	[spmem:s2] =	stream.indirect.scatter.add.bf16 [tilespmem:s17], [sflag:$0x3], $0x40, s25, s16, $0xb8;
	[tilespmem:$0x16600] =	vst v63  }
0x4e: {  	_ =	swait.ge [sflag:s20], $0x2000  }
0x4f: {  	[sflag:s20] =	ssyncset.done $0x0  }
0x50: {  	s25 =	sadd.s32 $0x4380, s24;
	[sflag:s20] =	ssyncadd.s32 $0xFFFFE000  }
0x51: {  	[spmem:s2] =	stream.indirect.scatter.add.bf16 [tilespmem:s18], [sflag:$0x4], $0x40, s25, s16, $0xb8;
	[tilespmem:$0x16600] =	vst v63  }
0x52: {  	_ =	swait.ge [sflag:s21], $0x2000  }
0x53: {  	[sflag:s21] =	ssyncset.done $0x0  }
.Ltmp4:
0x54: {  	s25 =	sadd.s32 $0x100, s24;
	[sflag:s21] =	ssyncadd.s32 $0xFFFFE000;
	(pc) =	sbr.rel @!p1 .LBB2_3-.Ltmp4, $4  }
0x55: {  	[tilespmem:s17], [sflag:$0x1] =	stream.indirect.gather [hbm4b:s4+s16], $0x40, s25, s16, $0xb8;
	[tilespmem:$0x16600] =	vst v63  }
0x56: {  	_ =	swait.ge [sflag:s22], $0x2000  }
0x57: {  	[sflag:s22] =	ssyncset.done $0x0  }
0x58: {  	s24 =	sadd.s32 $0x180, s24;
	[sflag:s22] =	ssyncadd.s32 $0xFFFFE000  }
.Ltmp5:
0x59: {  	_ = 	snop;
	(pc) =	sbr.rel .LBB2_4-.Ltmp5, $1  }
0x5a: {  	_ =	sdelay $0x3  }
.LBB2_5:
0x5b: {  	[tilespmem:s23], [sflag:$0x5] =	stream.linear.gather [hbm4b:s7+s23], $0xD00, $0x38;
	[tilespmem:$0x16600] =	vst v63  }
0x5c: {  	_ =	swait.ge [sflag:s14], $0xD00  }
0x5d: {  	[sflag:s14] =	ssyncset.done $0x0  }
0x5e: {  	[sflag:s14] =	ssyncadd.s32 $0xFFFFF300  }
0x5f: {  	[tilespmem:s15], [sflag:$0x5] =	stream.linear.gather [hbm4b:s8+s23], $0xD00, $0x38;
	[tilespmem:$0x16600] =	vst v63  }
0x60: {  	_ =	swait.ge [sflag:s14], $0xD00  }
0x61: {  	[sflag:s14] =	ssyncset.done $0x0  }
0x62: {  	[sflag:s14] =	ssyncadd.s32 $0xFFFFF300  }
0x63: {  	[tilespmem:s17], [sflag:$0x1] =	stream.indirect.gather [hbm4b:s4+s16], $0x40, s23, s16, $0xb8;
	[tilespmem:$0x16600] =	vst v63  }
0x64: {  	_ = 	snop  }
0x65: {  	[tilespmem:s18], [sflag:$0x2] =	stream.indirect.gather [hbm4b:s4+s16], $0x40, s16, s16, $0xb8;
	[tilespmem:$0x16600] =	vst v63  }
0x66: {  	_ =	swait.ge [sflag:s19], $0x2000  }
0x67: {  	[sflag:s19] =	ssyncset.done $0x0  }
0x68: {  	s29 =	simm.s32 $0x4300;
	[sflag:s19] =	ssyncadd.s32 $0xFFFFE000  }
0x69: {  	[spmem:s2] =	stream.indirect.scatter.add.bf16 [tilespmem:s17], [sflag:$0x3], $0x40, s29, s16, $0xb8;
	[tilespmem:$0x16600] =	vst v63  }
0x6a: {  	_ =	swait.ge [sflag:s20], $0x2000  }
0x6b: {  	[sflag:s20] =	ssyncset.done $0x0  }
0x6c: {  	s30 =	simm.s32 $0x4380;
	[sflag:s20] =	ssyncadd.s32 $0xFFFFE000  }
0x6d: {  	[spmem:s2] =	stream.indirect.scatter.add.bf16 [tilespmem:s18], [sflag:$0x4], $0x40, s30, s16, $0xb8;
	[tilespmem:$0x16600] =	vst v63  }
0x6e: {  	_ =	swait.ge [sflag:s21], $0x2000  }
0x6f: {  	[sflag:s21] =	ssyncset.done $0x0  }
0x70: {  	s31 =	simm.s32 $0x100;
	[sflag:s21] =	ssyncadd.s32 $0xFFFFE000  }
0x71: {  	[tilespmem:s17], [sflag:$0x1] =	stream.indirect.gather [hbm4b:s4+s16], $0x40, s31, s16, $0xb8;
	[tilespmem:$0x16600] =	vst v63  }
0x72: {  	_ =	swait.ge [sflag:s22], $0x2000  }
0x73: {  	[sflag:s22] =	ssyncset.done $0x0  }
0x74: {  	s24 =	simm.s32 $0x180;
	s23 =	simm.s32 $0x400;
	[sflag:s22] =	ssyncadd.s32 $0xFFFFE000  }
.LBB2_6:
0x75: {  	[tilespmem:s18], [sflag:$0x2] =	stream.indirect.gather [hbm4b:s4+s16], $0x40, s24, s16, $0xb8;
	[tilespmem:$0x16600] =	vst v63  }
0x76: {  	s24 =	smov.u32 s23  }
0x77: {  	p1 =	sne.s32 s23, $0x2C00;
	s23 =	sadd.s32 $0x400, s23;
	_ =	swait.ge [sflag:s19], $0x2000  }
0x78: {  	s24 =	sshra.s32 s24, $0x2;
	[sflag:s19] =	ssyncset.done $0x0  }
0x79: {  	s25 =	sadd.s32 $0x4300, s24;
	[sflag:s19] =	ssyncadd.s32 $0xFFFFE000  }
0x7a: {  	[spmem:s2] =	stream.indirect.scatter.add.bf16 [tilespmem:s17], [sflag:$0x3], $0x40, s25, s16, $0xb8;
	[tilespmem:$0x16600] =	vst v63  }
0x7b: {  	_ =	swait.ge [sflag:s20], $0x2000  }
0x7c: {  	[sflag:s20] =	ssyncset.done $0x0  }
0x7d: {  	s25 =	sadd.s32 $0x4380, s24;
	[sflag:s20] =	ssyncadd.s32 $0xFFFFE000  }
0x7e: {  	[spmem:s2] =	stream.indirect.scatter.add.bf16 [tilespmem:s18], [sflag:$0x4], $0x40, s25, s16, $0xb8;
	[tilespmem:$0x16600] =	vst v63  }
0x7f: {  	_ =	swait.ge [sflag:s21], $0x2000  }
0x80: {  	[sflag:s21] =	ssyncset.done $0x0  }
.Ltmp6:
0x81: {  	s25 =	sadd.s32 $0x100, s24;
	[sflag:s21] =	ssyncadd.s32 $0xFFFFE000;
	(pc) =	sbr.rel @p1 .LBB2_6-.Ltmp6, $4  }
0x82: {  	[tilespmem:s17], [sflag:$0x1] =	stream.indirect.gather [hbm4b:s4+s16], $0x40, s25, s16, $0xb8;
	[tilespmem:$0x16600] =	vst v63  }
0x83: {  	_ =	swait.ge [sflag:s22], $0x2000  }
0x84: {  	[sflag:s22] =	ssyncset.done $0x0  }
0x85: {  	s24 =	sadd.s32 $0x180, s24;
	[sflag:s22] =	ssyncadd.s32 $0xFFFFE000  }
.Ltmp7:
0x86: {  	(pc) =	sbr.rel .LBB2_8-.Ltmp7, $3  }
0x87: {  	_ =	sdelay $0x1  }
0x88: {  	[tilespmem:s18], [sflag:$0x2] =	stream.indirect.gather [hbm4b:s4+s16], $0x40, s24, s16, $0xb8;
	[tilespmem:$0x16600] =	vst v63  }
0x89: {  	s23 =	simm.s32 $0x4F80;
	s24 =	simm.s32 $0x4F00  }
.LBB2_9:
0x8a: {  	_ =	sfence.sel $0x180000  }
0x8b: {  	[bflag:$0x0] =	sbarrier.arrive $0xFFFF  }
0x8c: {  	p0 =	sne.s32 s1, $0x0;
	_ =	strace $0x9000004A  }
0x8d: {  	s0 =	sadd.s32 @!p0 $0x100000, s0;
	[bflag:$0x2] =	sbarrier.arrive $0xFFFF  }
0x8e: {  	[sflag:s0] =	ssyncadd.tile.s32 @!p0 $0x1;
	_ =	shalt  }
.Lfunc_end2:
_tile_overlayer_lowered:
.L_overlay_start_2:
0x8f: {  	(tag) =	ssettag $0x2  }
0x90: {  	s0 =	rddreg [dreg:$0x0];
	s2 =	stileid.u32  }
0x91: {  	s1 =	rddreg [dreg:$0x1];
	p0 =	sne.s32 s2, $0x0  }
0x92: {  	s3 =	rddreg [dreg:$0x2];
	[bflag:$0x3] =	sbarrier.arrive $0xFFFF;
	s2 =	simm.s32 @!p0 $0x1C05  }
0x93: {  	[timem:s3], [sflag:s2] =	dma.local @!p0 [hbm:s0], s1  }
0x94: {  	s0 =	simm.s32 @!p0 $0x5  }
0x95: {  	_ =	swait.ge @!p0 [sflag:s0], s1  }
0x96: {  	s1 =	ssub.s32 @!p0 $0x0, s1;
	[sflag:s0] =	ssyncset.done @!p0 $0x0  }
0x97: {  	[sflag:s0] =	ssyncadd.s32 @!p0 s1  }
0x98: {  	[bflag:$0x3] =	sbarrier.arrive $0xFFFF  }
0x99: {  	_ =	shalt  }

// kernel: kernel.16.cloned.1.call-start
scs
__scs_entry_jumppad:
0x0: {  	(pc) =	sbr.rel $0x88, $3  }
0x1: {  	(tag) =	ssettag $0x0;
	lr =	simm.s32 $0x1  }
0x2: {  	[smem:$0x3F99] =	sst lr;
	_ =	strace $0xD0000000  }
0x3: {  	_ = 	snop  }
0x4: {  	_ = 	snop  }
0x5: {  	_ = 	snop  }
0x6: {  	_ = 	snop  }
0x7: {  	_ = 	snop  }
__scs_overlays_trampoline_lowered:
0x8: {  	[smem:$0x3FA8] =	sst s0  }
0x9: {  	[smem:$0x3FA9] =	sst s1  }
0xa: {  	[smem:$0x3FAA] =	sst s2  }
0xb: {  	[smem:$0x3FAB] =	sst s3  }
0xc: {  	[smem:$0x3FAC] =	sst s4  }
0xd: {  	[smem:$0x3FAD] =	sst s5  }
0xe: {  	[smem:$0x3FAE] =	sst s6  }
0xf: {  	[smem:$0x3FAF] =	sst s7  }
0x10: {  	[smem:$0x3FB0] =	sst s8  }
0x11: {  	[smem:$0x3FB1] =	sst s9;
	s0 =	simm.s32 @!p0 $0x0  }
0x12: {  	s1 =	sld [smem:$0x3F97];
	s0 =	simm.s32 @p0 $0x1  }
0x13: {  	[smem:$0x3FB2] =	sst s0;
	s0 =	simm.s32 @!p1 $0x0  }
0x14: {  	s2 =	sld [smem:$0x3F96];
	s0 =	simm.s32 @p1 $0x1  }
0x15: {  	[smem:$0x3FB3] =	sst s0;
	s0 =	simm.s32 @!p2 $0x0  }
0x16: {  	s3 =	sld [smem:$0x3FDB];
	s0 =	simm.s32 @p2 $0x1  }
0x17: {  	s4 =	simm.s32 $0x1BF5;
	[smem:$0x3FB5] =	sst s0  }
0x18: {  	s0 =	sld [smem:$0x3F98];
	_ =	swait.ge [sflag:s4], $0x0  }
0x19: {  	s7 =	sld [smem:$0x3F99]  }
0x1a: {  	s8 =	sadd.s32 $0xFFFFE003, lr  }
0x1b: {  	s9 =	sadd.s32 $0xFFFFFEF7, lr;
	s5 =	simm.s32 $0xFFFFFFFF;
	p2 =	slt.u32 s8, $0xFFFFF086  }
0x1c: {  	p1 =	slt.u32 s9, $0xF7A;
	s5 =	simm.s32 @!p2 $0x0  }
0x1d: {  	s5 =	simm.s32 @p1 $0x1;
	p0 =	seq.s32 s7, s2  }
0x1e: {  	s7 =	smul.u32 @!p0 $0xF7A, s2;
	p2 =	seq.s32 @!p0 s5, $0x0  }
0x1f: {  	s9 =	smul.u32 $0xF7A, s1;
	s8 =	simm.s32 @!p0 $0x1BF5;
	p2 =	por !p2, p0  }
0x20: {  	[sflag:s8] =	ssyncset.s32 @!p0 $0xFFFFF086;
	s6 =	sadd.s32 @!p0 s3, s7;
	s7 =	simm.s32 @!p0 $0x108  }
0x21: {  	s3 =	sadd.s32 s3, s9;
	s6 =	sadd.s32 @!p0 $0x88, s6;
	s7 =	simm.s32 @p2 $0x1082  }
0x22: {  	[simem:s7], [sflag:s8] =	dma.local @!p0 [hbm:s6], $0xF7A  }
0x23: {  	s9 =	sor.u32 $0xD0000000, s2;
	s6 =	simm.s32 $0x108;
	_ =	swait.ge @!p0 [sflag:s8], $0x0  }
0x24: {  	s3 =	sadd.s32 $0x88, s3;
	s6 =	simm.s32 @!p1 $0x1082;
	[sflag:s4] =	ssyncset.s32 $0xFFFFF086  }
0x25: {  	[simem:s6], [sflag:s4] =	dma.local [hbm:s3], $0xF7A  }
0x26: {  	[smem:$0x3F99] =	sst s1;
	(tag) =	ssettag s2;
	_ =	strace s9  }
0x27: {  	s1 =	sld [smem:$0x3FA9]  }
0x28: {  	s2 =	sld [smem:$0x3FAA]  }
0x29: {  	s4 =	sld [smem:$0x3FAC]  }
0x2a: {  	p0 =	seq.s32 s5, $0x0;
	s5 =	sld [smem:$0x3FAD]  }
0x2b: {  	s6 =	sld [smem:$0x3FAE]  }
0x2c: {  	s7 =	sld [smem:$0x3FAF]  }
0x2d: {  	s3 =	simm.s32 $0x108;
	s8 =	sld [smem:$0x3FB0]  }
0x2e: {  	s3 =	simm.s32 @!p0 $0x1082;
	s9 =	sld [smem:$0x3FB1]  }
0x2f: {  	lr =	sadd.s32 s0, s3;
	s0 =	sld [smem:$0x3FA8]  }
0x30: {  	s3 =	sld [smem:$0x3FAB]  }
0x31: {  	[smem:$0x3FB4] =	sst s10  }
0x32: {  	s10 =	sld [smem:$0x3FB2];
	_ =	sdelay $0x3  }
0x33: {  	p0 =	seq.s32 s10, $0x1;
	s10 =	sld [smem:$0x3FB4];
	_ =	sdelay $0x3  }
0x34: {  	[smem:$0x3FB4] =	sst s10  }
0x35: {  	s10 =	sld [smem:$0x3FB3];
	_ =	sdelay $0x3  }
0x36: {  	p1 =	seq.s32 s10, $0x1;
	s10 =	sld [smem:$0x3FB4];
	_ =	sdelay $0x3  }
0x37: {  	[smem:$0x3FB4] =	sst s10  }
0x38: {  	s10 =	sld [smem:$0x3FB5]  }
0x39: {  	_ = 	snop;
	(pc) =	sbr.ind lr, $3  }
0x3a: {  	_ = 	snop  }
0x3b: {  	_ = 	snop  }
0x3c: {  	p2 =	seq.s32 s10, $0x1;
	s10 =	sld [smem:$0x3FB4]  }
0x3d: {  	_ =	shalt  }
0x3e: {  	_ =	shalt  }
0x3f: {  	_ =	shalt  }
0x40: {  	_ =	shalt  }
0x41: {  	_ =	shalt  }
0x42: {  	_ =	shalt  }
0x43: {  	_ =	shalt  }
0x44: {  	_ =	shalt  }
0x45: {  	_ =	shalt  }
0x46: {  	_ =	shalt  }
0x47: {  	_ =	shalt  }
0x48: {  	_ =	shalt  }
0x49: {  	_ =	shalt  }
0x4a: {  	_ =	shalt  }
0x4b: {  	_ =	shalt  }
0x4c: {  	_ =	shalt  }
0x4d: {  	_ =	shalt  }
0x4e: {  	_ =	shalt  }
0x4f: {  	_ =	shalt  }
0x50: {  	_ =	shalt  }
0x51: {  	_ =	shalt  }
0x52: {  	_ =	shalt  }
0x53: {  	_ =	shalt  }
0x54: {  	_ =	shalt  }
0x55: {  	_ =	shalt  }
0x56: {  	_ =	shalt  }
0x57: {  	_ =	shalt  }
0x58: {  	_ =	shalt  }
0x59: {  	_ =	shalt  }
0x5a: {  	_ =	shalt  }
0x5b: {  	_ =	shalt  }
0x5c: {  	_ =	shalt  }
0x5d: {  	_ =	shalt  }
0x5e: {  	_ =	shalt  }
0x5f: {  	_ =	shalt  }
0x60: {  	_ =	shalt  }
0x61: {  	_ =	shalt  }
0x62: {  	_ =	shalt  }
0x63: {  	_ =	shalt  }
0x64: {  	_ =	shalt  }
0x65: {  	_ =	shalt  }
0x66: {  	_ =	shalt  }
0x67: {  	_ =	shalt  }
0x68: {  	_ =	shalt  }
0x69: {  	_ =	shalt  }
0x6a: {  	_ =	shalt  }
0x6b: {  	_ =	shalt  }
0x6c: {  	_ =	shalt  }
0x6d: {  	_ =	shalt  }
0x6e: {  	_ =	shalt  }
0x6f: {  	_ =	shalt  }
0x70: {  	_ =	shalt  }
0x71: {  	_ =	shalt  }
0x72: {  	_ =	shalt  }
0x73: {  	_ =	shalt  }
0x74: {  	_ =	shalt  }
0x75: {  	_ =	shalt  }
0x76: {  	_ =	shalt  }
0x77: {  	_ =	shalt  }
0x78: {  	_ =	shalt  }
0x79: {  	_ =	shalt  }
0x7a: {  	_ =	shalt  }
0x7b: {  	_ =	shalt  }
0x7c: {  	_ =	shalt  }
0x7d: {  	_ =	shalt  }
0x7e: {  	_ =	shalt  }
0x7f: {  	_ =	shalt  }
0x80: {  	_ =	shalt  }
0x81: {  	_ =	shalt  }
0x82: {  	_ =	shalt  }
0x83: {  	_ =	shalt  }
0x84: {  	_ =	shalt  }
0x85: {  	_ =	shalt  }
0x86: {  	_ =	shalt  }
0x87: {  	_ =	shalt  }
.Lfunc_end0:
.L_simem_size_0:
called_computation.2_lowered:
.L_overlay_start_0:
0x88: {  	s2 =	sld [smem:$0x3FD9]  }
0x89: {  	s3 =	sld [smem:$0x3FFE];
	_ =	sdelay $0x1  }
0x8a: {  	s1 =	srdreg.scid  }
0x8b: {  	s0 =	sand.u32 $0x1, s1  }
0x8c: {  	s17 =	sshll.u32 s0, $0xA;
	s2 =	sadd.s32 s3, s2  }
0x8d: {  	s2 =	sadd.s32 s2, s17  }
0x8e: {  	[smem:$0x3FC0] =	sst s2  }
0x8f: {  	_ = 	snop  }
0x90: {  	s2 =	sld [smem:$0x3FD0];
	(tm) =	ssettm $0x1  }
0x91: {  	s18 =	sld [smem:$0x3FFB];
	_ =	sdelay $0x3  }
0x92: {  	_ =	strace s18  }
0x93: {  	s3 =	sld [smem:$0x3FFC];
	_ =	sdelay $0x3  }
0x94: {  	_ =	strace s3  }
0x95: {  	s3 =	sld [smem:$0x3FFD];
	_ =	sdelay $0x3  }
0x96: {  	_ =	strace s3  }
0x97: {  	_ =	strace $0x8FFFFFFF  }
0x98: {  	s19 =	sld [smem:$0x3FDB];
	_ =	sdelay $0x1  }
0x99: {  	s4 =	simm.s32 $_scs_section_size  }
0x9a: {  	s5 =	simm.s32 $_size__tile_overlayer_lowered;
	s6 =	simm.s32 $_tile_overlayer_lowered  }
0x9b: {  	s22 =	simm.s32 $0x1BFF;
	s21 =	sshll.u32 s6, $0x1;
	s3 =	sadd.s32 s4, s19  }
0x9c: {  	s7 =	simm.s32 $0x0;
	s20 =	sshll.u32 s5, $0x1;
	s5 =	sadd.s32 s21, s3  }
0x9d: {  	[timem:s7], [sflag:s22] =	dma.local [hbm:s5], s20  }
0x9e: {  	_ =	swait.ge [sflag:s22], s20  }
0x9f: {  	s4 =	ssub.s32 $0x0, s20;
	[sflag:s22] =	ssyncset.done $0x0  }
0xa0: {  	[sflag:s22] =	ssyncadd.s32 s4;
	_ =	sdelay $0x1  }
0xa1: {  	s23 =	simm.s32 $0x1B8B  }
0xa2: {  	_ =	swait.ge [sflag:s23], $0x1  }
0xa3: {  	[sflag:s23] =	ssyncset.done $0x0  }
0xa4: {  	s25 =	simm.s32 $0x1B8E;
	s24 =	sld [smem:$0x3FFE];
	[sflag:s23] =	ssyncadd.s32 $0xFFFFFFFF  }
0xa5: {  	s26 =	simm.s32 $execute0_lowered;
	[smem:$0x3FD2] =	sst s25  }
0xa6: {  	s5 =	sshll.u32 s26, $0x1;
	_ =	strace $0x8000004C;
	[dreg:$0x1] =	wrdreg $0xFFFFFFFF  }
0xa7: {  	s28 =	simm.s32 $_size_execute0_lowered;
	s3 =	sadd.s32 s3, s5;
	[dreg:$0x0] =	wrdreg $0x0  }
0xa8: {  	s5 =	sshll.u32 s28, $0x1;
	[dreg:$0x2] =	wrdreg s3  }
0xa9: {  	[dreg:$0x3] =	wrdreg s5  }
0xaa: {  	[dreg:$0x4] =	wrdreg $0xC0  }
0xab: {  	_ =	task [dreg:s7], $0x5FFFF  }
0xac: {  	[dreg:$0x1] =	wrdreg $0xFFFFFFFF  }
0xad: {  	[dreg:$0x0] =	wrdreg $0x60  }
0xae: {  	[dreg:$0x2] =	wrdreg s24  }
0xaf: {  	[dreg:$0x3] =	wrdreg s2  }
0xb0: {  	[dreg:$0x4] =	wrdreg $0x88000  }
0xb1: {  	[dreg:$0x5] =	wrdreg $0x9  }
0xb2: {  	_ =	task.clear_ibuf [dreg:s7], $0x6FFFF;
	_ =	strace $0x9000004C  }
0xb3: {  	s29 =	simm.s32 $0x9;
	_ =	strace $0x8000004E  }
0xb4: {  	_ =	swait.ge [sflag:s29], $0x1  }
0xb5: {  	[sflag:s29] =	ssyncadd.s32 $0xFFFFFFFF  }
0xb6: {  	_ =	strace $0x9000004E  }
0xb7: {  	_ =	sfence  }
0xb8: {  	s30 =	sld [smem:$0x0];
	_ =	sdelay $0x2  }
0xb9: {  	s31 =	sshll.u32 s1, $0xD;
	s1 =	sshrl.u32 s1, $0x2  }
0xba: {  	s3 =	sand.u32 $0x4000, s31;
	s1 =	sadd.s32 s1, s30  }
0xbb: {  	s0 =	sor.u32 s3, s0;
	s1 =	sshll.u32 s1, $0x11  }
0xbc: {  	s0 =	sor.u32 s1, s0  }
0xbd: {  	s0 =	sadd.s32 $0x8F2B, s0  }
0xbe: {  	[sflag:s0] =	ssyncadd.remote.s32 $0x1  }
0xbf: {  	_ =	sfence.sel $0xFFFF  }
0xc0: {  	[dreg:$0x0] =	wrdreg $0xFFFFFFFF;
	(pc) =	sbr.abs _section_cstart, $3  }
0xc1: {  	[dreg:$0x1] =	wrdreg $0xFFFFFFFF  }
0xc2: {  	_ =	task.clear_ibuf [dreg:s7], $0x2FFFF;
	_ =	strace $0x9FFFFFFF  }
0xc3: {  	(tm) =	ssettm $0x7FFFFFFF  }
tec
execute0_lowered:
.L_overlay_start_1:
0x0: {  	(tag) =	ssettag $0x1  }
0x1: {  	s6 =	rddreg [dreg:$0x0]  }
0x2: {  	s10 =	rddreg [dreg:$0x1]  }
0x3: {  	s2 =	rddreg [dreg:$0x2]  }
0x4: {  	s0 =	rddreg [dreg:$0x3];
	s4 =	srdreg.scid  }
0x5: {  	s1 =	stileid.u32;
	s3 =	simm.s32 $0x0;
	s17 =	simm.s32 $0x6800  }
0x6: {  	s18 =	simm.s32 $0x7800;
	s19 =	simm.s32 $0x1;
	s20 =	simm.s32 $0x2  }
0x7: {  	s21 =	simm.s32 $0x3;
	s22 =	simm.s32 $0x4;
	s7 =	smul.u32 $0xA000, s1  }
0x8: {  	s13 =	sand.u32 $0x1, s4;
	[smem:$0x7FF] =	sst s3;
	s12 =	smul.u32 $0x1C00, s1  }
0x9: {  	s4 =	sadd.s32 $0x62800, s6;
	s9 =	sadd.s32 $0x8800, s6;
	s31 =	smul.u32 $0x680, s1  }
0xa: {  	s5 =	sadd.s32 $0x1E00, s6;
	s29 =	sshll.u32 s1, $0x6;
	s8 =	smul.u32 $0xA0000, s13  }
0xb: {  	_ =	strace $0x8000004D;
	s11 =	ssub.s32 $0x2, s13;
	p0 =	sne.s32 s13, $0x0  }
0xc: {  	s26 =	sshrl.u32 s11, $0x1;
	s28 =	sshrl.u32 s12, $0x3;
	s8 =	sadd.s32 s7, s8  }
0xd: {  	s7 =	sshrl.u32 s7, $0x1;
	s15 =	ssub.s32 s11, s26;
	s30 =	sadd.s32 $0x6800, s28  }
.Ltmp0:
0xe: {  	s8 =	sshrl.u32 s8, $0x4;
	s16 =	sadd.s32 s7, s2;
	(pc) =	sbr.rel .LBB2_1-.Ltmp0, $4  }
0xf: {  	s7 =	sadd.s32 s9, s30;
	s9 =	sadd.s32 s9, s31;
	s12 =	smax.u32 s15, $0x1  }
0x10: {  	s15 =	simm.s32 $0x3400;
	s14 =	sadd.s32 s8, s6;
	s6 =	sor.u32 $0x1C05, s29  }
0x11: {  	s8 =	sadd.s32 s10, s30;
	s10 =	sadd.s32 s10, s31;
	s13 =	sshrl.u32 s16, $0x3  }
0x12: {  	s16 =	simm.s32 $0x80;
	s11 =	sadd.s32 $0x6C600, s14;
	s14 =	simm.s32 $0x5  }
.LBB2_4:
0x13: {  	[tilespmem:s18], [sflag:$0x2] =	stream.indirect.gather [hbm4b:s4+s16], $0x20, s24, s16, $0xb8;
	[tilespmem:$0xD800] =	vst v63  }
0x14: {  	s23 =	simm.s32 $0x6780;
	s24 =	simm.s32 $0x6700  }
.LBB2_8:
0x15: {  	_ =	swait.ge [sflag:s19], $0x1000  }
0x16: {  	[sflag:s19] =	ssyncset.done $0x0  }
0x17: {  	[sflag:s19] =	ssyncadd.s32 $0xFFFFF000  }
0x18: {  	[spmem:s2] =	stream.indirect.scatter.add.bf16 [tilespmem:s17], [sflag:$0x5], $0x20, s24, s16, $0xb8;
	[tilespmem:$0xD800] =	vst v63  }
0x19: {  	_ =	swait.ge [sflag:s14], $0x1000  }
0x1a: {  	[sflag:s14] =	ssyncset.done $0x0  }
0x1b: {  	[sflag:s14] =	ssyncadd.s32 $0xFFFFF000  }
0x1c: {  	_ =	swait.ge [sflag:s20], $0x1000  }
0x1d: {  	[sflag:s20] =	ssyncset.done $0x0  }
0x1e: {  	[sflag:s20] =	ssyncadd.s32 $0xFFFFF000  }
0x1f: {  	[spmem:s2] =	stream.indirect.scatter.add.bf16 [tilespmem:s18], [sflag:$0x5], $0x20, s23, s16, $0xb8;
	[tilespmem:$0xD800] =	vst v63  }
0x20: {  	_ =	swait.ge [sflag:s14], $0x1000  }
0x21: {  	s3 =	sadd.s32 $0x1, s3;
	[sflag:s14] =	ssyncset.done $0x0  }
0x22: {  	p1 =	sne.s32 s3, s12;
	[sflag:s14] =	ssyncadd.s32 $0xFFFFF000  }
.Ltmp1:
0x23: {  	[bflag:$0x0] =	sbarrier.arrive $0xFFFF;
	(pc) =	sbr.rel @!p1 .LBB2_9-.Ltmp1, $4  }
0x24: {  	[hbm:s11], [sflag:s6] =	dma.local [spmem:s13], $0xA00  }
0x25: {  	_ =	swait.ge [sflag:s14], $0xA00  }
0x26: {  	[sflag:s14] =	ssyncset.done $0x0  }
0x27: {  	[sflag:s14] =	ssyncadd.s32 $0xFFFFF600  }
.LBB2_1:
0x28: {  	[spmem:s13], [sflag:s6] =	dma.local [hbm:s5], $0xA00  }
.Ltmp2:
0x29: {  	_ =	swait.ge [sflag:s14], $0xA00;
	(pc) =	sbr.rel @p0 .LBB2_5-.Ltmp2, $4  }
0x2a: {  	[sflag:s14] =	ssyncset.done $0x0  }
0x2b: {  	[sflag:s14] =	ssyncadd.s32 $0xFFFFF600  }
0x2c: {  	[bflag:$0x0] =	sbarrier.arrive $0xFFFF  }
0x2d: {  	s23 =	simm.s32 $0x0  }
0x2e: {  	[tilespmem:s23], [sflag:$0x5] =	stream.linear.gather [hbm4b:s9+s23], $0x3400, $0x38;
	[tilespmem:$0xD800] =	vst v63  }
0x2f: {  	_ =	swait.ge [sflag:s14], $0x3400  }
0x30: {  	[sflag:s14] =	ssyncset.done $0x0  }
0x31: {  	[sflag:s14] =	ssyncadd.s32 $0xFFFFCC00  }
0x32: {  	[tilespmem:s15], [sflag:$0x5] =	stream.linear.gather [hbm4b:s10+s23], $0x3400, $0x38;
	[tilespmem:$0xD800] =	vst v63  }
0x33: {  	_ =	swait.ge [sflag:s14], $0x3400  }
0x34: {  	[sflag:s14] =	ssyncset.done $0x0  }
0x35: {  	[sflag:s14] =	ssyncadd.s32 $0xFFFFCC00  }
0x36: {  	[tilespmem:s17], [sflag:$0x1] =	stream.indirect.gather [hbm4b:s4+s16], $0x20, s23, s16, $0xb8;
	[tilespmem:$0xD800] =	vst v63  }
0x37: {  	_ = 	snop  }
0x38: {  	[tilespmem:s18], [sflag:$0x2] =	stream.indirect.gather [hbm4b:s4+s16], $0x20, s16, s16, $0xb8;
	[tilespmem:$0xD800] =	vst v63  }
0x39: {  	_ =	swait.ge [sflag:s19], $0x1000  }
0x3a: {  	[sflag:s19] =	ssyncset.done $0x0  }
0x3b: {  	s29 =	simm.s32 $0x3400;
	[sflag:s19] =	ssyncadd.s32 $0xFFFFF000  }
0x3c: {  	[spmem:s2] =	stream.indirect.scatter.add.bf16 [tilespmem:s17], [sflag:$0x3], $0x20, s29, s16, $0xb8;
	[tilespmem:$0xD800] =	vst v63  }
0x3d: {  	_ =	swait.ge [sflag:s20], $0x1000  }
0x3e: {  	[sflag:s20] =	ssyncset.done $0x0  }
0x3f: {  	s30 =	simm.s32 $0x3480;
	[sflag:s20] =	ssyncadd.s32 $0xFFFFF000  }
0x40: {  	[spmem:s2] =	stream.indirect.scatter.add.bf16 [tilespmem:s18], [sflag:$0x4], $0x20, s30, s16, $0xb8;
	[tilespmem:$0xD800] =	vst v63  }
0x41: {  	_ =	swait.ge [sflag:s21], $0x1000  }
0x42: {  	p1 =	por $0x0, $0x0;
	[sflag:s21] =	ssyncset.done $0x0  }
.Ltmp3:
0x43: {  	s31 =	simm.s32 $0x100;
	[sflag:s21] =	ssyncadd.s32 $0xFFFFF000;
	(pc) =	sbr.rel @p1 .LBB2_4-.Ltmp3, $4  }
0x44: {  	[tilespmem:s17], [sflag:$0x1] =	stream.indirect.gather [hbm4b:s4+s16], $0x20, s31, s16, $0xb8;
	[tilespmem:$0xD800] =	vst v63  }
0x45: {  	_ =	swait.ge [sflag:s22], $0x1000  }
0x46: {  	[sflag:s22] =	ssyncset.done $0x0  }
0x47: {  	s24 =	simm.s32 $0x180;
	s23 =	simm.s32 $0x400;
	[sflag:s22] =	ssyncadd.s32 $0xFFFFF000  }
.LBB2_3:
0x48: {  	[tilespmem:s18], [sflag:$0x2] =	stream.indirect.gather [hbm4b:s4+s16], $0x20, s24, s16, $0xb8;
	[tilespmem:$0xD800] =	vst v63  }
0x49: {  	s24 =	smov.u32 s23  }
0x4a: {  	p1 =	seq.s32 s23, $0xC800;
	s23 =	sadd.s32 $0x400, s23;
	_ =	swait.ge [sflag:s19], $0x1000  }
0x4b: {  	s24 =	sshra.s32 s24, $0x2;
	[sflag:s19] =	ssyncset.done $0x0  }
0x4c: {  	s25 =	sadd.s32 $0x3400, s24;
	[sflag:s19] =	ssyncadd.s32 $0xFFFFF000  }
0x4d: {  	[spmem:s2] =	stream.indirect.scatter.add.bf16 [tilespmem:s17], [sflag:$0x3], $0x20, s25, s16, $0xb8;
	[tilespmem:$0xD800] =	vst v63  }
0x4e: {  	_ =	swait.ge [sflag:s20], $0x1000  }
0x4f: {  	[sflag:s20] =	ssyncset.done $0x0  }
0x50: {  	s25 =	sadd.s32 $0x3480, s24;
	[sflag:s20] =	ssyncadd.s32 $0xFFFFF000  }
0x51: {  	[spmem:s2] =	stream.indirect.scatter.add.bf16 [tilespmem:s18], [sflag:$0x4], $0x20, s25, s16, $0xb8;
	[tilespmem:$0xD800] =	vst v63  }
0x52: {  	_ =	swait.ge [sflag:s21], $0x1000  }
0x53: {  	[sflag:s21] =	ssyncset.done $0x0  }
.Ltmp4:
0x54: {  	s25 =	sadd.s32 $0x100, s24;
	[sflag:s21] =	ssyncadd.s32 $0xFFFFF000;
	(pc) =	sbr.rel @!p1 .LBB2_3-.Ltmp4, $4  }
0x55: {  	[tilespmem:s17], [sflag:$0x1] =	stream.indirect.gather [hbm4b:s4+s16], $0x20, s25, s16, $0xb8;
	[tilespmem:$0xD800] =	vst v63  }
0x56: {  	_ =	swait.ge [sflag:s22], $0x1000  }
0x57: {  	[sflag:s22] =	ssyncset.done $0x0  }
0x58: {  	s24 =	sadd.s32 $0x180, s24;
	[sflag:s22] =	ssyncadd.s32 $0xFFFFF000  }
.Ltmp5:
0x59: {  	_ = 	snop;
	(pc) =	sbr.rel .LBB2_4-.Ltmp5, $1  }
0x5a: {  	_ =	sdelay $0x3  }
.LBB2_5:
0x5b: {  	[tilespmem:s23], [sflag:$0x5] =	stream.linear.gather [hbm4b:s7+s23], $0x1C00, $0x38;
	[tilespmem:$0xD800] =	vst v63  }
0x5c: {  	_ =	swait.ge [sflag:s14], $0x1C00  }
0x5d: {  	[sflag:s14] =	ssyncset.done $0x0  }
0x5e: {  	[sflag:s14] =	ssyncadd.s32 $0xFFFFE400  }
0x5f: {  	[tilespmem:s15], [sflag:$0x5] =	stream.linear.gather [hbm4b:s8+s23], $0x1C00, $0x38;
	[tilespmem:$0xD800] =	vst v63  }
0x60: {  	_ =	swait.ge [sflag:s14], $0x1C00  }
0x61: {  	[sflag:s14] =	ssyncset.done $0x0  }
0x62: {  	[sflag:s14] =	ssyncadd.s32 $0xFFFFE400  }
0x63: {  	[tilespmem:s17], [sflag:$0x1] =	stream.indirect.gather [hbm4b:s4+s16], $0x20, s23, s16, $0xb8;
	[tilespmem:$0xD800] =	vst v63  }
0x64: {  	_ = 	snop  }
0x65: {  	[tilespmem:s18], [sflag:$0x2] =	stream.indirect.gather [hbm4b:s4+s16], $0x20, s16, s16, $0xb8;
	[tilespmem:$0xD800] =	vst v63  }
0x66: {  	_ =	swait.ge [sflag:s19], $0x1000  }
0x67: {  	[sflag:s19] =	ssyncset.done $0x0  }
0x68: {  	s29 =	simm.s32 $0x3400;
	[sflag:s19] =	ssyncadd.s32 $0xFFFFF000  }
0x69: {  	[spmem:s2] =	stream.indirect.scatter.add.bf16 [tilespmem:s17], [sflag:$0x3], $0x20, s29, s16, $0xb8;
	[tilespmem:$0xD800] =	vst v63  }
0x6a: {  	_ =	swait.ge [sflag:s20], $0x1000  }
0x6b: {  	[sflag:s20] =	ssyncset.done $0x0  }
0x6c: {  	s30 =	simm.s32 $0x3480;
	[sflag:s20] =	ssyncadd.s32 $0xFFFFF000  }
0x6d: {  	[spmem:s2] =	stream.indirect.scatter.add.bf16 [tilespmem:s18], [sflag:$0x4], $0x20, s30, s16, $0xb8;
	[tilespmem:$0xD800] =	vst v63  }
0x6e: {  	_ =	swait.ge [sflag:s21], $0x1000  }
0x6f: {  	[sflag:s21] =	ssyncset.done $0x0  }
0x70: {  	s31 =	simm.s32 $0x100;
	[sflag:s21] =	ssyncadd.s32 $0xFFFFF000  }
0x71: {  	[tilespmem:s17], [sflag:$0x1] =	stream.indirect.gather [hbm4b:s4+s16], $0x20, s31, s16, $0xb8;
	[tilespmem:$0xD800] =	vst v63  }
0x72: {  	_ =	swait.ge [sflag:s22], $0x1000  }
0x73: {  	[sflag:s22] =	ssyncset.done $0x0  }
0x74: {  	s24 =	simm.s32 $0x180;
	s23 =	simm.s32 $0x400;
	[sflag:s22] =	ssyncadd.s32 $0xFFFFF000  }
.LBB2_6:
0x75: {  	[tilespmem:s18], [sflag:$0x2] =	stream.indirect.gather [hbm4b:s4+s16], $0x20, s24, s16, $0xb8;
	[tilespmem:$0xD800] =	vst v63  }
0x76: {  	s24 =	smov.u32 s23  }
0x77: {  	p1 =	sne.s32 s23, $0x6800;
	s23 =	sadd.s32 $0x400, s23;
	_ =	swait.ge [sflag:s19], $0x1000  }
0x78: {  	s24 =	sshra.s32 s24, $0x2;
	[sflag:s19] =	ssyncset.done $0x0  }
0x79: {  	s25 =	sadd.s32 $0x3400, s24;
	[sflag:s19] =	ssyncadd.s32 $0xFFFFF000  }
0x7a: {  	[spmem:s2] =	stream.indirect.scatter.add.bf16 [tilespmem:s17], [sflag:$0x3], $0x20, s25, s16, $0xb8;
	[tilespmem:$0xD800] =	vst v63  }
0x7b: {  	_ =	swait.ge [sflag:s20], $0x1000  }
0x7c: {  	[sflag:s20] =	ssyncset.done $0x0  }
0x7d: {  	s25 =	sadd.s32 $0x3480, s24;
	[sflag:s20] =	ssyncadd.s32 $0xFFFFF000  }
0x7e: {  	[spmem:s2] =	stream.indirect.scatter.add.bf16 [tilespmem:s18], [sflag:$0x4], $0x20, s25, s16, $0xb8;
	[tilespmem:$0xD800] =	vst v63  }
0x7f: {  	_ =	swait.ge [sflag:s21], $0x1000  }
0x80: {  	[sflag:s21] =	ssyncset.done $0x0  }
.Ltmp6:
0x81: {  	s25 =	sadd.s32 $0x100, s24;
	[sflag:s21] =	ssyncadd.s32 $0xFFFFF000;
	(pc) =	sbr.rel @p1 .LBB2_6-.Ltmp6, $4  }
0x82: {  	[tilespmem:s17], [sflag:$0x1] =	stream.indirect.gather [hbm4b:s4+s16], $0x20, s25, s16, $0xb8;
	[tilespmem:$0xD800] =	vst v63  }
0x83: {  	_ =	swait.ge [sflag:s22], $0x1000  }
0x84: {  	[sflag:s22] =	ssyncset.done $0x0  }
0x85: {  	s24 =	sadd.s32 $0x180, s24;
	[sflag:s22] =	ssyncadd.s32 $0xFFFFF000  }
.Ltmp7:
0x86: {  	(pc) =	sbr.rel .LBB2_8-.Ltmp7, $3  }
0x87: {  	_ =	sdelay $0x1  }
0x88: {  	[tilespmem:s18], [sflag:$0x2] =	stream.indirect.gather [hbm4b:s4+s16], $0x20, s24, s16, $0xb8;
	[tilespmem:$0xD800] =	vst v63  }
0x89: {  	s23 =	simm.s32 $0x4F80;
	s24 =	simm.s32 $0x4F00  }
.LBB2_9:
0x8a: {  	_ =	sfence.sel $0x180000  }
0x8b: {  	[bflag:$0x0] =	sbarrier.arrive $0xFFFF  }
0x8c: {  	p0 =	sne.s32 s1, $0x0;
	_ =	strace $0x9000004D  }
0x8d: {  	s0 =	sadd.s32 @!p0 $0x100000, s0;
	[bflag:$0x2] =	sbarrier.arrive $0xFFFF  }
0x8e: {  	[sflag:s0] =	ssyncadd.tile.s32 @!p0 $0x1;
	_ =	shalt  }
.Lfunc_end2:
_tile_overlayer_lowered:
.L_overlay_start_2:
0x8f: {  	(tag) =	ssettag $0x2  }
0x90: {  	s0 =	rddreg [dreg:$0x0];
	s2 =	stileid.u32  }
0x91: {  	s1 =	rddreg [dreg:$0x1];
	p0 =	sne.s32 s2, $0x0  }
0x92: {  	s3 =	rddreg [dreg:$0x2];
	[bflag:$0x3] =	sbarrier.arrive $0xFFFF;
	s2 =	simm.s32 @!p0 $0x1C05  }
0x93: {  	[timem:s3], [sflag:s2] =	dma.local @!p0 [hbm:s0], s1  }
0x94: {  	s0 =	simm.s32 @!p0 $0x5  }
0x95: {  	_ =	swait.ge @!p0 [sflag:s0], s1  }
0x96: {  	s1 =	ssub.s32 @!p0 $0x0, s1;
	[sflag:s0] =	ssyncset.done @!p0 $0x0  }
0x97: {  	[sflag:s0] =	ssyncadd.s32 @!p0 s1  }
0x98: {  	[bflag:$0x3] =	sbarrier.arrive $0xFFFF  }
0x99: {  	_ =	shalt  }

// kernel: kernel.19.cloned.1.call-start
scs
__scs_entry_jumppad:
0x0: {  	(pc) =	sbr.rel $0x88, $3  }
0x1: {  	(tag) =	ssettag $0x0;
	lr =	simm.s32 $0x1  }
0x2: {  	[smem:$0x3F99] =	sst lr;
	_ =	strace $0xD0000000  }
0x3: {  	_ = 	snop  }
0x4: {  	_ = 	snop  }
0x5: {  	_ = 	snop  }
0x6: {  	_ = 	snop  }
0x7: {  	_ = 	snop  }
__scs_overlays_trampoline_lowered:
0x8: {  	[smem:$0x3FA8] =	sst s0  }
0x9: {  	[smem:$0x3FA9] =	sst s1  }
0xa: {  	[smem:$0x3FAA] =	sst s2  }
0xb: {  	[smem:$0x3FAB] =	sst s3  }
0xc: {  	[smem:$0x3FAC] =	sst s4  }
0xd: {  	[smem:$0x3FAD] =	sst s5  }
0xe: {  	[smem:$0x3FAE] =	sst s6  }
0xf: {  	[smem:$0x3FAF] =	sst s7  }
0x10: {  	[smem:$0x3FB0] =	sst s8  }
0x11: {  	[smem:$0x3FB1] =	sst s9;
	s0 =	simm.s32 @!p0 $0x0  }
0x12: {  	s1 =	sld [smem:$0x3F97];
	s0 =	simm.s32 @p0 $0x1  }
0x13: {  	[smem:$0x3FB2] =	sst s0;
	s0 =	simm.s32 @!p1 $0x0  }
0x14: {  	s2 =	sld [smem:$0x3F96];
	s0 =	simm.s32 @p1 $0x1  }
0x15: {  	[smem:$0x3FB3] =	sst s0;
	s0 =	simm.s32 @!p2 $0x0  }
0x16: {  	s3 =	sld [smem:$0x3FDB];
	s0 =	simm.s32 @p2 $0x1  }
0x17: {  	s4 =	simm.s32 $0x1BF5;
	[smem:$0x3FB5] =	sst s0  }
0x18: {  	s0 =	sld [smem:$0x3F98];
	_ =	swait.ge [sflag:s4], $0x0  }
0x19: {  	s7 =	sld [smem:$0x3F99]  }
0x1a: {  	s8 =	sadd.s32 $0xFFFFE003, lr  }
0x1b: {  	s9 =	sadd.s32 $0xFFFFFEF7, lr;
	s5 =	simm.s32 $0xFFFFFFFF;
	p2 =	slt.u32 s8, $0xFFFFF086  }
0x1c: {  	p1 =	slt.u32 s9, $0xF7A;
	s5 =	simm.s32 @!p2 $0x0  }
0x1d: {  	s5 =	simm.s32 @p1 $0x1;
	p0 =	seq.s32 s7, s2  }
0x1e: {  	s7 =	smul.u32 @!p0 $0xF7A, s2;
	p2 =	seq.s32 @!p0 s5, $0x0  }
0x1f: {  	s9 =	smul.u32 $0xF7A, s1;
	s8 =	simm.s32 @!p0 $0x1BF5;
	p2 =	por !p2, p0  }
0x20: {  	[sflag:s8] =	ssyncset.s32 @!p0 $0xFFFFF086;
	s6 =	sadd.s32 @!p0 s3, s7;
	s7 =	simm.s32 @!p0 $0x108  }
0x21: {  	s3 =	sadd.s32 s3, s9;
	s6 =	sadd.s32 @!p0 $0x88, s6;
	s7 =	simm.s32 @p2 $0x1082  }
0x22: {  	[simem:s7], [sflag:s8] =	dma.local @!p0 [hbm:s6], $0xF7A  }
0x23: {  	s9 =	sor.u32 $0xD0000000, s2;
	s6 =	simm.s32 $0x108;
	_ =	swait.ge @!p0 [sflag:s8], $0x0  }
0x24: {  	s3 =	sadd.s32 $0x88, s3;
	s6 =	simm.s32 @!p1 $0x1082;
	[sflag:s4] =	ssyncset.s32 $0xFFFFF086  }
0x25: {  	[simem:s6], [sflag:s4] =	dma.local [hbm:s3], $0xF7A  }
0x26: {  	[smem:$0x3F99] =	sst s1;
	(tag) =	ssettag s2;
	_ =	strace s9  }
0x27: {  	s1 =	sld [smem:$0x3FA9]  }
0x28: {  	s2 =	sld [smem:$0x3FAA]  }
0x29: {  	s4 =	sld [smem:$0x3FAC]  }
0x2a: {  	p0 =	seq.s32 s5, $0x0;
	s5 =	sld [smem:$0x3FAD]  }
0x2b: {  	s6 =	sld [smem:$0x3FAE]  }
0x2c: {  	s7 =	sld [smem:$0x3FAF]  }
0x2d: {  	s3 =	simm.s32 $0x108;
	s8 =	sld [smem:$0x3FB0]  }
0x2e: {  	s3 =	simm.s32 @!p0 $0x1082;
	s9 =	sld [smem:$0x3FB1]  }
0x2f: {  	lr =	sadd.s32 s0, s3;
	s0 =	sld [smem:$0x3FA8]  }
0x30: {  	s3 =	sld [smem:$0x3FAB]  }
0x31: {  	[smem:$0x3FB4] =	sst s10  }
0x32: {  	s10 =	sld [smem:$0x3FB2];
	_ =	sdelay $0x3  }
0x33: {  	p0 =	seq.s32 s10, $0x1;
	s10 =	sld [smem:$0x3FB4];
	_ =	sdelay $0x3  }
0x34: {  	[smem:$0x3FB4] =	sst s10  }
0x35: {  	s10 =	sld [smem:$0x3FB3];
	_ =	sdelay $0x3  }
0x36: {  	p1 =	seq.s32 s10, $0x1;
	s10 =	sld [smem:$0x3FB4];
	_ =	sdelay $0x3  }
0x37: {  	[smem:$0x3FB4] =	sst s10  }
0x38: {  	s10 =	sld [smem:$0x3FB5]  }
0x39: {  	_ = 	snop;
	(pc) =	sbr.ind lr, $3  }
0x3a: {  	_ = 	snop  }
0x3b: {  	_ = 	snop  }
0x3c: {  	p2 =	seq.s32 s10, $0x1;
	s10 =	sld [smem:$0x3FB4]  }
0x3d: {  	_ =	shalt  }
0x3e: {  	_ =	shalt  }
0x3f: {  	_ =	shalt  }
0x40: {  	_ =	shalt  }
0x41: {  	_ =	shalt  }
0x42: {  	_ =	shalt  }
0x43: {  	_ =	shalt  }
0x44: {  	_ =	shalt  }
0x45: {  	_ =	shalt  }
0x46: {  	_ =	shalt  }
0x47: {  	_ =	shalt  }
0x48: {  	_ =	shalt  }
0x49: {  	_ =	shalt  }
0x4a: {  	_ =	shalt  }
0x4b: {  	_ =	shalt  }
0x4c: {  	_ =	shalt  }
0x4d: {  	_ =	shalt  }
0x4e: {  	_ =	shalt  }
0x4f: {  	_ =	shalt  }
0x50: {  	_ =	shalt  }
0x51: {  	_ =	shalt  }
0x52: {  	_ =	shalt  }
0x53: {  	_ =	shalt  }
0x54: {  	_ =	shalt  }
0x55: {  	_ =	shalt  }
0x56: {  	_ =	shalt  }
0x57: {  	_ =	shalt  }
0x58: {  	_ =	shalt  }
0x59: {  	_ =	shalt  }
0x5a: {  	_ =	shalt  }
0x5b: {  	_ =	shalt  }
0x5c: {  	_ =	shalt  }
0x5d: {  	_ =	shalt  }
0x5e: {  	_ =	shalt  }
0x5f: {  	_ =	shalt  }
0x60: {  	_ =	shalt  }
0x61: {  	_ =	shalt  }
0x62: {  	_ =	shalt  }
0x63: {  	_ =	shalt  }
0x64: {  	_ =	shalt  }
0x65: {  	_ =	shalt  }
0x66: {  	_ =	shalt  }
0x67: {  	_ =	shalt  }
0x68: {  	_ =	shalt  }
0x69: {  	_ =	shalt  }
0x6a: {  	_ =	shalt  }
0x6b: {  	_ =	shalt  }
0x6c: {  	_ =	shalt  }
0x6d: {  	_ =	shalt  }
0x6e: {  	_ =	shalt  }
0x6f: {  	_ =	shalt  }
0x70: {  	_ =	shalt  }
0x71: {  	_ =	shalt  }
0x72: {  	_ =	shalt  }
0x73: {  	_ =	shalt  }
0x74: {  	_ =	shalt  }
0x75: {  	_ =	shalt  }
0x76: {  	_ =	shalt  }
0x77: {  	_ =	shalt  }
0x78: {  	_ =	shalt  }
0x79: {  	_ =	shalt  }
0x7a: {  	_ =	shalt  }
0x7b: {  	_ =	shalt  }
0x7c: {  	_ =	shalt  }
0x7d: {  	_ =	shalt  }
0x7e: {  	_ =	shalt  }
0x7f: {  	_ =	shalt  }
0x80: {  	_ =	shalt  }
0x81: {  	_ =	shalt  }
0x82: {  	_ =	shalt  }
0x83: {  	_ =	shalt  }
0x84: {  	_ =	shalt  }
0x85: {  	_ =	shalt  }
0x86: {  	_ =	shalt  }
0x87: {  	_ =	shalt  }
.Lfunc_end0:
.L_simem_size_0:
called_computation.3_lowered:
.L_overlay_start_0:
0x88: {  	s2 =	sld [smem:$0x3FD9]  }
0x89: {  	s3 =	sld [smem:$0x3FFE];
	_ =	sdelay $0x1  }
0x8a: {  	s1 =	srdreg.scid  }
0x8b: {  	s0 =	sand.u32 $0x1, s1  }
0x8c: {  	s17 =	sshll.u32 s0, $0xA;
	s2 =	sadd.s32 s3, s2  }
0x8d: {  	s2 =	sadd.s32 s2, s17  }
0x8e: {  	[smem:$0x3FC0] =	sst s2  }
0x8f: {  	_ = 	snop  }
0x90: {  	s2 =	sld [smem:$0x3FD0];
	(tm) =	ssettm $0x1  }
0x91: {  	s18 =	sld [smem:$0x3FFB];
	_ =	sdelay $0x3  }
0x92: {  	_ =	strace s18  }
0x93: {  	s3 =	sld [smem:$0x3FFC];
	_ =	sdelay $0x3  }
0x94: {  	_ =	strace s3  }
0x95: {  	s3 =	sld [smem:$0x3FFD];
	_ =	sdelay $0x3  }
0x96: {  	_ =	strace s3  }
0x97: {  	_ =	strace $0x8FFFFFFF  }
0x98: {  	s19 =	sld [smem:$0x3FDB];
	_ =	sdelay $0x1  }
0x99: {  	s4 =	simm.s32 $_scs_section_size  }
0x9a: {  	s5 =	simm.s32 $_size__tile_overlayer_lowered;
	s6 =	simm.s32 $_tile_overlayer_lowered  }
0x9b: {  	s22 =	simm.s32 $0x1BFF;
	s21 =	sshll.u32 s6, $0x1;
	s3 =	sadd.s32 s4, s19  }
0x9c: {  	s7 =	simm.s32 $0x0;
	s20 =	sshll.u32 s5, $0x1;
	s5 =	sadd.s32 s21, s3  }
0x9d: {  	[timem:s7], [sflag:s22] =	dma.local [hbm:s5], s20  }
0x9e: {  	_ =	swait.ge [sflag:s22], s20  }
0x9f: {  	s4 =	ssub.s32 $0x0, s20;
	[sflag:s22] =	ssyncset.done $0x0  }
0xa0: {  	[sflag:s22] =	ssyncadd.s32 s4;
	_ =	sdelay $0x1  }
0xa1: {  	s23 =	simm.s32 $0x1B8B  }
0xa2: {  	_ =	swait.ge [sflag:s23], $0x1  }
0xa3: {  	[sflag:s23] =	ssyncset.done $0x0  }
0xa4: {  	s25 =	simm.s32 $0x1B8E;
	s24 =	sld [smem:$0x3FFE];
	[sflag:s23] =	ssyncadd.s32 $0xFFFFFFFF  }
0xa5: {  	s26 =	simm.s32 $execute0_lowered;
	[smem:$0x3FD2] =	sst s25  }
0xa6: {  	s5 =	sshll.u32 s26, $0x1;
	_ =	strace $0x8000004F;
	[dreg:$0x1] =	wrdreg $0xFFFFFFFF  }
0xa7: {  	s28 =	simm.s32 $_size_execute0_lowered;
	s3 =	sadd.s32 s3, s5;
	[dreg:$0x0] =	wrdreg $0x0  }
0xa8: {  	s5 =	sshll.u32 s28, $0x1;
	[dreg:$0x2] =	wrdreg s3  }
0xa9: {  	[dreg:$0x3] =	wrdreg s5  }
0xaa: {  	[dreg:$0x4] =	wrdreg $0xC0  }
0xab: {  	_ =	task [dreg:s7], $0x5FFFF  }
0xac: {  	[dreg:$0x1] =	wrdreg $0xFFFFFFFF  }
0xad: {  	[dreg:$0x0] =	wrdreg $0x60  }
0xae: {  	[dreg:$0x2] =	wrdreg s24  }
0xaf: {  	[dreg:$0x3] =	wrdreg s2  }
0xb0: {  	[dreg:$0x4] =	wrdreg $0x7E000  }
0xb1: {  	[dreg:$0x5] =	wrdreg $0x9  }
0xb2: {  	_ =	task.clear_ibuf [dreg:s7], $0x6FFFF;
	_ =	strace $0x9000004F  }
0xb3: {  	s29 =	simm.s32 $0x9;
	_ =	strace $0x80000051  }
0xb4: {  	_ =	swait.ge [sflag:s29], $0x1  }
0xb5: {  	[sflag:s29] =	ssyncadd.s32 $0xFFFFFFFF  }
0xb6: {  	_ =	strace $0x90000051  }
0xb7: {  	_ =	sfence  }
0xb8: {  	s30 =	sld [smem:$0x0];
	_ =	sdelay $0x2  }
0xb9: {  	s31 =	sshll.u32 s1, $0xD;
	s1 =	sshrl.u32 s1, $0x2  }
0xba: {  	s3 =	sand.u32 $0x4000, s31;
	s1 =	sadd.s32 s1, s30  }
0xbb: {  	s0 =	sor.u32 s3, s0;
	s1 =	sshll.u32 s1, $0x11  }
0xbc: {  	s0 =	sor.u32 s1, s0  }
0xbd: {  	s0 =	sadd.s32 $0x8F2B, s0  }
0xbe: {  	[sflag:s0] =	ssyncadd.remote.s32 $0x1  }
0xbf: {  	_ =	sfence.sel $0xFFFF  }
0xc0: {  	[dreg:$0x0] =	wrdreg $0xFFFFFFFF;
	(pc) =	sbr.abs _section_cstart, $3  }
0xc1: {  	[dreg:$0x1] =	wrdreg $0xFFFFFFFF  }
0xc2: {  	_ =	task.clear_ibuf [dreg:s7], $0x2FFFF;
	_ =	strace $0x9FFFFFFF  }
0xc3: {  	(tm) =	ssettm $0x7FFFFFFF  }
tec
execute0_lowered:
.L_overlay_start_1:
0x0: {  	(tag) =	ssettag $0x1  }
0x1: {  	s6 =	rddreg [dreg:$0x0]  }
0x2: {  	s10 =	rddreg [dreg:$0x1]  }
0x3: {  	s2 =	rddreg [dreg:$0x2]  }
0x4: {  	s0 =	rddreg [dreg:$0x3];
	s4 =	srdreg.scid  }
0x5: {  	s1 =	stileid.u32;
	s3 =	simm.s32 $0x0;
	s17 =	simm.s32 $0x6600  }
0x6: {  	s18 =	simm.s32 $0x7200;
	s19 =	simm.s32 $0x1;
	s20 =	simm.s32 $0x2  }
0x7: {  	s21 =	simm.s32 $0x3;
	s22 =	simm.s32 $0x4;
	s7 =	smul.u32 $0x7800, s1  }
0x8: {  	s13 =	sand.u32 $0x1, s4;
	[smem:$0x7FF] =	sst s3;
	s12 =	smul.u32 $0x1D00, s1  }
0x9: {  	s4 =	sadd.s32 $0x62800, s6;
	s9 =	sadd.s32 $0x8800, s6;
	s31 =	smul.u32 $0x660, s1  }
0xa: {  	s5 =	sadd.s32 $0x2800, s6;
	s29 =	sshll.u32 s1, $0x6;
	s8 =	smul.u32 $0x78000, s13  }
0xb: {  	_ =	strace $0x80000050;
	s11 =	ssub.s32 $0x2, s13;
	p0 =	sne.s32 s13, $0x0  }
0xc: {  	s26 =	sshrl.u32 s11, $0x1;
	s28 =	sshrl.u32 s12, $0x3;
	s8 =	sadd.s32 s7, s8  }
0xd: {  	s7 =	sshrl.u32 s7, $0x1;
	s15 =	ssub.s32 s11, s26;
	s30 =	sadd.s32 $0x6600, s28  }
.Ltmp0:
0xe: {  	s8 =	sshrl.u32 s8, $0x4;
	s16 =	sadd.s32 s7, s2;
	(pc) =	sbr.rel .LBB2_1-.Ltmp0, $4  }
0xf: {  	s7 =	sadd.s32 s9, s30;
	s9 =	sadd.s32 s9, s31;
	s12 =	smax.u32 s15, $0x1  }
0x10: {  	s15 =	simm.s32 $0x3300;
	s14 =	sadd.s32 s8, s6;
	s6 =	sor.u32 $0x1C05, s29  }
0x11: {  	s8 =	sadd.s32 s10, s30;
	s10 =	sadd.s32 s10, s31;
	s13 =	sshrl.u32 s16, $0x3  }
0x12: {  	s16 =	simm.s32 $0x80;
	s11 =	sadd.s32 $0x69E00, s14;
	s14 =	simm.s32 $0x5  }
.LBB2_4:
0x13: {  	[tilespmem:s18], [sflag:$0x2] =	stream.indirect.gather [hbm4b:s4+s16], $0x18, s24, s16, $0xb8;
	[tilespmem:$0xBA00] =	vst v63  }
0x14: {  	s23 =	simm.s32 $0x6580;
	s24 =	simm.s32 $0x6500  }
.LBB2_8:
0x15: {  	_ =	swait.ge [sflag:s19], $0xC00  }
0x16: {  	[sflag:s19] =	ssyncset.done $0x0  }
0x17: {  	[sflag:s19] =	ssyncadd.s32 $0xFFFFF400  }
0x18: {  	[spmem:s2] =	stream.indirect.scatter.add.bf16 [tilespmem:s17], [sflag:$0x5], $0x18, s24, s16, $0xb8;
	[tilespmem:$0xBA00] =	vst v63  }
0x19: {  	_ =	swait.ge [sflag:s14], $0xC00  }
0x1a: {  	[sflag:s14] =	ssyncset.done $0x0  }
0x1b: {  	[sflag:s14] =	ssyncadd.s32 $0xFFFFF400  }
0x1c: {  	_ =	swait.ge [sflag:s20], $0xC00  }
0x1d: {  	[sflag:s20] =	ssyncset.done $0x0  }
0x1e: {  	[sflag:s20] =	ssyncadd.s32 $0xFFFFF400  }
0x1f: {  	[spmem:s2] =	stream.indirect.scatter.add.bf16 [tilespmem:s18], [sflag:$0x5], $0x18, s23, s16, $0xb8;
	[tilespmem:$0xBA00] =	vst v63  }
0x20: {  	_ =	swait.ge [sflag:s14], $0xC00  }
0x21: {  	s3 =	sadd.s32 $0x1, s3;
	[sflag:s14] =	ssyncset.done $0x0  }
0x22: {  	p1 =	sne.s32 s3, s12;
	[sflag:s14] =	ssyncadd.s32 $0xFFFFF400  }
.Ltmp1:
0x23: {  	[bflag:$0x0] =	sbarrier.arrive $0xFFFF;
	(pc) =	sbr.rel @!p1 .LBB2_9-.Ltmp1, $4  }
0x24: {  	[hbm:s11], [sflag:s6] =	dma.local [spmem:s13], $0x780  }
0x25: {  	_ =	swait.ge [sflag:s14], $0x780  }
0x26: {  	[sflag:s14] =	ssyncset.done $0x0  }
0x27: {  	[sflag:s14] =	ssyncadd.s32 $0xFFFFF880  }
.LBB2_1:
0x28: {  	[spmem:s13], [sflag:s6] =	dma.local [hbm:s5], $0x780  }
.Ltmp2:
0x29: {  	_ =	swait.ge [sflag:s14], $0x780;
	(pc) =	sbr.rel @p0 .LBB2_5-.Ltmp2, $4  }
0x2a: {  	[sflag:s14] =	ssyncset.done $0x0  }
0x2b: {  	[sflag:s14] =	ssyncadd.s32 $0xFFFFF880  }
0x2c: {  	[bflag:$0x0] =	sbarrier.arrive $0xFFFF  }
0x2d: {  	s23 =	simm.s32 $0x0  }
0x2e: {  	[tilespmem:s23], [sflag:$0x5] =	stream.linear.gather [hbm4b:s9+s23], $0x3300, $0x38;
	[tilespmem:$0xBA00] =	vst v63  }
0x2f: {  	_ =	swait.ge [sflag:s14], $0x3300  }
0x30: {  	[sflag:s14] =	ssyncset.done $0x0  }
0x31: {  	[sflag:s14] =	ssyncadd.s32 $0xFFFFCD00  }
0x32: {  	[tilespmem:s15], [sflag:$0x5] =	stream.linear.gather [hbm4b:s10+s23], $0x3300, $0x38;
	[tilespmem:$0xBA00] =	vst v63  }
0x33: {  	_ =	swait.ge [sflag:s14], $0x3300  }
0x34: {  	[sflag:s14] =	ssyncset.done $0x0  }
0x35: {  	[sflag:s14] =	ssyncadd.s32 $0xFFFFCD00  }
0x36: {  	[tilespmem:s17], [sflag:$0x1] =	stream.indirect.gather [hbm4b:s4+s16], $0x18, s23, s16, $0xb8;
	[tilespmem:$0xBA00] =	vst v63  }
0x37: {  	_ = 	snop  }
0x38: {  	[tilespmem:s18], [sflag:$0x2] =	stream.indirect.gather [hbm4b:s4+s16], $0x18, s16, s16, $0xb8;
	[tilespmem:$0xBA00] =	vst v63  }
0x39: {  	_ =	swait.ge [sflag:s19], $0xC00  }
0x3a: {  	[sflag:s19] =	ssyncset.done $0x0  }
0x3b: {  	s29 =	simm.s32 $0x3300;
	[sflag:s19] =	ssyncadd.s32 $0xFFFFF400  }
0x3c: {  	[spmem:s2] =	stream.indirect.scatter.add.bf16 [tilespmem:s17], [sflag:$0x3], $0x18, s29, s16, $0xb8;
	[tilespmem:$0xBA00] =	vst v63  }
0x3d: {  	_ =	swait.ge [sflag:s20], $0xC00  }
0x3e: {  	[sflag:s20] =	ssyncset.done $0x0  }
0x3f: {  	s30 =	simm.s32 $0x3380;
	[sflag:s20] =	ssyncadd.s32 $0xFFFFF400  }
0x40: {  	[spmem:s2] =	stream.indirect.scatter.add.bf16 [tilespmem:s18], [sflag:$0x4], $0x18, s30, s16, $0xb8;
	[tilespmem:$0xBA00] =	vst v63  }
0x41: {  	_ =	swait.ge [sflag:s21], $0xC00  }
0x42: {  	p1 =	por $0x0, $0x0;
	[sflag:s21] =	ssyncset.done $0x0  }
.Ltmp3:
0x43: {  	s31 =	simm.s32 $0x100;
	[sflag:s21] =	ssyncadd.s32 $0xFFFFF400;
	(pc) =	sbr.rel @p1 .LBB2_4-.Ltmp3, $4  }
0x44: {  	[tilespmem:s17], [sflag:$0x1] =	stream.indirect.gather [hbm4b:s4+s16], $0x18, s31, s16, $0xb8;
	[tilespmem:$0xBA00] =	vst v63  }
0x45: {  	_ =	swait.ge [sflag:s22], $0xC00  }
0x46: {  	[sflag:s22] =	ssyncset.done $0x0  }
0x47: {  	s24 =	simm.s32 $0x180;
	s23 =	simm.s32 $0x400;
	[sflag:s22] =	ssyncadd.s32 $0xFFFFF400  }
.LBB2_3:
0x48: {  	[tilespmem:s18], [sflag:$0x2] =	stream.indirect.gather [hbm4b:s4+s16], $0x18, s24, s16, $0xb8;
	[tilespmem:$0xBA00] =	vst v63  }
0x49: {  	s24 =	smov.u32 s23  }
0x4a: {  	p1 =	seq.s32 s23, $0xC400;
	s23 =	sadd.s32 $0x400, s23;
	_ =	swait.ge [sflag:s19], $0xC00  }
0x4b: {  	s24 =	sshra.s32 s24, $0x2;
	[sflag:s19] =	ssyncset.done $0x0  }
0x4c: {  	s25 =	sadd.s32 $0x3300, s24;
	[sflag:s19] =	ssyncadd.s32 $0xFFFFF400  }
0x4d: {  	[spmem:s2] =	stream.indirect.scatter.add.bf16 [tilespmem:s17], [sflag:$0x3], $0x18, s25, s16, $0xb8;
	[tilespmem:$0xBA00] =	vst v63  }
0x4e: {  	_ =	swait.ge [sflag:s20], $0xC00  }
0x4f: {  	[sflag:s20] =	ssyncset.done $0x0  }
0x50: {  	s25 =	sadd.s32 $0x3380, s24;
	[sflag:s20] =	ssyncadd.s32 $0xFFFFF400  }
0x51: {  	[spmem:s2] =	stream.indirect.scatter.add.bf16 [tilespmem:s18], [sflag:$0x4], $0x18, s25, s16, $0xb8;
	[tilespmem:$0xBA00] =	vst v63  }
0x52: {  	_ =	swait.ge [sflag:s21], $0xC00  }
0x53: {  	[sflag:s21] =	ssyncset.done $0x0  }
.Ltmp4:
0x54: {  	s25 =	sadd.s32 $0x100, s24;
	[sflag:s21] =	ssyncadd.s32 $0xFFFFF400;
	(pc) =	sbr.rel @!p1 .LBB2_3-.Ltmp4, $4  }
0x55: {  	[tilespmem:s17], [sflag:$0x1] =	stream.indirect.gather [hbm4b:s4+s16], $0x18, s25, s16, $0xb8;
	[tilespmem:$0xBA00] =	vst v63  }
0x56: {  	_ =	swait.ge [sflag:s22], $0xC00  }
0x57: {  	[sflag:s22] =	ssyncset.done $0x0  }
0x58: {  	s24 =	sadd.s32 $0x180, s24;
	[sflag:s22] =	ssyncadd.s32 $0xFFFFF400  }
.Ltmp5:
0x59: {  	_ = 	snop;
	(pc) =	sbr.rel .LBB2_4-.Ltmp5, $1  }
0x5a: {  	_ =	sdelay $0x3  }
.LBB2_5:
0x5b: {  	[tilespmem:s23], [sflag:$0x5] =	stream.linear.gather [hbm4b:s7+s23], $0x1D00, $0x38;
	[tilespmem:$0xBA00] =	vst v63  }
0x5c: {  	_ =	swait.ge [sflag:s14], $0x1D00  }
0x5d: {  	[sflag:s14] =	ssyncset.done $0x0  }
0x5e: {  	[sflag:s14] =	ssyncadd.s32 $0xFFFFE300  }
0x5f: {  	[tilespmem:s15], [sflag:$0x5] =	stream.linear.gather [hbm4b:s8+s23], $0x1D00, $0x38;
	[tilespmem:$0xBA00] =	vst v63  }
0x60: {  	_ =	swait.ge [sflag:s14], $0x1D00  }
0x61: {  	[sflag:s14] =	ssyncset.done $0x0  }
0x62: {  	[sflag:s14] =	ssyncadd.s32 $0xFFFFE300  }
0x63: {  	[tilespmem:s17], [sflag:$0x1] =	stream.indirect.gather [hbm4b:s4+s16], $0x18, s23, s16, $0xb8;
	[tilespmem:$0xBA00] =	vst v63  }
0x64: {  	_ = 	snop  }
0x65: {  	[tilespmem:s18], [sflag:$0x2] =	stream.indirect.gather [hbm4b:s4+s16], $0x18, s16, s16, $0xb8;
	[tilespmem:$0xBA00] =	vst v63  }
0x66: {  	_ =	swait.ge [sflag:s19], $0xC00  }
0x67: {  	[sflag:s19] =	ssyncset.done $0x0  }
0x68: {  	s29 =	simm.s32 $0x3300;
	[sflag:s19] =	ssyncadd.s32 $0xFFFFF400  }
0x69: {  	[spmem:s2] =	stream.indirect.scatter.add.bf16 [tilespmem:s17], [sflag:$0x3], $0x18, s29, s16, $0xb8;
	[tilespmem:$0xBA00] =	vst v63  }
0x6a: {  	_ =	swait.ge [sflag:s20], $0xC00  }
0x6b: {  	[sflag:s20] =	ssyncset.done $0x0  }
0x6c: {  	s30 =	simm.s32 $0x3380;
	[sflag:s20] =	ssyncadd.s32 $0xFFFFF400  }
0x6d: {  	[spmem:s2] =	stream.indirect.scatter.add.bf16 [tilespmem:s18], [sflag:$0x4], $0x18, s30, s16, $0xb8;
	[tilespmem:$0xBA00] =	vst v63  }
0x6e: {  	_ =	swait.ge [sflag:s21], $0xC00  }
0x6f: {  	[sflag:s21] =	ssyncset.done $0x0  }
0x70: {  	s31 =	simm.s32 $0x100;
	[sflag:s21] =	ssyncadd.s32 $0xFFFFF400  }
0x71: {  	[tilespmem:s17], [sflag:$0x1] =	stream.indirect.gather [hbm4b:s4+s16], $0x18, s31, s16, $0xb8;
	[tilespmem:$0xBA00] =	vst v63  }
0x72: {  	_ =	swait.ge [sflag:s22], $0xC00  }
0x73: {  	[sflag:s22] =	ssyncset.done $0x0  }
0x74: {  	s24 =	simm.s32 $0x180;
	s23 =	simm.s32 $0x400;
	[sflag:s22] =	ssyncadd.s32 $0xFFFFF400  }
.LBB2_6:
0x75: {  	[tilespmem:s18], [sflag:$0x2] =	stream.indirect.gather [hbm4b:s4+s16], $0x18, s24, s16, $0xb8;
	[tilespmem:$0xBA00] =	vst v63  }
0x76: {  	s24 =	smov.u32 s23  }
0x77: {  	p1 =	sne.s32 s23, $0x6C00;
	s23 =	sadd.s32 $0x400, s23;
	_ =	swait.ge [sflag:s19], $0xC00  }
0x78: {  	s24 =	sshra.s32 s24, $0x2;
	[sflag:s19] =	ssyncset.done $0x0  }
0x79: {  	s25 =	sadd.s32 $0x3300, s24;
	[sflag:s19] =	ssyncadd.s32 $0xFFFFF400  }
0x7a: {  	[spmem:s2] =	stream.indirect.scatter.add.bf16 [tilespmem:s17], [sflag:$0x3], $0x18, s25, s16, $0xb8;
	[tilespmem:$0xBA00] =	vst v63  }
0x7b: {  	_ =	swait.ge [sflag:s20], $0xC00  }
0x7c: {  	[sflag:s20] =	ssyncset.done $0x0  }
0x7d: {  	s25 =	sadd.s32 $0x3380, s24;
	[sflag:s20] =	ssyncadd.s32 $0xFFFFF400  }
0x7e: {  	[spmem:s2] =	stream.indirect.scatter.add.bf16 [tilespmem:s18], [sflag:$0x4], $0x18, s25, s16, $0xb8;
	[tilespmem:$0xBA00] =	vst v63  }
0x7f: {  	_ =	swait.ge [sflag:s21], $0xC00  }
0x80: {  	[sflag:s21] =	ssyncset.done $0x0  }
.Ltmp6:
0x81: {  	s25 =	sadd.s32 $0x100, s24;
	[sflag:s21] =	ssyncadd.s32 $0xFFFFF400;
	(pc) =	sbr.rel @p1 .LBB2_6-.Ltmp6, $4  }
0x82: {  	[tilespmem:s17], [sflag:$0x1] =	stream.indirect.gather [hbm4b:s4+s16], $0x18, s25, s16, $0xb8;
	[tilespmem:$0xBA00] =	vst v63  }
0x83: {  	_ =	swait.ge [sflag:s22], $0xC00  }
0x84: {  	[sflag:s22] =	ssyncset.done $0x0  }
0x85: {  	s24 =	sadd.s32 $0x180, s24;
	[sflag:s22] =	ssyncadd.s32 $0xFFFFF400  }
.Ltmp7:
0x86: {  	(pc) =	sbr.rel .LBB2_8-.Ltmp7, $3  }
0x87: {  	_ =	sdelay $0x1  }
0x88: {  	[tilespmem:s18], [sflag:$0x2] =	stream.indirect.gather [hbm4b:s4+s16], $0x18, s24, s16, $0xb8;
	[tilespmem:$0xBA00] =	vst v63  }
0x89: {  	s23 =	simm.s32 $0x4F80;
	s24 =	simm.s32 $0x4F00  }
.LBB2_9:
0x8a: {  	_ =	sfence.sel $0x180000  }
0x8b: {  	[bflag:$0x0] =	sbarrier.arrive $0xFFFF  }
0x8c: {  	p0 =	sne.s32 s1, $0x0;
	_ =	strace $0x90000050  }
0x8d: {  	s0 =	sadd.s32 @!p0 $0x100000, s0;
	[bflag:$0x2] =	sbarrier.arrive $0xFFFF  }
0x8e: {  	[sflag:s0] =	ssyncadd.tile.s32 @!p0 $0x1;
	_ =	shalt  }
.Lfunc_end2:
_tile_overlayer_lowered:
.L_overlay_start_2:
0x8f: {  	(tag) =	ssettag $0x2  }
0x90: {  	s0 =	rddreg [dreg:$0x0];
	s2 =	stileid.u32  }
0x91: {  	s1 =	rddreg [dreg:$0x1];
	p0 =	sne.s32 s2, $0x0  }
0x92: {  	s3 =	rddreg [dreg:$0x2];
	[bflag:$0x3] =	sbarrier.arrive $0xFFFF;
	s2 =	simm.s32 @!p0 $0x1C05  }
0x93: {  	[timem:s3], [sflag:s2] =	dma.local @!p0 [hbm:s0], s1  }
0x94: {  	s0 =	simm.s32 @!p0 $0x5  }
0x95: {  	_ =	swait.ge @!p0 [sflag:s0], s1  }
0x96: {  	s1 =	ssub.s32 @!p0 $0x0, s1;
	[sflag:s0] =	ssyncset.done @!p0 $0x0  }
0x97: {  	[sflag:s0] =	ssyncadd.s32 @!p0 s1  }
0x98: {  	[bflag:$0x3] =	sbarrier.arrive $0xFFFF  }
0x99: {  	_ =	shalt  }

</sc_bundles>
